<compile_context>
chip_gen: v7x
topology: tpu7x:2x2x1
jax: 0.10.2.dev20260603
libtpu: 0.0.44.dev20260713+nightly
codegen_flags: <defaults>
</compile_context>

<pallas_src>
import functools

import jax
import jax.numpy as jnp
from jax import lax
from jax.experimental import pallas as pl
from jax.experimental.pallas import tpu as pltpu, tpu_sc as plsc

D = 64
R = 4096
C = 200
SCALE = 8.0

_info = plsc.get_sparse_core_info()
NC, NS, L = _info.num_cores, _info.num_subcores, _info.num_lanes
NW = NC * NS
R_PER_W = R // NW
NG = 3
NO = 2


def _sc_embed(x_flat, lut_wide):
    mesh = plsc.VectorSubcoreMesh(core_axis_name="c", subcore_axis_name="s")

    @functools.partial(
        pl.kernel,
        mesh=mesh,
        compiler_params=pltpu.CompilerParams(use_tc_tiling_on_sc=True,
                                             needs_layout_passes=False),
        out_type=jax.ShapeDtypeStruct((R, C, D), jnp.float32),
        scratch_types=(
            [pltpu.VMEM((C,), jnp.int32) for _ in range(NG)]
            + [pltpu.VMEM((C, 2 * D), jnp.float32) for _ in range(NG)]
            + [pltpu.VMEM((1, C, D), jnp.float32) for _ in range(NO)]
            + [pltpu.SemaphoreType.DMA for _ in range(2 * NG + NO)]
        ),
    )
    def k(idx_hbm, table_hbm, out_hbm, *bufs_and_sems):
        idxb = bufs_and_sems[:NG]
        pair = bufs_and_sems[NG:2 * NG]
        outb = bufs_and_sems[2 * NG:2 * NG + NO]
        si = bufs_and_sems[2 * NG + NO:3 * NG + NO]
        sg = bufs_and_sems[3 * NG + NO:4 * NG + NO]
        sw = bufs_and_sems[4 * NG + NO:4 * NG + 2 * NO]

        wid = lax.axis_index("s") * NC + lax.axis_index("c")
        base = wid * R_PER_W

        def idx_start(g, b):
            pltpu.async_copy(idx_hbm.at[pl.ds((base + g) * C, C)], idxb[b],
                             si[b])

        def idx_wait(b):
            pltpu.make_async_copy(idx_hbm.at[pl.ds(base * C, C)], idxb[b],
                                  si[b]).wait()

        def gather_start(b):
            pltpu.async_copy(table_hbm.at[idxb[b]], pair[b], sg[b])

        def gather_wait(b):
            pltpu.make_async_copy(table_hbm.at[idxb[b]], pair[b],
                                  sg[b]).wait()

        def wb_start(g, b):
            pltpu.async_copy(outb[b], out_hbm.at[pl.ds(base + g, 1)], sw[b])

        def wb_wait(b):
            pltpu.make_async_copy(outb[b], out_hbm.at[pl.ds(base, 1)],
                                  sw[b]).wait()

        def scale(gb, ob):
            @plsc.parallel_loop(0, C, unroll=16)
            def _row(r):
                for k4 in range(D // L):
                    sl = pl.ds(k4 * L, L)
                    outb[ob][0, r, sl] = pair[gb][r, sl] * SCALE

        for b in range(NG):
            idx_start(b, b)
        for b in range(NG - 1):
            idx_wait(b)
            gather_start(b)

        STEP = NG * NO

        def outer(go, carry):
            for j in range(STEP):
                g = go * STEP + j
                b = j % NG
                gn = (b + NG - 1) % NG
                ob = j % NO

                @pl.when(g + NG - 1 < R_PER_W)
                def _():
                    idx_wait(gn)
                    gather_start(gn)

                gather_wait(b)

                @pl.when(g + NG < R_PER_W)
                def _():
                    idx_start(g + NG, b)

                @pl.when(g >= NO)
                def _():
                    wb_wait(ob)

                scale(b, ob)
                wb_start(g, ob)
            return carry

        lax.fori_loop(0, R_PER_W // STEP, outer, 0)

        done = (R_PER_W // STEP) * STEP
        for g in range(done, R_PER_W):
            b = (g - done) % NG
            gather_wait(b)
            ob = (g - done) % NO
            wb_wait(ob)
            scale(b, ob)
            wb_start(g, ob)
        for b in range(NO):
            wb_wait(b)

    return k(x_flat, lut_wide)


def kernel(x, lut):
    x_flat = x.reshape(-1).astype(jnp.int32)
    lut_wide = jnp.concatenate(
        [lut, jnp.zeros((lut.shape[0], D), jnp.float32)], axis=1)
    return _sc_embed(x_flat, lut_wide)

# --- scband reference (transcript-rebuilt; emitter-appended) ---
"""Pipeline reference for scband-embeddings-11605001633801 (READ-ONLY COPY).

The authoritative reference and input builder live on the scoring server;
editing this copy changes nothing except your own understanding.
"""

import math
import jax, jax.numpy as jnp
import numpy as np

D_MODEL = 64
VOCAB = 1000000

def setup_inputs(seed: int = 0) -> dict:
    key = jax.random.key(seed)
    k_idx, k_tab = jax.random.split(key)
    x = jax.random.randint(k_idx, (4096, 200), 0, VOCAB, dtype=jnp.int64) if jax.config.jax_enable_x64 else jax.random.randint(k_idx, (4096, 200), 0, VOCAB, dtype=jnp.int32)
    lut = jax.random.normal(k_tab, (VOCAB, D_MODEL), dtype=jnp.float32) * 0.02
    return {"x": x, "lut": lut}

def reference(x, lut):
    # Embeddings.forward: self.lut(x) * math.sqrt(self.d_model)
    emb = jnp.take(lut, x, axis=0)
    return emb * math.sqrt(D_MODEL)

if __name__ == "__main__":
    import jax
    _d = setup_inputs()
    print(jax.jit(kernel)(*tuple(_d.values())))

</pallas_src>

<mosaic_0001>
#map = affine_map<(d0, d1) -> (0)>
#map1 = affine_map<(d0, d1) -> (0, 0)>
#map2 = affine_map<(d0, d1) -> (0, 0, 0)>
module attributes {stable_mosaic.version = 14 : i64} {
  func.func @k(%arg0: i32, %arg1: i32, %arg2: memref<819200xi32, #tpu.memory_space<hbm>>, %arg3: memref<1000000x128xf32, #tpu.memory_space<hbm>>, %arg4: memref<4096x200x64xf32, #tpu.memory_space<hbm>>, %arg5: memref<200xi32, #tpu.memory_space<vmem>>, %arg6: memref<200xi32, #tpu.memory_space<vmem>>, %arg7: memref<200xi32, #tpu.memory_space<vmem>>, %arg8: memref<200x128xf32, #tpu.memory_space<vmem>>, %arg9: memref<200x128xf32, #tpu.memory_space<vmem>>, %arg10: memref<200x128xf32, #tpu.memory_space<vmem>>, %arg11: memref<1x200x64xf32, #tpu.memory_space<vmem>>, %arg12: memref<1x200x64xf32, #tpu.memory_space<vmem>>, %arg13: memref<!tpu.dma_semaphore, #tpu.memory_space<semaphore_mem>>, %arg14: memref<!tpu.dma_semaphore, #tpu.memory_space<semaphore_mem>>, %arg15: memref<!tpu.dma_semaphore, #tpu.memory_space<semaphore_mem>>, %arg16: memref<!tpu.dma_semaphore, #tpu.memory_space<semaphore_mem>>, %arg17: memref<!tpu.dma_semaphore, #tpu.memory_space<semaphore_mem>>, %arg18: memref<!tpu.dma_semaphore, #tpu.memory_space<semaphore_mem>>, %arg19: memref<!tpu.dma_semaphore, #tpu.memory_space<semaphore_mem>>, %arg20: memref<!tpu.dma_semaphore, #tpu.memory_space<semaphore_mem>>) attributes {dimension_semantics = [#tpu.dimension_semantics<core_parallel>, #tpu.dimension_semantics<subcore_parallel>], iteration_bounds = array<i64: 2, 16>, scalar_prefetch = 0 : i64, scratch_operands = 16 : i64, tpu.core_type = #tpu.core_type<sc_vector_subcore>, window_params = [{transform_indices = #map}, {transform_indices = #map1}, {transform_indices = #map2}]} {
    %mul3A = arith.constant 2 : i32
    %mul3A_0 = arith.muli %arg1, %mul3A : i32
    %add3A = arith.addi %mul3A_0, %arg0 : i32
    %mul3A_1 = arith.constant 128 : i32
    %mul3A_2 = arith.muli %add3A, %mul3A_1 : i32
    %add3A_3 = arith.constant 0 : i32
    %add3A_4 = arith.addi %mul3A_2, %add3A_3 : i32
    %mul3A_5 = arith.constant 200 : i32
    %mul3A_6 = arith.muli %add3A_4, %mul3A_5 : i32
    %dma_start3A = tpu.memref_slice %arg2[%mul3A_6] : memref<819200xi32, #tpu.memory_space<hbm>> -> memref<200xi32, #tpu.memory_space<hbm>>
    %dma_start3A_7 = tpu.memref_slice %arg2[%mul3A_6] : memref<819200xi32, #tpu.memory_space<hbm>> -> memref<200xi32, #tpu.memory_space<hbm>>
    tpu.enqueue_dma source(%dma_start3A_7 : memref<200xi32, #tpu.memory_space<hbm>>) target(%arg5 : memref<200xi32, #tpu.memory_space<vmem>>) target_semaphore(%arg13 : memref<!tpu.dma_semaphore, #tpu.memory_space<semaphore_mem>>)
    %add3A_8 = arith.constant 1 : i32
    %add3A_9 = arith.addi %mul3A_2, %add3A_8 : i32
    %mul3A_10 = arith.constant 200 : i32
    %mul3A_11 = arith.muli %add3A_9, %mul3A_10 : i32
    %dma_start3A_12 = tpu.memref_slice %arg2[%mul3A_11] : memref<819200xi32, #tpu.memory_space<hbm>> -> memref<200xi32, #tpu.memory_space<hbm>>
    %dma_start3A_13 = tpu.memref_slice %arg2[%mul3A_11] : memref<819200xi32, #tpu.memory_space<hbm>> -> memref<200xi32, #tpu.memory_space<hbm>>
    tpu.enqueue_dma source(%dma_start3A_13 : memref<200xi32, #tpu.memory_space<hbm>>) target(%arg6 : memref<200xi32, #tpu.memory_space<vmem>>) target_semaphore(%arg14 : memref<!tpu.dma_semaphore, #tpu.memory_space<semaphore_mem>>)
    %add3A_14 = arith.constant 2 : i32
    %add3A_15 = arith.addi %mul3A_2, %add3A_14 : i32
    %mul3A_16 = arith.constant 200 : i32
    %mul3A_17 = arith.muli %add3A_15, %mul3A_16 : i32
    %dma_start3A_18 = tpu.memref_slice %arg2[%mul3A_17] : memref<819200xi32, #tpu.memory_space<hbm>> -> memref<200xi32, #tpu.memory_space<hbm>>
    %dma_start3A_19 = tpu.memref_slice %arg2[%mul3A_17] : memref<819200xi32, #tpu.memory_space<hbm>> -> memref<200xi32, #tpu.memory_space<hbm>>
    tpu.enqueue_dma source(%dma_start3A_19 : memref<200xi32, #tpu.memory_space<hbm>>) target(%arg7 : memref<200xi32, #tpu.memory_space<vmem>>) target_semaphore(%arg15 : memref<!tpu.dma_semaphore, #tpu.memory_space<semaphore_mem>>)
    %mul3A_20 = arith.constant 200 : i32
    %mul3A_21 = arith.muli %mul3A_2, %mul3A_20 : i32
    %dma_wait3A = tpu.memref_slice %arg2[%mul3A_21] : memref<819200xi32, #tpu.memory_space<hbm>> -> memref<200xi32, #tpu.memory_space<hbm>>
    %dma_wait3A_22 = tpu.memref_slice %arg2[%mul3A_21] : memref<819200xi32, #tpu.memory_space<hbm>> -> memref<200xi32, #tpu.memory_space<hbm>>
    tpu.wait_dma2 semaphore(%arg13 : memref<!tpu.dma_semaphore, #tpu.memory_space<semaphore_mem>>) src(%dma_wait3A_22 : memref<200xi32, #tpu.memory_space<hbm>>) dst(%arg5 : memref<200xi32, #tpu.memory_space<vmem>>)
    %dma_start3A_23 = arith.constant 0 : i32
    %dma_start3A_24 = arith.constant 0 : i32
    %dma_start3A_25 = tpu.memref_slice %arg3[%dma_start3A_23, %dma_start3A_24] : memref<1000000x128xf32, #tpu.memory_space<hbm>> -> memref<1000000x128xf32, #tpu.memory_space<hbm>>
    tpu.enqueue_indirect_dma source(%dma_start3A_25 : memref<1000000x128xf32, #tpu.memory_space<hbm>>) target(%arg8 : memref<200x128xf32, #tpu.memory_space<vmem>>) offsets(%arg5 : memref<200xi32, #tpu.memory_space<vmem>>) semaphore(%arg16 : memref<!tpu.dma_semaphore, #tpu.memory_space<semaphore_mem>>)
    %mul3A_26 = arith.constant 200 : i32
    %mul3A_27 = arith.muli %mul3A_2, %mul3A_26 : i32
    %dma_wait3A_28 = tpu.memref_slice %arg2[%mul3A_27] : memref<819200xi32, #tpu.memory_space<hbm>> -> memref<200xi32, #tpu.memory_space<hbm>>
    %dma_wait3A_29 = tpu.memref_slice %arg2[%mul3A_27] : memref<819200xi32, #tpu.memory_space<hbm>> -> memref<200xi32, #tpu.memory_space<hbm>>
    tpu.wait_dma2 semaphore(%arg14 : memref<!tpu.dma_semaphore, #tpu.memory_space<semaphore_mem>>) src(%dma_wait3A_29 : memref<200xi32, #tpu.memory_space<hbm>>) dst(%arg6 : memref<200xi32, #tpu.memory_space<vmem>>)
    %dma_start3A_30 = arith.constant 0 : i32
    %dma_start3A_31 = arith.constant 0 : i32
    %dma_start3A_32 = tpu.memref_slice %arg3[%dma_start3A_30, %dma_start3A_31] : memref<1000000x128xf32, #tpu.memory_space<hbm>> -> memref<1000000x128xf32, #tpu.memory_space<hbm>>
    tpu.enqueue_indirect_dma source(%dma_start3A_32 : memref<1000000x128xf32, #tpu.memory_space<hbm>>) target(%arg9 : memref<200x128xf32, #tpu.memory_space<vmem>>) offsets(%arg6 : memref<200xi32, #tpu.memory_space<vmem>>) semaphore(%arg17 : memref<!tpu.dma_semaphore, #tpu.memory_space<semaphore_mem>>)
    %scan3A = arith.constant 0 : i32
    %scan3A_33 = arith.constant 0 : i32
    %scan3A_34 = arith.constant 21 : i32
    %scan3A_35 = arith.addi %scan3A_33, %scan3A_34 : i32
    %scan3A_36 = arith.constant 1 : i32
    scf.for %scan3A_89 = %scan3A_33 to %scan3A_35 step %scan3A_36  : i32 {
      %mul3A_90 = arith.constant 6 : i32
      %mul3A_91 = arith.muli %scan3A_89, %mul3A_90 : i32
      %add3A_92 = arith.constant 0 : i32
      %add3A_93 = arith.addi %mul3A_91, %add3A_92 : i32
      %add3A_94 = arith.constant 3 : i32
      %add3A_95 = arith.addi %add3A_93, %add3A_94 : i32
      %sub3A = arith.constant 1 : i32
      %sub3A_96 = arith.subi %add3A_95, %sub3A : i32
      %lt3A = arith.constant 128 : i32
      %lt3A_97 = arith.cmpi slt, %sub3A_96, %lt3A : i32
      %convert_element_type3A = arith.extui %lt3A_97 : i1 to i32
      %cond3A = arith.constant 0 : i32
      %cond3A_98 = arith.cmpi ne, %convert_element_type3A, %cond3A : i32
      scf.if %cond3A_98 {
        %mul3A_313 = arith.constant 200 : i32
        %mul3A_314 = arith.muli %mul3A_2, %mul3A_313 : i32
        %dma_wait3A_315 = tpu.memref_slice %arg2[%mul3A_314] : memref<819200xi32, #tpu.memory_space<hbm>> -> memref<200xi32, #tpu.memory_space<hbm>>
        %dma_wait3A_316 = tpu.memref_slice %arg2[%mul3A_314] : memref<819200xi32, #tpu.memory_space<hbm>> -> memref<200xi32, #tpu.memory_space<hbm>>
        tpu.wait_dma2 semaphore(%arg15 : memref<!tpu.dma_semaphore, #tpu.memory_space<semaphore_mem>>) src(%dma_wait3A_316 : memref<200xi32, #tpu.memory_space<hbm>>) dst(%arg7 : memref<200xi32, #tpu.memory_space<vmem>>)
        %dma_start3A_317 = arith.constant 0 : i32
        %dma_start3A_318 = arith.constant 0 : i32
        %dma_start3A_319 = tpu.memref_slice %arg3[%dma_start3A_317, %dma_start3A_318] : memref<1000000x128xf32, #tpu.memory_space<hbm>> -> memref<1000000x128xf32, #tpu.memory_space<hbm>>
        tpu.enqueue_indirect_dma source(%dma_start3A_319 : memref<1000000x128xf32, #tpu.memory_space<hbm>>) target(%arg10 : memref<200x128xf32, #tpu.memory_space<vmem>>) offsets(%arg7 : memref<200xi32, #tpu.memory_space<vmem>>) semaphore(%arg18 : memref<!tpu.dma_semaphore, #tpu.memory_space<semaphore_mem>>)
      } else {
      }
      %dma_wait3A_99 = arith.constant 0 : i32
      %dma_wait3A_100 = arith.constant 0 : i32
      %dma_wait3A_101 = tpu.memref_slice %arg3[%dma_wait3A_99, %dma_wait3A_100] : memref<1000000x128xf32, #tpu.memory_space<hbm>> -> memref<1000000x128xf32, #tpu.memory_space<hbm>>
      tpu.wait_indirect_dma semaphore(%arg16 : memref<!tpu.dma_semaphore, #tpu.memory_space<semaphore_mem>>) src(%dma_wait3A_101 : memref<1000000x128xf32, #tpu.memory_space<hbm>>) dst(%arg8 : memref<200x128xf32, #tpu.memory_space<vmem>>)
      %add3A_102 = arith.constant 3 : i32
      %add3A_103 = arith.addi %add3A_93, %add3A_102 : i32
      %lt3A_104 = arith.constant 128 : i32
      %lt3A_105 = arith.cmpi slt, %add3A_103, %lt3A_104 : i32
      %convert_element_type3A_106 = arith.extui %lt3A_105 : i1 to i32
      %cond3A_107 = arith.constant 0 : i32
      %cond3A_108 = arith.cmpi ne, %convert_element_type3A_106, %cond3A_107 : i32
      scf.if %cond3A_108 {
        %add3A_313 = arith.constant 3 : i32
        %add3A_314 = arith.addi %add3A_93, %add3A_313 : i32
        %add3A_315 = arith.addi %mul3A_2, %add3A_314 : i32
        %mul3A_316 = arith.constant 200 : i32
        %mul3A_317 = arith.muli %add3A_315, %mul3A_316 : i32
        %dma_start3A_318 = tpu.memref_slice %arg2[%mul3A_317] : memref<819200xi32, #tpu.memory_space<hbm>> -> memref<200xi32, #tpu.memory_space<hbm>>
        %dma_start3A_319 = tpu.memref_slice %arg2[%mul3A_317] : memref<819200xi32, #tpu.memory_space<hbm>> -> memref<200xi32, #tpu.memory_space<hbm>>
        tpu.enqueue_dma source(%dma_start3A_319 : memref<200xi32, #tpu.memory_space<hbm>>) target(%arg5 : memref<200xi32, #tpu.memory_space<vmem>>) target_semaphore(%arg13 : memref<!tpu.dma_semaphore, #tpu.memory_space<semaphore_mem>>)
      } else {
      }
      %ge3A = arith.constant 2 : i32
      %ge3A_109 = arith.cmpi sge, %add3A_93, %ge3A : i32
      %convert_element_type3A_110 = arith.extui %ge3A_109 : i1 to i32
      %cond3A_111 = arith.constant 0 : i32
      %cond3A_112 = arith.cmpi ne, %convert_element_type3A_110, %cond3A_111 : i32
      scf.if %cond3A_112 {
        %dma_wait3A_313 = arith.constant 0 : i32
        %dma_wait3A_314 = arith.constant 0 : i32
        %dma_wait3A_315 = tpu.memref_slice %arg4[%mul3A_2, %dma_wait3A_313, %dma_wait3A_314] : memref<4096x200x64xf32, #tpu.memory_space<hbm>> -> memref<1x200x64xf32, #tpu.memory_space<hbm>>
        %dma_wait3A_316 = arith.constant 0 : i32
        %dma_wait3A_317 = arith.constant 0 : i32
        %dma_wait3A_318 = tpu.memref_slice %arg4[%mul3A_2, %dma_wait3A_316, %dma_wait3A_317] : memref<4096x200x64xf32, #tpu.memory_space<hbm>> -> memref<1x200x64xf32, #tpu.memory_space<hbm>>
        tpu.wait_dma2 semaphore(%arg19 : memref<!tpu.dma_semaphore, #tpu.memory_space<semaphore_mem>>) src(%arg11 : memref<1x200x64xf32, #tpu.memory_space<vmem>>) dst(%dma_wait3A_318 : memref<1x200x64xf32, #tpu.memory_space<hbm>>)
      } else {
      }
      %parallel_loop3A_113 = arith.constant 0 : i32
      %parallel_loop3A_114 = arith.constant 200 : i32
      %parallel_loop3A_115 = arith.constant 1 : i32
      scf.for %parallel_loop3A_313 = %parallel_loop3A_113 to %parallel_loop3A_114 step %parallel_loop3A_115  : i32 {
        %parallel_loop3A_314 = arith.index_cast %parallel_loop3A_313 : i32 to index
        %parallel_loop3A_315 = arith.constant 0 : index
        %parallel_loop3A_316 = tpu.vector_load %arg8[%parallel_loop3A_314, %parallel_loop3A_315] {strides = array<i32>} : memref<200x128xf32, #tpu.memory_space<vmem>>, vector<16xf32>,
        %parallel_loop3A_317 = arith.constant 8.000000e+00 : f32
        %parallel_loop3A_318 = vector.broadcast %parallel_loop3A_317 : f32 to vector<16xf32>
        %parallel_loop3A_319 = arith.mulf %parallel_loop3A_316, %parallel_loop3A_318 : vector<16xf32>
        %parallel_loop3A_320 = arith.constant 0 : i32
        %parallel_loop3A_321 = arith.index_cast %parallel_loop3A_320 : i32 to index
        %parallel_loop3A_322 = arith.index_cast %parallel_loop3A_313 : i32 to index
        %parallel_loop3A_323 = arith.constant 0 : index
        %parallel_loop3A_324 = tpu.vector_load %arg11[%parallel_loop3A_321, %parallel_loop3A_322, %parallel_loop3A_323] {strides = array<i32>} : memref<1x200x64xf32, #tpu.memory_space<vmem>>, vector<16xf32>,
        tpu.vector_store %arg11[%parallel_loop3A_321, %parallel_loop3A_322, %parallel_loop3A_323], %parallel_loop3A_319 {strides = array<i32>} : memref<1x200x64xf32, #tpu.memory_space<vmem>>, vector<16xf32>,
        %parallel_loop3A_325 = arith.index_cast %parallel_loop3A_313 : i32 to index
        %parallel_loop3A_326 = arith.constant 16 : index
        %parallel_loop3A_327 = tpu.vector_load %arg8[%parallel_loop3A_325, %parallel_loop3A_326] {strides = array<i32>} : memref<200x128xf32, #tpu.memory_space<vmem>>, vector<16xf32>,
        %parallel_loop3A_328 = arith.constant 8.000000e+00 : f32
        %parallel_loop3A_329 = vector.broadcast %parallel_loop3A_328 : f32 to vector<16xf32>
        %parallel_loop3A_330 = arith.mulf %parallel_loop3A_327, %parallel_loop3A_329 : vector<16xf32>
        %parallel_loop3A_331 = arith.constant 0 : i32
        %parallel_loop3A_332 = arith.index_cast %parallel_loop3A_331 : i32 to index
        %parallel_loop3A_333 = arith.index_cast %parallel_loop3A_313 : i32 to index
        %parallel_loop3A_334 = arith.constant 16 : index
        %parallel_loop3A_335 = tpu.vector_load %arg11[%parallel_loop3A_332, %parallel_loop3A_333, %parallel_loop3A_334] {strides = array<i32>} : memref<1x200x64xf32, #tpu.memory_space<vmem>>, vector<16xf32>,
        tpu.vector_store %arg11[%parallel_loop3A_332, %parallel_loop3A_333, %parallel_loop3A_334], %parallel_loop3A_330 {strides = array<i32>} : memref<1x200x64xf32, #tpu.memory_space<vmem>>, vector<16xf32>,
        %parallel_loop3A_336 = arith.index_cast %parallel_loop3A_313 : i32 to index
        %parallel_loop3A_337 = arith.constant 32 : index
        %parallel_loop3A_338 = tpu.vector_load %arg8[%parallel_loop3A_336, %parallel_loop3A_337] {strides = array<i32>} : memref<200x128xf32, #tpu.memory_space<vmem>>, vector<16xf32>,
        %parallel_loop3A_339 = arith.constant 8.000000e+00 : f32
        %parallel_loop3A_340 = vector.broadcast %parallel_loop3A_339 : f32 to vector<16xf32>
        %parallel_loop3A_341 = arith.mulf %parallel_loop3A_338, %parallel_loop3A_340 : vector<16xf32>
        %parallel_loop3A_342 = arith.constant 0 : i32
        %parallel_loop3A_343 = arith.index_cast %parallel_loop3A_342 : i32 to index
        %parallel_loop3A_344 = arith.index_cast %parallel_loop3A_313 : i32 to index
        %parallel_loop3A_345 = arith.constant 32 : index
        %parallel_loop3A_346 = tpu.vector_load %arg11[%parallel_loop3A_343, %parallel_loop3A_344, %parallel_loop3A_345] {strides = array<i32>} : memref<1x200x64xf32, #tpu.memory_space<vmem>>, vector<16xf32>,
        tpu.vector_store %arg11[%parallel_loop3A_343, %parallel_loop3A_344, %parallel_loop3A_345], %parallel_loop3A_341 {strides = array<i32>} : memref<1x200x64xf32, #tpu.memory_space<vmem>>, vector<16xf32>,
        %parallel_loop3A_347 = arith.index_cast %parallel_loop3A_313 : i32 to index
        %parallel_loop3A_348 = arith.constant 48 : index
        %parallel_loop3A_349 = tpu.vector_load %arg8[%parallel_loop3A_347, %parallel_loop3A_348] {strides = array<i32>} : memref<200x128xf32, #tpu.memory_space<vmem>>, vector<16xf32>,
        %parallel_loop3A_350 = arith.constant 8.000000e+00 : f32
        %parallel_loop3A_351 = vector.broadcast %parallel_loop3A_350 : f32 to vector<16xf32>
        %parallel_loop3A_352 = arith.mulf %parallel_loop3A_349, %parallel_loop3A_351 : vector<16xf32>
        %parallel_loop3A_353 = arith.constant 0 : i32
        %parallel_loop3A_354 = arith.index_cast %parallel_loop3A_353 : i32 to index
        %parallel_loop3A_355 = arith.index_cast %parallel_loop3A_313 : i32 to index
        %parallel_loop3A_356 = arith.constant 48 : index
        %parallel_loop3A_357 = tpu.vector_load %arg11[%parallel_loop3A_354, %parallel_loop3A_355, %parallel_loop3A_356] {strides = array<i32>} : memref<1x200x64xf32, #tpu.memory_space<vmem>>, vector<16xf32>,
        tpu.vector_store %arg11[%parallel_loop3A_354, %parallel_loop3A_355, %parallel_loop3A_356], %parallel_loop3A_352 {strides = array<i32>} : memref<1x200x64xf32, #tpu.memory_space<vmem>>, vector<16xf32>,
      } {sc.loop_unroll_factor = 16 : i64, sc.parallel_access}
      %add3A_116 = arith.addi %mul3A_2, %add3A_93 : i32
      %dma_start3A_117 = arith.constant 0 : i32
      %dma_start3A_118 = arith.constant 0 : i32
      %dma_start3A_119 = tpu.memref_slice %arg4[%add3A_116, %dma_start3A_117, %dma_start3A_118] : memref<4096x200x64xf32, #tpu.memory_space<hbm>> -> memref<1x200x64xf32, #tpu.memory_space<hbm>>
      %dma_start3A_120 = arith.constant 0 : i32
      %dma_start3A_121 = arith.constant 0 : i32
      %dma_start3A_122 = tpu.memref_slice %arg4[%add3A_116, %dma_start3A_120, %dma_start3A_121] : memref<4096x200x64xf32, #tpu.memory_space<hbm>> -> memref<1x200x64xf32, #tpu.memory_space<hbm>>
      tpu.enqueue_dma source(%arg11 : memref<1x200x64xf32, #tpu.memory_space<vmem>>) target(%dma_start3A_122 : memref<1x200x64xf32, #tpu.memory_space<hbm>>) target_semaphore(%arg19 : memref<!tpu.dma_semaphore, #tpu.memory_space<semaphore_mem>>)
      %mul3A_123 = arith.constant 6 : i32
      %mul3A_124 = arith.muli %scan3A_89, %mul3A_123 : i32
      %add3A_125 = arith.constant 1 : i32
      %add3A_126 = arith.addi %mul3A_124, %add3A_125 : i32
      %add3A_127 = arith.constant 3 : i32
      %add3A_128 = arith.addi %add3A_126, %add3A_127 : i32
      %sub3A_129 = arith.constant 1 : i32
      %sub3A_130 = arith.subi %add3A_128, %sub3A_129 : i32
      %lt3A_131 = arith.constant 128 : i32
      %lt3A_132 = arith.cmpi slt, %sub3A_130, %lt3A_131 : i32
      %convert_element_type3A_133 = arith.extui %lt3A_132 : i1 to i32
      %cond3A_134 = arith.constant 0 : i32
      %cond3A_135 = arith.cmpi ne, %convert_element_type3A_133, %cond3A_134 : i32
      scf.if %cond3A_135 {
        %mul3A_313 = arith.constant 200 : i32
        %mul3A_314 = arith.muli %mul3A_2, %mul3A_313 : i32
        %dma_wait3A_315 = tpu.memref_slice %arg2[%mul3A_314] : memref<819200xi32, #tpu.memory_space<hbm>> -> memref<200xi32, #tpu.memory_space<hbm>>
        %dma_wait3A_316 = tpu.memref_slice %arg2[%mul3A_314] : memref<819200xi32, #tpu.memory_space<hbm>> -> memref<200xi32, #tpu.memory_space<hbm>>
        tpu.wait_dma2 semaphore(%arg13 : memref<!tpu.dma_semaphore, #tpu.memory_space<semaphore_mem>>) src(%dma_wait3A_316 : memref<200xi32, #tpu.memory_space<hbm>>) dst(%arg5 : memref<200xi32, #tpu.memory_space<vmem>>)
        %dma_start3A_317 = arith.constant 0 : i32
        %dma_start3A_318 = arith.constant 0 : i32
        %dma_start3A_319 = tpu.memref_slice %arg3[%dma_start3A_317, %dma_start3A_318] : memref<1000000x128xf32, #tpu.memory_space<hbm>> -> memref<1000000x128xf32, #tpu.memory_space<hbm>>
        tpu.enqueue_indirect_dma source(%dma_start3A_319 : memref<1000000x128xf32, #tpu.memory_space<hbm>>) target(%arg8 : memref<200x128xf32, #tpu.memory_space<vmem>>) offsets(%arg5 : memref<200xi32, #tpu.memory_space<vmem>>) semaphore(%arg16 : memref<!tpu.dma_semaphore, #tpu.memory_space<semaphore_mem>>)
      } else {
      }
      %dma_wait3A_136 = arith.constant 0 : i32
      %dma_wait3A_137 = arith.constant 0 : i32
      %dma_wait3A_138 = tpu.memref_slice %arg3[%dma_wait3A_136, %dma_wait3A_137] : memref<1000000x128xf32, #tpu.memory_space<hbm>> -> memref<1000000x128xf32, #tpu.memory_space<hbm>>
      tpu.wait_indirect_dma semaphore(%arg17 : memref<!tpu.dma_semaphore, #tpu.memory_space<semaphore_mem>>) src(%dma_wait3A_138 : memref<1000000x128xf32, #tpu.memory_space<hbm>>) dst(%arg9 : memref<200x128xf32, #tpu.memory_space<vmem>>)
      %add3A_139 = arith.constant 3 : i32
      %add3A_140 = arith.addi %add3A_126, %add3A_139 : i32
      %lt3A_141 = arith.constant 128 : i32
      %lt3A_142 = arith.cmpi slt, %add3A_140, %lt3A_141 : i32
      %convert_element_type3A_143 = arith.extui %lt3A_142 : i1 to i32
      %cond3A_144 = arith.constant 0 : i32
      %cond3A_145 = arith.cmpi ne, %convert_element_type3A_143, %cond3A_144 : i32
      scf.if %cond3A_145 {
        %add3A_313 = arith.constant 3 : i32
        %add3A_314 = arith.addi %add3A_126, %add3A_313 : i32
        %add3A_315 = arith.addi %mul3A_2, %add3A_314 : i32
        %mul3A_316 = arith.constant 200 : i32
        %mul3A_317 = arith.muli %add3A_315, %mul3A_316 : i32
        %dma_start3A_318 = tpu.memref_slice %arg2[%mul3A_317] : memref<819200xi32, #tpu.memory_space<hbm>> -> memref<200xi32, #tpu.memory_space<hbm>>
        %dma_start3A_319 = tpu.memref_slice %arg2[%mul3A_317] : memref<819200xi32, #tpu.memory_space<hbm>> -> memref<200xi32, #tpu.memory_space<hbm>>
        tpu.enqueue_dma source(%dma_start3A_319 : memref<200xi32, #tpu.memory_space<hbm>>) target(%arg6 : memref<200xi32, #tpu.memory_space<vmem>>) target_semaphore(%arg14 : memref<!tpu.dma_semaphore, #tpu.memory_space<semaphore_mem>>)
      } else {
      }
      %ge3A_146 = arith.constant 2 : i32
      %ge3A_147 = arith.cmpi sge, %add3A_126, %ge3A_146 : i32
      %convert_element_type3A_148 = arith.extui %ge3A_147 : i1 to i32
      %cond3A_149 = arith.constant 0 : i32
      %cond3A_150 = arith.cmpi ne, %convert_element_type3A_148, %cond3A_149 : i32
      scf.if %cond3A_150 {
        %dma_wait3A_313 = arith.constant 0 : i32
        %dma_wait3A_314 = arith.constant 0 : i32
        %dma_wait3A_315 = tpu.memref_slice %arg4[%mul3A_2, %dma_wait3A_313, %dma_wait3A_314] : memref<4096x200x64xf32, #tpu.memory_space<hbm>> -> memref<1x200x64xf32, #tpu.memory_space<hbm>>
        %dma_wait3A_316 = arith.constant 0 : i32
        %dma_wait3A_317 = arith.constant 0 : i32
        %dma_wait3A_318 = tpu.memref_slice %arg4[%mul3A_2, %dma_wait3A_316, %dma_wait3A_317] : memref<4096x200x64xf32, #tpu.memory_space<hbm>> -> memref<1x200x64xf32, #tpu.memory_space<hbm>>
        tpu.wait_dma2 semaphore(%arg20 : memref<!tpu.dma_semaphore, #tpu.memory_space<semaphore_mem>>) src(%arg12 : memref<1x200x64xf32, #tpu.memory_space<vmem>>) dst(%dma_wait3A_318 : memref<1x200x64xf32, #tpu.memory_space<hbm>>)
      } else {
      }
      %parallel_loop3A_151 = arith.constant 0 : i32
      %parallel_loop3A_152 = arith.constant 200 : i32
      %parallel_loop3A_153 = arith.constant 1 : i32
      scf.for %parallel_loop3A_313 = %parallel_loop3A_151 to %parallel_loop3A_152 step %parallel_loop3A_153  : i32 {
        %parallel_loop3A_314 = arith.index_cast %parallel_loop3A_313 : i32 to index
        %parallel_loop3A_315 = arith.constant 0 : index
        %parallel_loop3A_316 = tpu.vector_load %arg9[%parallel_loop3A_314, %parallel_loop3A_315] {strides = array<i32>} : memref<200x128xf32, #tpu.memory_space<vmem>>, vector<16xf32>,
        %parallel_loop3A_317 = arith.constant 8.000000e+00 : f32
        %parallel_loop3A_318 = vector.broadcast %parallel_loop3A_317 : f32 to vector<16xf32>
        %parallel_loop3A_319 = arith.mulf %parallel_loop3A_316, %parallel_loop3A_318 : vector<16xf32>
        %parallel_loop3A_320 = arith.constant 0 : i32
        %parallel_loop3A_321 = arith.index_cast %parallel_loop3A_320 : i32 to index
        %parallel_loop3A_322 = arith.index_cast %parallel_loop3A_313 : i32 to index
        %parallel_loop3A_323 = arith.constant 0 : index
        %parallel_loop3A_324 = tpu.vector_load %arg12[%parallel_loop3A_321, %parallel_loop3A_322, %parallel_loop3A_323] {strides = array<i32>} : memref<1x200x64xf32, #tpu.memory_space<vmem>>, vector<16xf32>,
        tpu.vector_store %arg12[%parallel_loop3A_321, %parallel_loop3A_322, %parallel_loop3A_323], %parallel_loop3A_319 {strides = array<i32>} : memref<1x200x64xf32, #tpu.memory_space<vmem>>, vector<16xf32>,
        %parallel_loop3A_325 = arith.index_cast %parallel_loop3A_313 : i32 to index
        %parallel_loop3A_326 = arith.constant 16 : index
        %parallel_loop3A_327 = tpu.vector_load %arg9[%parallel_loop3A_325, %parallel_loop3A_326] {strides = array<i32>} : memref<200x128xf32, #tpu.memory_space<vmem>>, vector<16xf32>,
        %parallel_loop3A_328 = arith.constant 8.000000e+00 : f32
        %parallel_loop3A_329 = vector.broadcast %parallel_loop3A_328 : f32 to vector<16xf32>
        %parallel_loop3A_330 = arith.mulf %parallel_loop3A_327, %parallel_loop3A_329 : vector<16xf32>
        %parallel_loop3A_331 = arith.constant 0 : i32
        %parallel_loop3A_332 = arith.index_cast %parallel_loop3A_331 : i32 to index
        %parallel_loop3A_333 = arith.index_cast %parallel_loop3A_313 : i32 to index
        %parallel_loop3A_334 = arith.constant 16 : index
        %parallel_loop3A_335 = tpu.vector_load %arg12[%parallel_loop3A_332, %parallel_loop3A_333, %parallel_loop3A_334] {strides = array<i32>} : memref<1x200x64xf32, #tpu.memory_space<vmem>>, vector<16xf32>,
        tpu.vector_store %arg12[%parallel_loop3A_332, %parallel_loop3A_333, %parallel_loop3A_334], %parallel_loop3A_330 {strides = array<i32>} : memref<1x200x64xf32, #tpu.memory_space<vmem>>, vector<16xf32>,
        %parallel_loop3A_336 = arith.index_cast %parallel_loop3A_313 : i32 to index
        %parallel_loop3A_337 = arith.constant 32 : index
        %parallel_loop3A_338 = tpu.vector_load %arg9[%parallel_loop3A_336, %parallel_loop3A_337] {strides = array<i32>} : memref<200x128xf32, #tpu.memory_space<vmem>>, vector<16xf32>,
        %parallel_loop3A_339 = arith.constant 8.000000e+00 : f32
        %parallel_loop3A_340 = vector.broadcast %parallel_loop3A_339 : f32 to vector<16xf32>
        %parallel_loop3A_341 = arith.mulf %parallel_loop3A_338, %parallel_loop3A_340 : vector<16xf32>
        %parallel_loop3A_342 = arith.constant 0 : i32
        %parallel_loop3A_343 = arith.index_cast %parallel_loop3A_342 : i32 to index
        %parallel_loop3A_344 = arith.index_cast %parallel_loop3A_313 : i32 to index
        %parallel_loop3A_345 = arith.constant 32 : index
        %parallel_loop3A_346 = tpu.vector_load %arg12[%parallel_loop3A_343, %parallel_loop3A_344, %parallel_loop3A_345] {strides = array<i32>} : memref<1x200x64xf32, #tpu.memory_space<vmem>>, vector<16xf32>,
        tpu.vector_store %arg12[%parallel_loop3A_343, %parallel_loop3A_344, %parallel_loop3A_345], %parallel_loop3A_341 {strides = array<i32>} : memref<1x200x64xf32, #tpu.memory_space<vmem>>, vector<16xf32>,
        %parallel_loop3A_347 = arith.index_cast %parallel_loop3A_313 : i32 to index
        %parallel_loop3A_348 = arith.constant 48 : index
        %parallel_loop3A_349 = tpu.vector_load %arg9[%parallel_loop3A_347, %parallel_loop3A_348] {strides = array<i32>} : memref<200x128xf32, #tpu.memory_space<vmem>>, vector<16xf32>,
        %parallel_loop3A_350 = arith.constant 8.000000e+00 : f32
        %parallel_loop3A_351 = vector.broadcast %parallel_loop3A_350 : f32 to vector<16xf32>
        %parallel_loop3A_352 = arith.mulf %parallel_loop3A_349, %parallel_loop3A_351 : vector<16xf32>
        %parallel_loop3A_353 = arith.constant 0 : i32
        %parallel_loop3A_354 = arith.index_cast %parallel_loop3A_353 : i32 to index
        %parallel_loop3A_355 = arith.index_cast %parallel_loop3A_313 : i32 to index
        %parallel_loop3A_356 = arith.constant 48 : index
        %parallel_loop3A_357 = tpu.vector_load %arg12[%parallel_loop3A_354, %parallel_loop3A_355, %parallel_loop3A_356] {strides = array<i32>} : memref<1x200x64xf32, #tpu.memory_space<vmem>>, vector<16xf32>,
        tpu.vector_store %arg12[%parallel_loop3A_354, %parallel_loop3A_355, %parallel_loop3A_356], %parallel_loop3A_352 {strides = array<i32>} : memref<1x200x64xf32, #tpu.memory_space<vmem>>, vector<16xf32>,
      } {sc.loop_unroll_factor = 16 : i64, sc.parallel_access}
      %add3A_154 = arith.addi %mul3A_2, %add3A_126 : i32
      %dma_start3A_155 = arith.constant 0 : i32
      %dma_start3A_156 = arith.constant 0 : i32
      %dma_start3A_157 = tpu.memref_slice %arg4[%add3A_154, %dma_start3A_155, %dma_start3A_156] : memref<4096x200x64xf32, #tpu.memory_space<hbm>> -> memref<1x200x64xf32, #tpu.memory_space<hbm>>
      %dma_start3A_158 = arith.constant 0 : i32
      %dma_start3A_159 = arith.constant 0 : i32
      %dma_start3A_160 = tpu.memref_slice %arg4[%add3A_154, %dma_start3A_158, %dma_start3A_159] : memref<4096x200x64xf32, #tpu.memory_space<hbm>> -> memref<1x200x64xf32, #tpu.memory_space<hbm>>
      tpu.enqueue_dma source(%arg12 : memref<1x200x64xf32, #tpu.memory_space<vmem>>) target(%dma_start3A_160 : memref<1x200x64xf32, #tpu.memory_space<hbm>>) target_semaphore(%arg20 : memref<!tpu.dma_semaphore, #tpu.memory_space<semaphore_mem>>)
      %mul3A_161 = arith.constant 6 : i32
      %mul3A_162 = arith.muli %scan3A_89, %mul3A_161 : i32
      %add3A_163 = arith.constant 2 : i32
      %add3A_164 = arith.addi %mul3A_162, %add3A_163 : i32
      %add3A_165 = arith.constant 3 : i32
      %add3A_166 = arith.addi %add3A_164, %add3A_165 : i32
      %sub3A_167 = arith.constant 1 : i32
      %sub3A_168 = arith.subi %add3A_166, %sub3A_167 : i32
      %lt3A_169 = arith.constant 128 : i32
      %lt3A_170 = arith.cmpi slt, %sub3A_168, %lt3A_169 : i32
      %convert_element_type3A_171 = arith.extui %lt3A_170 : i1 to i32
      %cond3A_172 = arith.constant 0 : i32
      %cond3A_173 = arith.cmpi ne, %convert_element_type3A_171, %cond3A_172 : i32
      scf.if %cond3A_173 {
        %mul3A_313 = arith.constant 200 : i32
        %mul3A_314 = arith.muli %mul3A_2, %mul3A_313 : i32
        %dma_wait3A_315 = tpu.memref_slice %arg2[%mul3A_314] : memref<819200xi32, #tpu.memory_space<hbm>> -> memref<200xi32, #tpu.memory_space<hbm>>
        %dma_wait3A_316 = tpu.memref_slice %arg2[%mul3A_314] : memref<819200xi32, #tpu.memory_space<hbm>> -> memref<200xi32, #tpu.memory_space<hbm>>
        tpu.wait_dma2 semaphore(%arg14 : memref<!tpu.dma_semaphore, #tpu.memory_space<semaphore_mem>>) src(%dma_wait3A_316 : memref<200xi32, #tpu.memory_space<hbm>>) dst(%arg6 : memref<200xi32, #tpu.memory_space<vmem>>)
        %dma_start3A_317 = arith.constant 0 : i32
        %dma_start3A_318 = arith.constant 0 : i32
        %dma_start3A_319 = tpu.memref_slice %arg3[%dma_start3A_317, %dma_start3A_318] : memref<1000000x128xf32, #tpu.memory_space<hbm>> -> memref<1000000x128xf32, #tpu.memory_space<hbm>>
        tpu.enqueue_indirect_dma source(%dma_start3A_319 : memref<1000000x128xf32, #tpu.memory_space<hbm>>) target(%arg9 : memref<200x128xf32, #tpu.memory_space<vmem>>) offsets(%arg6 : memref<200xi32, #tpu.memory_space<vmem>>) semaphore(%arg17 : memref<!tpu.dma_semaphore, #tpu.memory_space<semaphore_mem>>)
      } else {
      }
      %dma_wait3A_174 = arith.constant 0 : i32
      %dma_wait3A_175 = arith.constant 0 : i32
      %dma_wait3A_176 = tpu.memref_slice %arg3[%dma_wait3A_174, %dma_wait3A_175] : memref<1000000x128xf32, #tpu.memory_space<hbm>> -> memref<1000000x128xf32, #tpu.memory_space<hbm>>
      tpu.wait_indirect_dma semaphore(%arg18 : memref<!tpu.dma_semaphore, #tpu.memory_space<semaphore_mem>>) src(%dma_wait3A_176 : memref<1000000x128xf32, #tpu.memory_space<hbm>>) dst(%arg10 : memref<200x128xf32, #tpu.memory_space<vmem>>)
      %add3A_177 = arith.constant 3 : i32
      %add3A_178 = arith.addi %add3A_164, %add3A_177 : i32
      %lt3A_179 = arith.constant 128 : i32
      %lt3A_180 = arith.cmpi slt, %add3A_178, %lt3A_179 : i32
      %convert_element_type3A_181 = arith.extui %lt3A_180 : i1 to i32
      %cond3A_182 = arith.constant 0 : i32
      %cond3A_183 = arith.cmpi ne, %convert_element_type3A_181, %cond3A_182 : i32
      scf.if %cond3A_183 {
        %add3A_313 = arith.constant 3 : i32
        %add3A_314 = arith.addi %add3A_164, %add3A_313 : i32
        %add3A_315 = arith.addi %mul3A_2, %add3A_314 : i32
        %mul3A_316 = arith.constant 200 : i32
        %mul3A_317 = arith.muli %add3A_315, %mul3A_316 : i32
        %dma_start3A_318 = tpu.memref_slice %arg2[%mul3A_317] : memref<819200xi32, #tpu.memory_space<hbm>> -> memref<200xi32, #tpu.memory_space<hbm>>
        %dma_start3A_319 = tpu.memref_slice %arg2[%mul3A_317] : memref<819200xi32, #tpu.memory_space<hbm>> -> memref<200xi32, #tpu.memory_space<hbm>>
        tpu.enqueue_dma source(%dma_start3A_319 : memref<200xi32, #tpu.memory_space<hbm>>) target(%arg7 : memref<200xi32, #tpu.memory_space<vmem>>) target_semaphore(%arg15 : memref<!tpu.dma_semaphore, #tpu.memory_space<semaphore_mem>>)
      } else {
      }
      %ge3A_184 = arith.constant 2 : i32
      %ge3A_185 = arith.cmpi sge, %add3A_164, %ge3A_184 : i32
      %convert_element_type3A_186 = arith.extui %ge3A_185 : i1 to i32
      %cond3A_187 = arith.constant 0 : i32
      %cond3A_188 = arith.cmpi ne, %convert_element_type3A_186, %cond3A_187 : i32
      scf.if %cond3A_188 {
        %dma_wait3A_313 = arith.constant 0 : i32
        %dma_wait3A_314 = arith.constant 0 : i32
        %dma_wait3A_315 = tpu.memref_slice %arg4[%mul3A_2, %dma_wait3A_313, %dma_wait3A_314] : memref<4096x200x64xf32, #tpu.memory_space<hbm>> -> memref<1x200x64xf32, #tpu.memory_space<hbm>>
        %dma_wait3A_316 = arith.constant 0 : i32
        %dma_wait3A_317 = arith.constant 0 : i32
        %dma_wait3A_318 = tpu.memref_slice %arg4[%mul3A_2, %dma_wait3A_316, %dma_wait3A_317] : memref<4096x200x64xf32, #tpu.memory_space<hbm>> -> memref<1x200x64xf32, #tpu.memory_space<hbm>>
        tpu.wait_dma2 semaphore(%arg19 : memref<!tpu.dma_semaphore, #tpu.memory_space<semaphore_mem>>) src(%arg11 : memref<1x200x64xf32, #tpu.memory_space<vmem>>) dst(%dma_wait3A_318 : memref<1x200x64xf32, #tpu.memory_space<hbm>>)
      } else {
      }
      %parallel_loop3A_189 = arith.constant 0 : i32
      %parallel_loop3A_190 = arith.constant 200 : i32
      %parallel_loop3A_191 = arith.constant 1 : i32
      scf.for %parallel_loop3A_313 = %parallel_loop3A_189 to %parallel_loop3A_190 step %parallel_loop3A_191  : i32 {
        %parallel_loop3A_314 = arith.index_cast %parallel_loop3A_313 : i32 to index
        %parallel_loop3A_315 = arith.constant 0 : index
        %parallel_loop3A_316 = tpu.vector_load %arg10[%parallel_loop3A_314, %parallel_loop3A_315] {strides = array<i32>} : memref<200x128xf32, #tpu.memory_space<vmem>>, vector<16xf32>,
        %parallel_loop3A_317 = arith.constant 8.000000e+00 : f32
        %parallel_loop3A_318 = vector.broadcast %parallel_loop3A_317 : f32 to vector<16xf32>
        %parallel_loop3A_319 = arith.mulf %parallel_loop3A_316, %parallel_loop3A_318 : vector<16xf32>
        %parallel_loop3A_320 = arith.constant 0 : i32
        %parallel_loop3A_321 = arith.index_cast %parallel_loop3A_320 : i32 to index
        %parallel_loop3A_322 = arith.index_cast %parallel_loop3A_313 : i32 to index
        %parallel_loop3A_323 = arith.constant 0 : index
        %parallel_loop3A_324 = tpu.vector_load %arg11[%parallel_loop3A_321, %parallel_loop3A_322, %parallel_loop3A_323] {strides = array<i32>} : memref<1x200x64xf32, #tpu.memory_space<vmem>>, vector<16xf32>,
        tpu.vector_store %arg11[%parallel_loop3A_321, %parallel_loop3A_322, %parallel_loop3A_323], %parallel_loop3A_319 {strides = array<i32>} : memref<1x200x64xf32, #tpu.memory_space<vmem>>, vector<16xf32>,
        %parallel_loop3A_325 = arith.index_cast %parallel_loop3A_313 : i32 to index
        %parallel_loop3A_326 = arith.constant 16 : index
        %parallel_loop3A_327 = tpu.vector_load %arg10[%parallel_loop3A_325, %parallel_loop3A_326] {strides = array<i32>} : memref<200x128xf32, #tpu.memory_space<vmem>>, vector<16xf32>,
        %parallel_loop3A_328 = arith.constant 8.000000e+00 : f32
        %parallel_loop3A_329 = vector.broadcast %parallel_loop3A_328 : f32 to vector<16xf32>
        %parallel_loop3A_330 = arith.mulf %parallel_loop3A_327, %parallel_loop3A_329 : vector<16xf32>
        %parallel_loop3A_331 = arith.constant 0 : i32
        %parallel_loop3A_332 = arith.index_cast %parallel_loop3A_331 : i32 to index
        %parallel_loop3A_333 = arith.index_cast %parallel_loop3A_313 : i32 to index
        %parallel_loop3A_334 = arith.constant 16 : index
        %parallel_loop3A_335 = tpu.vector_load %arg11[%parallel_loop3A_332, %parallel_loop3A_333, %parallel_loop3A_334] {strides = array<i32>} : memref<1x200x64xf32, #tpu.memory_space<vmem>>, vector<16xf32>,
        tpu.vector_store %arg11[%parallel_loop3A_332, %parallel_loop3A_333, %parallel_loop3A_334], %parallel_loop3A_330 {strides = array<i32>} : memref<1x200x64xf32, #tpu.memory_space<vmem>>, vector<16xf32>,
        %parallel_loop3A_336 = arith.index_cast %parallel_loop3A_313 : i32 to index
        %parallel_loop3A_337 = arith.constant 32 : index
        %parallel_loop3A_338 = tpu.vector_load %arg10[%parallel_loop3A_336, %parallel_loop3A_337] {strides = array<i32>} : memref<200x128xf32, #tpu.memory_space<vmem>>, vector<16xf32>,
        %parallel_loop3A_339 = arith.constant 8.000000e+00 : f32
        %parallel_loop3A_340 = vector.broadcast %parallel_loop3A_339 : f32 to vector<16xf32>
        %parallel_loop3A_341 = arith.mulf %parallel_loop3A_338, %parallel_loop3A_340 : vector<16xf32>
        %parallel_loop3A_342 = arith.constant 0 : i32
        %parallel_loop3A_343 = arith.index_cast %parallel_loop3A_342 : i32 to index
        %parallel_loop3A_344 = arith.index_cast %parallel_loop3A_313 : i32 to index
        %parallel_loop3A_345 = arith.constant 32 : index
        %parallel_loop3A_346 = tpu.vector_load %arg11[%parallel_loop3A_343, %parallel_loop3A_344, %parallel_loop3A_345] {strides = array<i32>} : memref<1x200x64xf32, #tpu.memory_space<vmem>>, vector<16xf32>,
        tpu.vector_store %arg11[%parallel_loop3A_343, %parallel_loop3A_344, %parallel_loop3A_345], %parallel_loop3A_341 {strides = array<i32>} : memref<1x200x64xf32, #tpu.memory_space<vmem>>, vector<16xf32>,
        %parallel_loop3A_347 = arith.index_cast %parallel_loop3A_313 : i32 to index
        %parallel_loop3A_348 = arith.constant 48 : index
        %parallel_loop3A_349 = tpu.vector_load %arg10[%parallel_loop3A_347, %parallel_loop3A_348] {strides = array<i32>} : memref<200x128xf32, #tpu.memory_space<vmem>>, vector<16xf32>,
        %parallel_loop3A_350 = arith.constant 8.000000e+00 : f32
        %parallel_loop3A_351 = vector.broadcast %parallel_loop3A_350 : f32 to vector<16xf32>
        %parallel_loop3A_352 = arith.mulf %parallel_loop3A_349, %parallel_loop3A_351 : vector<16xf32>
        %parallel_loop3A_353 = arith.constant 0 : i32
        %parallel_loop3A_354 = arith.index_cast %parallel_loop3A_353 : i32 to index
        %parallel_loop3A_355 = arith.index_cast %parallel_loop3A_313 : i32 to index
        %parallel_loop3A_356 = arith.constant 48 : index
        %parallel_loop3A_357 = tpu.vector_load %arg11[%parallel_loop3A_354, %parallel_loop3A_355, %parallel_loop3A_356] {strides = array<i32>} : memref<1x200x64xf32, #tpu.memory_space<vmem>>, vector<16xf32>,
        tpu.vector_store %arg11[%parallel_loop3A_354, %parallel_loop3A_355, %parallel_loop3A_356], %parallel_loop3A_352 {strides = array<i32>} : memref<1x200x64xf32, #tpu.memory_space<vmem>>, vector<16xf32>,
      } {sc.loop_unroll_factor = 16 : i64, sc.parallel_access}
      %add3A_192 = arith.addi %mul3A_2, %add3A_164 : i32
      %dma_start3A_193 = arith.constant 0 : i32
      %dma_start3A_194 = arith.constant 0 : i32
      %dma_start3A_195 = tpu.memref_slice %arg4[%add3A_192, %dma_start3A_193, %dma_start3A_194] : memref<4096x200x64xf32, #tpu.memory_space<hbm>> -> memref<1x200x64xf32, #tpu.memory_space<hbm>>
      %dma_start3A_196 = arith.constant 0 : i32
      %dma_start3A_197 = arith.constant 0 : i32
      %dma_start3A_198 = tpu.memref_slice %arg4[%add3A_192, %dma_start3A_196, %dma_start3A_197] : memref<4096x200x64xf32, #tpu.memory_space<hbm>> -> memref<1x200x64xf32, #tpu.memory_space<hbm>>
      tpu.enqueue_dma source(%arg11 : memref<1x200x64xf32, #tpu.memory_space<vmem>>) target(%dma_start3A_198 : memref<1x200x64xf32, #tpu.memory_space<hbm>>) target_semaphore(%arg19 : memref<!tpu.dma_semaphore, #tpu.memory_space<semaphore_mem>>)
      %mul3A_199 = arith.constant 6 : i32
      %mul3A_200 = arith.muli %scan3A_89, %mul3A_199 : i32
      %add3A_201 = arith.constant 3 : i32
      %add3A_202 = arith.addi %mul3A_200, %add3A_201 : i32
      %add3A_203 = arith.constant 3 : i32
      %add3A_204 = arith.addi %add3A_202, %add3A_203 : i32
      %sub3A_205 = arith.constant 1 : i32
      %sub3A_206 = arith.subi %add3A_204, %sub3A_205 : i32
      %lt3A_207 = arith.constant 128 : i32
      %lt3A_208 = arith.cmpi slt, %sub3A_206, %lt3A_207 : i32
      %convert_element_type3A_209 = arith.extui %lt3A_208 : i1 to i32
      %cond3A_210 = arith.constant 0 : i32
      %cond3A_211 = arith.cmpi ne, %convert_element_type3A_209, %cond3A_210 : i32
      scf.if %cond3A_211 {
        %mul3A_313 = arith.constant 200 : i32
        %mul3A_314 = arith.muli %mul3A_2, %mul3A_313 : i32
        %dma_wait3A_315 = tpu.memref_slice %arg2[%mul3A_314] : memref<819200xi32, #tpu.memory_space<hbm>> -> memref<200xi32, #tpu.memory_space<hbm>>
        %dma_wait3A_316 = tpu.memref_slice %arg2[%mul3A_314] : memref<819200xi32, #tpu.memory_space<hbm>> -> memref<200xi32, #tpu.memory_space<hbm>>
        tpu.wait_dma2 semaphore(%arg15 : memref<!tpu.dma_semaphore, #tpu.memory_space<semaphore_mem>>) src(%dma_wait3A_316 : memref<200xi32, #tpu.memory_space<hbm>>) dst(%arg7 : memref<200xi32, #tpu.memory_space<vmem>>)
        %dma_start3A_317 = arith.constant 0 : i32
        %dma_start3A_318 = arith.constant 0 : i32
        %dma_start3A_319 = tpu.memref_slice %arg3[%dma_start3A_317, %dma_start3A_318] : memref<1000000x128xf32, #tpu.memory_space<hbm>> -> memref<1000000x128xf32, #tpu.memory_space<hbm>>
        tpu.enqueue_indirect_dma source(%dma_start3A_319 : memref<1000000x128xf32, #tpu.memory_space<hbm>>) target(%arg10 : memref<200x128xf32, #tpu.memory_space<vmem>>) offsets(%arg7 : memref<200xi32, #tpu.memory_space<vmem>>) semaphore(%arg18 : memref<!tpu.dma_semaphore, #tpu.memory_space<semaphore_mem>>)
      } else {
      }
      %dma_wait3A_212 = arith.constant 0 : i32
      %dma_wait3A_213 = arith.constant 0 : i32
      %dma_wait3A_214 = tpu.memref_slice %arg3[%dma_wait3A_212, %dma_wait3A_213] : memref<1000000x128xf32, #tpu.memory_space<hbm>> -> memref<1000000x128xf32, #tpu.memory_space<hbm>>
      tpu.wait_indirect_dma semaphore(%arg16 : memref<!tpu.dma_semaphore, #tpu.memory_space<semaphore_mem>>) src(%dma_wait3A_214 : memref<1000000x128xf32, #tpu.memory_space<hbm>>) dst(%arg8 : memref<200x128xf32, #tpu.memory_space<vmem>>)
      %add3A_215 = arith.constant 3 : i32
      %add3A_216 = arith.addi %add3A_202, %add3A_215 : i32
      %lt3A_217 = arith.constant 128 : i32
      %lt3A_218 = arith.cmpi slt, %add3A_216, %lt3A_217 : i32
      %convert_element_type3A_219 = arith.extui %lt3A_218 : i1 to i32
      %cond3A_220 = arith.constant 0 : i32
      %cond3A_221 = arith.cmpi ne, %convert_element_type3A_219, %cond3A_220 : i32
      scf.if %cond3A_221 {
        %add3A_313 = arith.constant 3 : i32
        %add3A_314 = arith.addi %add3A_202, %add3A_313 : i32
        %add3A_315 = arith.addi %mul3A_2, %add3A_314 : i32
        %mul3A_316 = arith.constant 200 : i32
        %mul3A_317 = arith.muli %add3A_315, %mul3A_316 : i32
        %dma_start3A_318 = tpu.memref_slice %arg2[%mul3A_317] : memref<819200xi32, #tpu.memory_space<hbm>> -> memref<200xi32, #tpu.memory_space<hbm>>
        %dma_start3A_319 = tpu.memref_slice %arg2[%mul3A_317] : memref<819200xi32, #tpu.memory_space<hbm>> -> memref<200xi32, #tpu.memory_space<hbm>>
        tpu.enqueue_dma source(%dma_start3A_319 : memref<200xi32, #tpu.memory_space<hbm>>) target(%arg5 : memref<200xi32, #tpu.memory_space<vmem>>) target_semaphore(%arg13 : memref<!tpu.dma_semaphore, #tpu.memory_space<semaphore_mem>>)
      } else {
      }
      %ge3A_222 = arith.constant 2 : i32
      %ge3A_223 = arith.cmpi sge, %add3A_202, %ge3A_222 : i32
      %convert_element_type3A_224 = arith.extui %ge3A_223 : i1 to i32
      %cond3A_225 = arith.constant 0 : i32
      %cond3A_226 = arith.cmpi ne, %convert_element_type3A_224, %cond3A_225 : i32
      scf.if %cond3A_226 {
        %dma_wait3A_313 = arith.constant 0 : i32
        %dma_wait3A_314 = arith.constant 0 : i32
        %dma_wait3A_315 = tpu.memref_slice %arg4[%mul3A_2, %dma_wait3A_313, %dma_wait3A_314] : memref<4096x200x64xf32, #tpu.memory_space<hbm>> -> memref<1x200x64xf32, #tpu.memory_space<hbm>>
        %dma_wait3A_316 = arith.constant 0 : i32
        %dma_wait3A_317 = arith.constant 0 : i32
        %dma_wait3A_318 = tpu.memref_slice %arg4[%mul3A_2, %dma_wait3A_316, %dma_wait3A_317] : memref<4096x200x64xf32, #tpu.memory_space<hbm>> -> memref<1x200x64xf32, #tpu.memory_space<hbm>>
        tpu.wait_dma2 semaphore(%arg20 : memref<!tpu.dma_semaphore, #tpu.memory_space<semaphore_mem>>) src(%arg12 : memref<1x200x64xf32, #tpu.memory_space<vmem>>) dst(%dma_wait3A_318 : memref<1x200x64xf32, #tpu.memory_space<hbm>>)
      } else {
      }
      %parallel_loop3A_227 = arith.constant 0 : i32
      %parallel_loop3A_228 = arith.constant 200 : i32
      %parallel_loop3A_229 = arith.constant 1 : i32
      scf.for %parallel_loop3A_313 = %parallel_loop3A_227 to %parallel_loop3A_228 step %parallel_loop3A_229  : i32 {
        %parallel_loop3A_314 = arith.index_cast %parallel_loop3A_313 : i32 to index
        %parallel_loop3A_315 = arith.constant 0 : index
        %parallel_loop3A_316 = tpu.vector_load %arg8[%parallel_loop3A_314, %parallel_loop3A_315] {strides = array<i32>} : memref<200x128xf32, #tpu.memory_space<vmem>>, vector<16xf32>,
        %parallel_loop3A_317 = arith.constant 8.000000e+00 : f32
        %parallel_loop3A_318 = vector.broadcast %parallel_loop3A_317 : f32 to vector<16xf32>
        %parallel_loop3A_319 = arith.mulf %parallel_loop3A_316, %parallel_loop3A_318 : vector<16xf32>
        %parallel_loop3A_320 = arith.constant 0 : i32
        %parallel_loop3A_321 = arith.index_cast %parallel_loop3A_320 : i32 to index
        %parallel_loop3A_322 = arith.index_cast %parallel_loop3A_313 : i32 to index
        %parallel_loop3A_323 = arith.constant 0 : index
        %parallel_loop3A_324 = tpu.vector_load %arg12[%parallel_loop3A_321, %parallel_loop3A_322, %parallel_loop3A_323] {strides = array<i32>} : memref<1x200x64xf32, #tpu.memory_space<vmem>>, vector<16xf32>,
        tpu.vector_store %arg12[%parallel_loop3A_321, %parallel_loop3A_322, %parallel_loop3A_323], %parallel_loop3A_319 {strides = array<i32>} : memref<1x200x64xf32, #tpu.memory_space<vmem>>, vector<16xf32>,
        %parallel_loop3A_325 = arith.index_cast %parallel_loop3A_313 : i32 to index
        %parallel_loop3A_326 = arith.constant 16 : index
        %parallel_loop3A_327 = tpu.vector_load %arg8[%parallel_loop3A_325, %parallel_loop3A_326] {strides = array<i32>} : memref<200x128xf32, #tpu.memory_space<vmem>>, vector<16xf32>,
        %parallel_loop3A_328 = arith.constant 8.000000e+00 : f32
        %parallel_loop3A_329 = vector.broadcast %parallel_loop3A_328 : f32 to vector<16xf32>
        %parallel_loop3A_330 = arith.mulf %parallel_loop3A_327, %parallel_loop3A_329 : vector<16xf32>
        %parallel_loop3A_331 = arith.constant 0 : i32
        %parallel_loop3A_332 = arith.index_cast %parallel_loop3A_331 : i32 to index
        %parallel_loop3A_333 = arith.index_cast %parallel_loop3A_313 : i32 to index
        %parallel_loop3A_334 = arith.constant 16 : index
        %parallel_loop3A_335 = tpu.vector_load %arg12[%parallel_loop3A_332, %parallel_loop3A_333, %parallel_loop3A_334] {strides = array<i32>} : memref<1x200x64xf32, #tpu.memory_space<vmem>>, vector<16xf32>,
        tpu.vector_store %arg12[%parallel_loop3A_332, %parallel_loop3A_333, %parallel_loop3A_334], %parallel_loop3A_330 {strides = array<i32>} : memref<1x200x64xf32, #tpu.memory_space<vmem>>, vector<16xf32>,
        %parallel_loop3A_336 = arith.index_cast %parallel_loop3A_313 : i32 to index
        %parallel_loop3A_337 = arith.constant 32 : index
        %parallel_loop3A_338 = tpu.vector_load %arg8[%parallel_loop3A_336, %parallel_loop3A_337] {strides = array<i32>} : memref<200x128xf32, #tpu.memory_space<vmem>>, vector<16xf32>,
        %parallel_loop3A_339 = arith.constant 8.000000e+00 : f32
        %parallel_loop3A_340 = vector.broadcast %parallel_loop3A_339 : f32 to vector<16xf32>
        %parallel_loop3A_341 = arith.mulf %parallel_loop3A_338, %parallel_loop3A_340 : vector<16xf32>
        %parallel_loop3A_342 = arith.constant 0 : i32
        %parallel_loop3A_343 = arith.index_cast %parallel_loop3A_342 : i32 to index
        %parallel_loop3A_344 = arith.index_cast %parallel_loop3A_313 : i32 to index
        %parallel_loop3A_345 = arith.constant 32 : index
        %parallel_loop3A_346 = tpu.vector_load %arg12[%parallel_loop3A_343, %parallel_loop3A_344, %parallel_loop3A_345] {strides = array<i32>} : memref<1x200x64xf32, #tpu.memory_space<vmem>>, vector<16xf32>,
        tpu.vector_store %arg12[%parallel_loop3A_343, %parallel_loop3A_344, %parallel_loop3A_345], %parallel_loop3A_341 {strides = array<i32>} : memref<1x200x64xf32, #tpu.memory_space<vmem>>, vector<16xf32>,
        %parallel_loop3A_347 = arith.index_cast %parallel_loop3A_313 : i32 to index
        %parallel_loop3A_348 = arith.constant 48 : index
        %parallel_loop3A_349 = tpu.vector_load %arg8[%parallel_loop3A_347, %parallel_loop3A_348] {strides = array<i32>} : memref<200x128xf32, #tpu.memory_space<vmem>>, vector<16xf32>,
        %parallel_loop3A_350 = arith.constant 8.000000e+00 : f32
        %parallel_loop3A_351 = vector.broadcast %parallel_loop3A_350 : f32 to vector<16xf32>
        %parallel_loop3A_352 = arith.mulf %parallel_loop3A_349, %parallel_loop3A_351 : vector<16xf32>
        %parallel_loop3A_353 = arith.constant 0 : i32
        %parallel_loop3A_354 = arith.index_cast %parallel_loop3A_353 : i32 to index
        %parallel_loop3A_355 = arith.index_cast %parallel_loop3A_313 : i32 to index
        %parallel_loop3A_356 = arith.constant 48 : index
        %parallel_loop3A_357 = tpu.vector_load %arg12[%parallel_loop3A_354, %parallel_loop3A_355, %parallel_loop3A_356] {strides = array<i32>} : memref<1x200x64xf32, #tpu.memory_space<vmem>>, vector<16xf32>,
        tpu.vector_store %arg12[%parallel_loop3A_354, %parallel_loop3A_355, %parallel_loop3A_356], %parallel_loop3A_352 {strides = array<i32>} : memref<1x200x64xf32, #tpu.memory_space<vmem>>, vector<16xf32>,
      } {sc.loop_unroll_factor = 16 : i64, sc.parallel_access}
      %add3A_230 = arith.addi %mul3A_2, %add3A_202 : i32
      %dma_start3A_231 = arith.constant 0 : i32
      %dma_start3A_232 = arith.constant 0 : i32
      %dma_start3A_233 = tpu.memref_slice %arg4[%add3A_230, %dma_start3A_231, %dma_start3A_232] : memref<4096x200x64xf32, #tpu.memory_space<hbm>> -> memref<1x200x64xf32, #tpu.memory_space<hbm>>
      %dma_start3A_234 = arith.constant 0 : i32
      %dma_start3A_235 = arith.constant 0 : i32
      %dma_start3A_236 = tpu.memref_slice %arg4[%add3A_230, %dma_start3A_234, %dma_start3A_235] : memref<4096x200x64xf32, #tpu.memory_space<hbm>> -> memref<1x200x64xf32, #tpu.memory_space<hbm>>
      tpu.enqueue_dma source(%arg12 : memref<1x200x64xf32, #tpu.memory_space<vmem>>) target(%dma_start3A_236 : memref<1x200x64xf32, #tpu.memory_space<hbm>>) target_semaphore(%arg20 : memref<!tpu.dma_semaphore, #tpu.memory_space<semaphore_mem>>)
      %mul3A_237 = arith.constant 6 : i32
      %mul3A_238 = arith.muli %scan3A_89, %mul3A_237 : i32
      %add3A_239 = arith.constant 4 : i32
      %add3A_240 = arith.addi %mul3A_238, %add3A_239 : i32
      %add3A_241 = arith.constant 3 : i32
      %add3A_242 = arith.addi %add3A_240, %add3A_241 : i32
      %sub3A_243 = arith.constant 1 : i32
      %sub3A_244 = arith.subi %add3A_242, %sub3A_243 : i32
      %lt3A_245 = arith.constant 128 : i32
      %lt3A_246 = arith.cmpi slt, %sub3A_244, %lt3A_245 : i32
      %convert_element_type3A_247 = arith.extui %lt3A_246 : i1 to i32
      %cond3A_248 = arith.constant 0 : i32
      %cond3A_249 = arith.cmpi ne, %convert_element_type3A_247, %cond3A_248 : i32
      scf.if %cond3A_249 {
        %mul3A_313 = arith.constant 200 : i32
        %mul3A_314 = arith.muli %mul3A_2, %mul3A_313 : i32
        %dma_wait3A_315 = tpu.memref_slice %arg2[%mul3A_314] : memref<819200xi32, #tpu.memory_space<hbm>> -> memref<200xi32, #tpu.memory_space<hbm>>
        %dma_wait3A_316 = tpu.memref_slice %arg2[%mul3A_314] : memref<819200xi32, #tpu.memory_space<hbm>> -> memref<200xi32, #tpu.memory_space<hbm>>
        tpu.wait_dma2 semaphore(%arg13 : memref<!tpu.dma_semaphore, #tpu.memory_space<semaphore_mem>>) src(%dma_wait3A_316 : memref<200xi32, #tpu.memory_space<hbm>>) dst(%arg5 : memref<200xi32, #tpu.memory_space<vmem>>)
        %dma_start3A_317 = arith.constant 0 : i32
        %dma_start3A_318 = arith.constant 0 : i32
        %dma_start3A_319 = tpu.memref_slice %arg3[%dma_start3A_317, %dma_start3A_318] : memref<1000000x128xf32, #tpu.memory_space<hbm>> -> memref<1000000x128xf32, #tpu.memory_space<hbm>>
        tpu.enqueue_indirect_dma source(%dma_start3A_319 : memref<1000000x128xf32, #tpu.memory_space<hbm>>) target(%arg8 : memref<200x128xf32, #tpu.memory_space<vmem>>) offsets(%arg5 : memref<200xi32, #tpu.memory_space<vmem>>) semaphore(%arg16 : memref<!tpu.dma_semaphore, #tpu.memory_space<semaphore_mem>>)
      } else {
      }
      %dma_wait3A_250 = arith.constant 0 : i32
      %dma_wait3A_251 = arith.constant 0 : i32
      %dma_wait3A_252 = tpu.memref_slice %arg3[%dma_wait3A_250, %dma_wait3A_251] : memref<1000000x128xf32, #tpu.memory_space<hbm>> -> memref<1000000x128xf32, #tpu.memory_space<hbm>>
      tpu.wait_indirect_dma semaphore(%arg17 : memref<!tpu.dma_semaphore, #tpu.memory_space<semaphore_mem>>) src(%dma_wait3A_252 : memref<1000000x128xf32, #tpu.memory_space<hbm>>) dst(%arg9 : memref<200x128xf32, #tpu.memory_space<vmem>>)
      %add3A_253 = arith.constant 3 : i32
      %add3A_254 = arith.addi %add3A_240, %add3A_253 : i32
      %lt3A_255 = arith.constant 128 : i32
      %lt3A_256 = arith.cmpi slt, %add3A_254, %lt3A_255 : i32
      %convert_element_type3A_257 = arith.extui %lt3A_256 : i1 to i32
      %cond3A_258 = arith.constant 0 : i32
      %cond3A_259 = arith.cmpi ne, %convert_element_type3A_257, %cond3A_258 : i32
      scf.if %cond3A_259 {
        %add3A_313 = arith.constant 3 : i32
        %add3A_314 = arith.addi %add3A_240, %add3A_313 : i32
        %add3A_315 = arith.addi %mul3A_2, %add3A_314 : i32
        %mul3A_316 = arith.constant 200 : i32
        %mul3A_317 = arith.muli %add3A_315, %mul3A_316 : i32
        %dma_start3A_318 = tpu.memref_slice %arg2[%mul3A_317] : memref<819200xi32, #tpu.memory_space<hbm>> -> memref<200xi32, #tpu.memory_space<hbm>>
        %dma_start3A_319 = tpu.memref_slice %arg2[%mul3A_317] : memref<819200xi32, #tpu.memory_space<hbm>> -> memref<200xi32, #tpu.memory_space<hbm>>
        tpu.enqueue_dma source(%dma_start3A_319 : memref<200xi32, #tpu.memory_space<hbm>>) target(%arg6 : memref<200xi32, #tpu.memory_space<vmem>>) target_semaphore(%arg14 : memref<!tpu.dma_semaphore, #tpu.memory_space<semaphore_mem>>)
      } else {
      }
      %ge3A_260 = arith.constant 2 : i32
      %ge3A_261 = arith.cmpi sge, %add3A_240, %ge3A_260 : i32
      %convert_element_type3A_262 = arith.extui %ge3A_261 : i1 to i32
      %cond3A_263 = arith.constant 0 : i32
      %cond3A_264 = arith.cmpi ne, %convert_element_type3A_262, %cond3A_263 : i32
      scf.if %cond3A_264 {
        %dma_wait3A_313 = arith.constant 0 : i32
        %dma_wait3A_314 = arith.constant 0 : i32
        %dma_wait3A_315 = tpu.memref_slice %arg4[%mul3A_2, %dma_wait3A_313, %dma_wait3A_314] : memref<4096x200x64xf32, #tpu.memory_space<hbm>> -> memref<1x200x64xf32, #tpu.memory_space<hbm>>
        %dma_wait3A_316 = arith.constant 0 : i32
        %dma_wait3A_317 = arith.constant 0 : i32
        %dma_wait3A_318 = tpu.memref_slice %arg4[%mul3A_2, %dma_wait3A_316, %dma_wait3A_317] : memref<4096x200x64xf32, #tpu.memory_space<hbm>> -> memref<1x200x64xf32, #tpu.memory_space<hbm>>
        tpu.wait_dma2 semaphore(%arg19 : memref<!tpu.dma_semaphore, #tpu.memory_space<semaphore_mem>>) src(%arg11 : memref<1x200x64xf32, #tpu.memory_space<vmem>>) dst(%dma_wait3A_318 : memref<1x200x64xf32, #tpu.memory_space<hbm>>)
      } else {
      }
      %parallel_loop3A_265 = arith.constant 0 : i32
      %parallel_loop3A_266 = arith.constant 200 : i32
      %parallel_loop3A_267 = arith.constant 1 : i32
      scf.for %parallel_loop3A_313 = %parallel_loop3A_265 to %parallel_loop3A_266 step %parallel_loop3A_267  : i32 {
        %parallel_loop3A_314 = arith.index_cast %parallel_loop3A_313 : i32 to index
        %parallel_loop3A_315 = arith.constant 0 : index
        %parallel_loop3A_316 = tpu.vector_load %arg9[%parallel_loop3A_314, %parallel_loop3A_315] {strides = array<i32>} : memref<200x128xf32, #tpu.memory_space<vmem>>, vector<16xf32>,
        %parallel_loop3A_317 = arith.constant 8.000000e+00 : f32
        %parallel_loop3A_318 = vector.broadcast %parallel_loop3A_317 : f32 to vector<16xf32>
        %parallel_loop3A_319 = arith.mulf %parallel_loop3A_316, %parallel_loop3A_318 : vector<16xf32>
        %parallel_loop3A_320 = arith.constant 0 : i32
        %parallel_loop3A_321 = arith.index_cast %parallel_loop3A_320 : i32 to index
        %parallel_loop3A_322 = arith.index_cast %parallel_loop3A_313 : i32 to index
        %parallel_loop3A_323 = arith.constant 0 : index
        %parallel_loop3A_324 = tpu.vector_load %arg11[%parallel_loop3A_321, %parallel_loop3A_322, %parallel_loop3A_323] {strides = array<i32>} : memref<1x200x64xf32, #tpu.memory_space<vmem>>, vector<16xf32>,
        tpu.vector_store %arg11[%parallel_loop3A_321, %parallel_loop3A_322, %parallel_loop3A_323], %parallel_loop3A_319 {strides = array<i32>} : memref<1x200x64xf32, #tpu.memory_space<vmem>>, vector<16xf32>,
        %parallel_loop3A_325 = arith.index_cast %parallel_loop3A_313 : i32 to index
        %parallel_loop3A_326 = arith.constant 16 : index
        %parallel_loop3A_327 = tpu.vector_load %arg9[%parallel_loop3A_325, %parallel_loop3A_326] {strides = array<i32>} : memref<200x128xf32, #tpu.memory_space<vmem>>, vector<16xf32>,
        %parallel_loop3A_328 = arith.constant 8.000000e+00 : f32
        %parallel_loop3A_329 = vector.broadcast %parallel_loop3A_328 : f32 to vector<16xf32>
        %parallel_loop3A_330 = arith.mulf %parallel_loop3A_327, %parallel_loop3A_329 : vector<16xf32>
        %parallel_loop3A_331 = arith.constant 0 : i32
        %parallel_loop3A_332 = arith.index_cast %parallel_loop3A_331 : i32 to index
        %parallel_loop3A_333 = arith.index_cast %parallel_loop3A_313 : i32 to index
        %parallel_loop3A_334 = arith.constant 16 : index
        %parallel_loop3A_335 = tpu.vector_load %arg11[%parallel_loop3A_332, %parallel_loop3A_333, %parallel_loop3A_334] {strides = array<i32>} : memref<1x200x64xf32, #tpu.memory_space<vmem>>, vector<16xf32>,
        tpu.vector_store %arg11[%parallel_loop3A_332, %parallel_loop3A_333, %parallel_loop3A_334], %parallel_loop3A_330 {strides = array<i32>} : memref<1x200x64xf32, #tpu.memory_space<vmem>>, vector<16xf32>,
        %parallel_loop3A_336 = arith.index_cast %parallel_loop3A_313 : i32 to index
        %parallel_loop3A_337 = arith.constant 32 : index
        %parallel_loop3A_338 = tpu.vector_load %arg9[%parallel_loop3A_336, %parallel_loop3A_337] {strides = array<i32>} : memref<200x128xf32, #tpu.memory_space<vmem>>, vector<16xf32>,
        %parallel_loop3A_339 = arith.constant 8.000000e+00 : f32
        %parallel_loop3A_340 = vector.broadcast %parallel_loop3A_339 : f32 to vector<16xf32>
        %parallel_loop3A_341 = arith.mulf %parallel_loop3A_338, %parallel_loop3A_340 : vector<16xf32>
        %parallel_loop3A_342 = arith.constant 0 : i32
        %parallel_loop3A_343 = arith.index_cast %parallel_loop3A_342 : i32 to index
        %parallel_loop3A_344 = arith.index_cast %parallel_loop3A_313 : i32 to index
        %parallel_loop3A_345 = arith.constant 32 : index
        %parallel_loop3A_346 = tpu.vector_load %arg11[%parallel_loop3A_343, %parallel_loop3A_344, %parallel_loop3A_345] {strides = array<i32>} : memref<1x200x64xf32, #tpu.memory_space<vmem>>, vector<16xf32>,
        tpu.vector_store %arg11[%parallel_loop3A_343, %parallel_loop3A_344, %parallel_loop3A_345], %parallel_loop3A_341 {strides = array<i32>} : memref<1x200x64xf32, #tpu.memory_space<vmem>>, vector<16xf32>,
        %parallel_loop3A_347 = arith.index_cast %parallel_loop3A_313 : i32 to index
        %parallel_loop3A_348 = arith.constant 48 : index
        %parallel_loop3A_349 = tpu.vector_load %arg9[%parallel_loop3A_347, %parallel_loop3A_348] {strides = array<i32>} : memref<200x128xf32, #tpu.memory_space<vmem>>, vector<16xf32>,
        %parallel_loop3A_350 = arith.constant 8.000000e+00 : f32
        %parallel_loop3A_351 = vector.broadcast %parallel_loop3A_350 : f32 to vector<16xf32>
        %parallel_loop3A_352 = arith.mulf %parallel_loop3A_349, %parallel_loop3A_351 : vector<16xf32>
        %parallel_loop3A_353 = arith.constant 0 : i32
        %parallel_loop3A_354 = arith.index_cast %parallel_loop3A_353 : i32 to index
        %parallel_loop3A_355 = arith.index_cast %parallel_loop3A_313 : i32 to index
        %parallel_loop3A_356 = arith.constant 48 : index
        %parallel_loop3A_357 = tpu.vector_load %arg11[%parallel_loop3A_354, %parallel_loop3A_355, %parallel_loop3A_356] {strides = array<i32>} : memref<1x200x64xf32, #tpu.memory_space<vmem>>, vector<16xf32>,
        tpu.vector_store %arg11[%parallel_loop3A_354, %parallel_loop3A_355, %parallel_loop3A_356], %parallel_loop3A_352 {strides = array<i32>} : memref<1x200x64xf32, #tpu.memory_space<vmem>>, vector<16xf32>,
      } {sc.loop_unroll_factor = 16 : i64, sc.parallel_access}
      %add3A_268 = arith.addi %mul3A_2, %add3A_240 : i32
      %dma_start3A_269 = arith.constant 0 : i32
      %dma_start3A_270 = arith.constant 0 : i32
      %dma_start3A_271 = tpu.memref_slice %arg4[%add3A_268, %dma_start3A_269, %dma_start3A_270] : memref<4096x200x64xf32, #tpu.memory_space<hbm>> -> memref<1x200x64xf32, #tpu.memory_space<hbm>>
      %dma_start3A_272 = arith.constant 0 : i32
      %dma_start3A_273 = arith.constant 0 : i32
      %dma_start3A_274 = tpu.memref_slice %arg4[%add3A_268, %dma_start3A_272, %dma_start3A_273] : memref<4096x200x64xf32, #tpu.memory_space<hbm>> -> memref<1x200x64xf32, #tpu.memory_space<hbm>>
      tpu.enqueue_dma source(%arg11 : memref<1x200x64xf32, #tpu.memory_space<vmem>>) target(%dma_start3A_274 : memref<1x200x64xf32, #tpu.memory_space<hbm>>) target_semaphore(%arg19 : memref<!tpu.dma_semaphore, #tpu.memory_space<semaphore_mem>>)
      %mul3A_275 = arith.constant 6 : i32
      %mul3A_276 = arith.muli %scan3A_89, %mul3A_275 : i32
      %add3A_277 = arith.constant 5 : i32
      %add3A_278 = arith.addi %mul3A_276, %add3A_277 : i32
      %add3A_279 = arith.constant 3 : i32
      %add3A_280 = arith.addi %add3A_278, %add3A_279 : i32
      %sub3A_281 = arith.constant 1 : i32
      %sub3A_282 = arith.subi %add3A_280, %sub3A_281 : i32
      %lt3A_283 = arith.constant 128 : i32
      %lt3A_284 = arith.cmpi slt, %sub3A_282, %lt3A_283 : i32
      %convert_element_type3A_285 = arith.extui %lt3A_284 : i1 to i32
      %cond3A_286 = arith.constant 0 : i32
      %cond3A_287 = arith.cmpi ne, %convert_element_type3A_285, %cond3A_286 : i32
      scf.if %cond3A_287 {
        %mul3A_313 = arith.constant 200 : i32
        %mul3A_314 = arith.muli %mul3A_2, %mul3A_313 : i32
        %dma_wait3A_315 = tpu.memref_slice %arg2[%mul3A_314] : memref<819200xi32, #tpu.memory_space<hbm>> -> memref<200xi32, #tpu.memory_space<hbm>>
        %dma_wait3A_316 = tpu.memref_slice %arg2[%mul3A_314] : memref<819200xi32, #tpu.memory_space<hbm>> -> memref<200xi32, #tpu.memory_space<hbm>>
        tpu.wait_dma2 semaphore(%arg14 : memref<!tpu.dma_semaphore, #tpu.memory_space<semaphore_mem>>) src(%dma_wait3A_316 : memref<200xi32, #tpu.memory_space<hbm>>) dst(%arg6 : memref<200xi32, #tpu.memory_space<vmem>>)
        %dma_start3A_317 = arith.constant 0 : i32
        %dma_start3A_318 = arith.constant 0 : i32
        %dma_start3A_319 = tpu.memref_slice %arg3[%dma_start3A_317, %dma_start3A_318] : memref<1000000x128xf32, #tpu.memory_space<hbm>> -> memref<1000000x128xf32, #tpu.memory_space<hbm>>
        tpu.enqueue_indirect_dma source(%dma_start3A_319 : memref<1000000x128xf32, #tpu.memory_space<hbm>>) target(%arg9 : memref<200x128xf32, #tpu.memory_space<vmem>>) offsets(%arg6 : memref<200xi32, #tpu.memory_space<vmem>>) semaphore(%arg17 : memref<!tpu.dma_semaphore, #tpu.memory_space<semaphore_mem>>)
      } else {
      }
      %dma_wait3A_288 = arith.constant 0 : i32
      %dma_wait3A_289 = arith.constant 0 : i32
      %dma_wait3A_290 = tpu.memref_slice %arg3[%dma_wait3A_288, %dma_wait3A_289] : memref<1000000x128xf32, #tpu.memory_space<hbm>> -> memref<1000000x128xf32, #tpu.memory_space<hbm>>
      tpu.wait_indirect_dma semaphore(%arg18 : memref<!tpu.dma_semaphore, #tpu.memory_space<semaphore_mem>>) src(%dma_wait3A_290 : memref<1000000x128xf32, #tpu.memory_space<hbm>>) dst(%arg10 : memref<200x128xf32, #tpu.memory_space<vmem>>)
      %add3A_291 = arith.constant 3 : i32
      %add3A_292 = arith.addi %add3A_278, %add3A_291 : i32
      %lt3A_293 = arith.constant 128 : i32
      %lt3A_294 = arith.cmpi slt, %add3A_292, %lt3A_293 : i32
      %convert_element_type3A_295 = arith.extui %lt3A_294 : i1 to i32
      %cond3A_296 = arith.constant 0 : i32
      %cond3A_297 = arith.cmpi ne, %convert_element_type3A_295, %cond3A_296 : i32
      scf.if %cond3A_297 {
        %add3A_313 = arith.constant 3 : i32
        %add3A_314 = arith.addi %add3A_278, %add3A_313 : i32
        %add3A_315 = arith.addi %mul3A_2, %add3A_314 : i32
        %mul3A_316 = arith.constant 200 : i32
        %mul3A_317 = arith.muli %add3A_315, %mul3A_316 : i32
        %dma_start3A_318 = tpu.memref_slice %arg2[%mul3A_317] : memref<819200xi32, #tpu.memory_space<hbm>> -> memref<200xi32, #tpu.memory_space<hbm>>
        %dma_start3A_319 = tpu.memref_slice %arg2[%mul3A_317] : memref<819200xi32, #tpu.memory_space<hbm>> -> memref<200xi32, #tpu.memory_space<hbm>>
        tpu.enqueue_dma source(%dma_start3A_319 : memref<200xi32, #tpu.memory_space<hbm>>) target(%arg7 : memref<200xi32, #tpu.memory_space<vmem>>) target_semaphore(%arg15 : memref<!tpu.dma_semaphore, #tpu.memory_space<semaphore_mem>>)
      } else {
      }
      %ge3A_298 = arith.constant 2 : i32
      %ge3A_299 = arith.cmpi sge, %add3A_278, %ge3A_298 : i32
      %convert_element_type3A_300 = arith.extui %ge3A_299 : i1 to i32
      %cond3A_301 = arith.constant 0 : i32
      %cond3A_302 = arith.cmpi ne, %convert_element_type3A_300, %cond3A_301 : i32
      scf.if %cond3A_302 {
        %dma_wait3A_313 = arith.constant 0 : i32
        %dma_wait3A_314 = arith.constant 0 : i32
        %dma_wait3A_315 = tpu.memref_slice %arg4[%mul3A_2, %dma_wait3A_313, %dma_wait3A_314] : memref<4096x200x64xf32, #tpu.memory_space<hbm>> -> memref<1x200x64xf32, #tpu.memory_space<hbm>>
        %dma_wait3A_316 = arith.constant 0 : i32
        %dma_wait3A_317 = arith.constant 0 : i32
        %dma_wait3A_318 = tpu.memref_slice %arg4[%mul3A_2, %dma_wait3A_316, %dma_wait3A_317] : memref<4096x200x64xf32, #tpu.memory_space<hbm>> -> memref<1x200x64xf32, #tpu.memory_space<hbm>>
        tpu.wait_dma2 semaphore(%arg20 : memref<!tpu.dma_semaphore, #tpu.memory_space<semaphore_mem>>) src(%arg12 : memref<1x200x64xf32, #tpu.memory_space<vmem>>) dst(%dma_wait3A_318 : memref<1x200x64xf32, #tpu.memory_space<hbm>>)
      } else {
      }
      %parallel_loop3A_303 = arith.constant 0 : i32
      %parallel_loop3A_304 = arith.constant 200 : i32
      %parallel_loop3A_305 = arith.constant 1 : i32
      scf.for %parallel_loop3A_313 = %parallel_loop3A_303 to %parallel_loop3A_304 step %parallel_loop3A_305  : i32 {
        %parallel_loop3A_314 = arith.index_cast %parallel_loop3A_313 : i32 to index
        %parallel_loop3A_315 = arith.constant 0 : index
        %parallel_loop3A_316 = tpu.vector_load %arg10[%parallel_loop3A_314, %parallel_loop3A_315] {strides = array<i32>} : memref<200x128xf32, #tpu.memory_space<vmem>>, vector<16xf32>,
        %parallel_loop3A_317 = arith.constant 8.000000e+00 : f32
        %parallel_loop3A_318 = vector.broadcast %parallel_loop3A_317 : f32 to vector<16xf32>
        %parallel_loop3A_319 = arith.mulf %parallel_loop3A_316, %parallel_loop3A_318 : vector<16xf32>
        %parallel_loop3A_320 = arith.constant 0 : i32
        %parallel_loop3A_321 = arith.index_cast %parallel_loop3A_320 : i32 to index
        %parallel_loop3A_322 = arith.index_cast %parallel_loop3A_313 : i32 to index
        %parallel_loop3A_323 = arith.constant 0 : index
        %parallel_loop3A_324 = tpu.vector_load %arg12[%parallel_loop3A_321, %parallel_loop3A_322, %parallel_loop3A_323] {strides = array<i32>} : memref<1x200x64xf32, #tpu.memory_space<vmem>>, vector<16xf32>,
        tpu.vector_store %arg12[%parallel_loop3A_321, %parallel_loop3A_322, %parallel_loop3A_323], %parallel_loop3A_319 {strides = array<i32>} : memref<1x200x64xf32, #tpu.memory_space<vmem>>, vector<16xf32>,
        %parallel_loop3A_325 = arith.index_cast %parallel_loop3A_313 : i32 to index
        %parallel_loop3A_326 = arith.constant 16 : index
        %parallel_loop3A_327 = tpu.vector_load %arg10[%parallel_loop3A_325, %parallel_loop3A_326] {strides = array<i32>} : memref<200x128xf32, #tpu.memory_space<vmem>>, vector<16xf32>,
        %parallel_loop3A_328 = arith.constant 8.000000e+00 : f32
        %parallel_loop3A_329 = vector.broadcast %parallel_loop3A_328 : f32 to vector<16xf32>
        %parallel_loop3A_330 = arith.mulf %parallel_loop3A_327, %parallel_loop3A_329 : vector<16xf32>
        %parallel_loop3A_331 = arith.constant 0 : i32
        %parallel_loop3A_332 = arith.index_cast %parallel_loop3A_331 : i32 to index
        %parallel_loop3A_333 = arith.index_cast %parallel_loop3A_313 : i32 to index
        %parallel_loop3A_334 = arith.constant 16 : index
        %parallel_loop3A_335 = tpu.vector_load %arg12[%parallel_loop3A_332, %parallel_loop3A_333, %parallel_loop3A_334] {strides = array<i32>} : memref<1x200x64xf32, #tpu.memory_space<vmem>>, vector<16xf32>,
        tpu.vector_store %arg12[%parallel_loop3A_332, %parallel_loop3A_333, %parallel_loop3A_334], %parallel_loop3A_330 {strides = array<i32>} : memref<1x200x64xf32, #tpu.memory_space<vmem>>, vector<16xf32>,
        %parallel_loop3A_336 = arith.index_cast %parallel_loop3A_313 : i32 to index
        %parallel_loop3A_337 = arith.constant 32 : index
        %parallel_loop3A_338 = tpu.vector_load %arg10[%parallel_loop3A_336, %parallel_loop3A_337] {strides = array<i32>} : memref<200x128xf32, #tpu.memory_space<vmem>>, vector<16xf32>,
        %parallel_loop3A_339 = arith.constant 8.000000e+00 : f32
        %parallel_loop3A_340 = vector.broadcast %parallel_loop3A_339 : f32 to vector<16xf32>
        %parallel_loop3A_341 = arith.mulf %parallel_loop3A_338, %parallel_loop3A_340 : vector<16xf32>
        %parallel_loop3A_342 = arith.constant 0 : i32
        %parallel_loop3A_343 = arith.index_cast %parallel_loop3A_342 : i32 to index
        %parallel_loop3A_344 = arith.index_cast %parallel_loop3A_313 : i32 to index
        %parallel_loop3A_345 = arith.constant 32 : index
        %parallel_loop3A_346 = tpu.vector_load %arg12[%parallel_loop3A_343, %parallel_loop3A_344, %parallel_loop3A_345] {strides = array<i32>} : memref<1x200x64xf32, #tpu.memory_space<vmem>>, vector<16xf32>,
        tpu.vector_store %arg12[%parallel_loop3A_343, %parallel_loop3A_344, %parallel_loop3A_345], %parallel_loop3A_341 {strides = array<i32>} : memref<1x200x64xf32, #tpu.memory_space<vmem>>, vector<16xf32>,
        %parallel_loop3A_347 = arith.index_cast %parallel_loop3A_313 : i32 to index
        %parallel_loop3A_348 = arith.constant 48 : index
        %parallel_loop3A_349 = tpu.vector_load %arg10[%parallel_loop3A_347, %parallel_loop3A_348] {strides = array<i32>} : memref<200x128xf32, #tpu.memory_space<vmem>>, vector<16xf32>,
        %parallel_loop3A_350 = arith.constant 8.000000e+00 : f32
        %parallel_loop3A_351 = vector.broadcast %parallel_loop3A_350 : f32 to vector<16xf32>
        %parallel_loop3A_352 = arith.mulf %parallel_loop3A_349, %parallel_loop3A_351 : vector<16xf32>
        %parallel_loop3A_353 = arith.constant 0 : i32
        %parallel_loop3A_354 = arith.index_cast %parallel_loop3A_353 : i32 to index
        %parallel_loop3A_355 = arith.index_cast %parallel_loop3A_313 : i32 to index
        %parallel_loop3A_356 = arith.constant 48 : index
        %parallel_loop3A_357 = tpu.vector_load %arg12[%parallel_loop3A_354, %parallel_loop3A_355, %parallel_loop3A_356] {strides = array<i32>} : memref<1x200x64xf32, #tpu.memory_space<vmem>>, vector<16xf32>,
        tpu.vector_store %arg12[%parallel_loop3A_354, %parallel_loop3A_355, %parallel_loop3A_356], %parallel_loop3A_352 {strides = array<i32>} : memref<1x200x64xf32, #tpu.memory_space<vmem>>, vector<16xf32>,
      } {sc.loop_unroll_factor = 16 : i64, sc.parallel_access}
      %add3A_306 = arith.addi %mul3A_2, %add3A_278 : i32
      %dma_start3A_307 = arith.constant 0 : i32
      %dma_start3A_308 = arith.constant 0 : i32
      %dma_start3A_309 = tpu.memref_slice %arg4[%add3A_306, %dma_start3A_307, %dma_start3A_308] : memref<4096x200x64xf32, #tpu.memory_space<hbm>> -> memref<1x200x64xf32, #tpu.memory_space<hbm>>
      %dma_start3A_310 = arith.constant 0 : i32
      %dma_start3A_311 = arith.constant 0 : i32
      %dma_start3A_312 = tpu.memref_slice %arg4[%add3A_306, %dma_start3A_310, %dma_start3A_311] : memref<4096x200x64xf32, #tpu.memory_space<hbm>> -> memref<1x200x64xf32, #tpu.memory_space<hbm>>
      tpu.enqueue_dma source(%arg12 : memref<1x200x64xf32, #tpu.memory_space<vmem>>) target(%dma_start3A_312 : memref<1x200x64xf32, #tpu.memory_space<hbm>>) target_semaphore(%arg20 : memref<!tpu.dma_semaphore, #tpu.memory_space<semaphore_mem>>)
    }
    %scan3A_37 = arith.constant 21 : i32
    %dma_wait3A_38 = arith.constant 0 : i32
    %dma_wait3A_39 = arith.constant 0 : i32
    %dma_wait3A_40 = tpu.memref_slice %arg3[%dma_wait3A_38, %dma_wait3A_39] : memref<1000000x128xf32, #tpu.memory_space<hbm>> -> memref<1000000x128xf32, #tpu.memory_space<hbm>>
    tpu.wait_indirect_dma semaphore(%arg16 : memref<!tpu.dma_semaphore, #tpu.memory_space<semaphore_mem>>) src(%dma_wait3A_40 : memref<1000000x128xf32, #tpu.memory_space<hbm>>) dst(%arg8 : memref<200x128xf32, #tpu.memory_space<vmem>>)
    %dma_wait3A_41 = arith.constant 0 : i32
    %dma_wait3A_42 = arith.constant 0 : i32
    %dma_wait3A_43 = tpu.memref_slice %arg4[%mul3A_2, %dma_wait3A_41, %dma_wait3A_42] : memref<4096x200x64xf32, #tpu.memory_space<hbm>> -> memref<1x200x64xf32, #tpu.memory_space<hbm>>
    %dma_wait3A_44 = arith.constant 0 : i32
    %dma_wait3A_45 = arith.constant 0 : i32
    %dma_wait3A_46 = tpu.memref_slice %arg4[%mul3A_2, %dma_wait3A_44, %dma_wait3A_45] : memref<4096x200x64xf32, #tpu.memory_space<hbm>> -> memref<1x200x64xf32, #tpu.memory_space<hbm>>
    tpu.wait_dma2 semaphore(%arg19 : memref<!tpu.dma_semaphore, #tpu.memory_space<semaphore_mem>>) src(%arg11 : memref<1x200x64xf32, #tpu.memory_space<vmem>>) dst(%dma_wait3A_46 : memref<1x200x64xf32, #tpu.memory_space<hbm>>)
    %parallel_loop3A = arith.constant 0 : i32
    %parallel_loop3A_47 = arith.constant 200 : i32
    %parallel_loop3A_48 = arith.constant 1 : i32
    scf.for %parallel_loop3A_89 = %parallel_loop3A to %parallel_loop3A_47 step %parallel_loop3A_48  : i32 {
      %parallel_loop3A_90 = arith.index_cast %parallel_loop3A_89 : i32 to index
      %parallel_loop3A_91 = arith.constant 0 : index
      %parallel_loop3A_92 = tpu.vector_load %arg8[%parallel_loop3A_90, %parallel_loop3A_91] {strides = array<i32>} : memref<200x128xf32, #tpu.memory_space<vmem>>, vector<16xf32>,
      %parallel_loop3A_93 = arith.constant 8.000000e+00 : f32
      %parallel_loop3A_94 = vector.broadcast %parallel_loop3A_93 : f32 to vector<16xf32>
      %parallel_loop3A_95 = arith.mulf %parallel_loop3A_92, %parallel_loop3A_94 : vector<16xf32>
      %parallel_loop3A_96 = arith.constant 0 : i32
      %parallel_loop3A_97 = arith.index_cast %parallel_loop3A_96 : i32 to index
      %parallel_loop3A_98 = arith.index_cast %parallel_loop3A_89 : i32 to index
      %parallel_loop3A_99 = arith.constant 0 : index
      %parallel_loop3A_100 = tpu.vector_load %arg11[%parallel_loop3A_97, %parallel_loop3A_98, %parallel_loop3A_99] {strides = array<i32>} : memref<1x200x64xf32, #tpu.memory_space<vmem>>, vector<16xf32>,
      tpu.vector_store %arg11[%parallel_loop3A_97, %parallel_loop3A_98, %parallel_loop3A_99], %parallel_loop3A_95 {strides = array<i32>} : memref<1x200x64xf32, #tpu.memory_space<vmem>>, vector<16xf32>,
      %parallel_loop3A_101 = arith.index_cast %parallel_loop3A_89 : i32 to index
      %parallel_loop3A_102 = arith.constant 16 : index
      %parallel_loop3A_103 = tpu.vector_load %arg8[%parallel_loop3A_101, %parallel_loop3A_102] {strides = array<i32>} : memref<200x128xf32, #tpu.memory_space<vmem>>, vector<16xf32>,
      %parallel_loop3A_104 = arith.constant 8.000000e+00 : f32
      %parallel_loop3A_105 = vector.broadcast %parallel_loop3A_104 : f32 to vector<16xf32>
      %parallel_loop3A_106 = arith.mulf %parallel_loop3A_103, %parallel_loop3A_105 : vector<16xf32>
      %parallel_loop3A_107 = arith.constant 0 : i32
      %parallel_loop3A_108 = arith.index_cast %parallel_loop3A_107 : i32 to index
      %parallel_loop3A_109 = arith.index_cast %parallel_loop3A_89 : i32 to index
      %parallel_loop3A_110 = arith.constant 16 : index
      %parallel_loop3A_111 = tpu.vector_load %arg11[%parallel_loop3A_108, %parallel_loop3A_109, %parallel_loop3A_110] {strides = array<i32>} : memref<1x200x64xf32, #tpu.memory_space<vmem>>, vector<16xf32>,
      tpu.vector_store %arg11[%parallel_loop3A_108, %parallel_loop3A_109, %parallel_loop3A_110], %parallel_loop3A_106 {strides = array<i32>} : memref<1x200x64xf32, #tpu.memory_space<vmem>>, vector<16xf32>,
      %parallel_loop3A_112 = arith.index_cast %parallel_loop3A_89 : i32 to index
      %parallel_loop3A_113 = arith.constant 32 : index
      %parallel_loop3A_114 = tpu.vector_load %arg8[%parallel_loop3A_112, %parallel_loop3A_113] {strides = array<i32>} : memref<200x128xf32, #tpu.memory_space<vmem>>, vector<16xf32>,
      %parallel_loop3A_115 = arith.constant 8.000000e+00 : f32
      %parallel_loop3A_116 = vector.broadcast %parallel_loop3A_115 : f32 to vector<16xf32>
      %parallel_loop3A_117 = arith.mulf %parallel_loop3A_114, %parallel_loop3A_116 : vector<16xf32>
      %parallel_loop3A_118 = arith.constant 0 : i32
      %parallel_loop3A_119 = arith.index_cast %parallel_loop3A_118 : i32 to index
      %parallel_loop3A_120 = arith.index_cast %parallel_loop3A_89 : i32 to index
      %parallel_loop3A_121 = arith.constant 32 : index
      %parallel_loop3A_122 = tpu.vector_load %arg11[%parallel_loop3A_119, %parallel_loop3A_120, %parallel_loop3A_121] {strides = array<i32>} : memref<1x200x64xf32, #tpu.memory_space<vmem>>, vector<16xf32>,
      tpu.vector_store %arg11[%parallel_loop3A_119, %parallel_loop3A_120, %parallel_loop3A_121], %parallel_loop3A_117 {strides = array<i32>} : memref<1x200x64xf32, #tpu.memory_space<vmem>>, vector<16xf32>,
      %parallel_loop3A_123 = arith.index_cast %parallel_loop3A_89 : i32 to index
      %parallel_loop3A_124 = arith.constant 48 : index
      %parallel_loop3A_125 = tpu.vector_load %arg8[%parallel_loop3A_123, %parallel_loop3A_124] {strides = array<i32>} : memref<200x128xf32, #tpu.memory_space<vmem>>, vector<16xf32>,
      %parallel_loop3A_126 = arith.constant 8.000000e+00 : f32
      %parallel_loop3A_127 = vector.broadcast %parallel_loop3A_126 : f32 to vector<16xf32>
      %parallel_loop3A_128 = arith.mulf %parallel_loop3A_125, %parallel_loop3A_127 : vector<16xf32>
      %parallel_loop3A_129 = arith.constant 0 : i32
      %parallel_loop3A_130 = arith.index_cast %parallel_loop3A_129 : i32 to index
      %parallel_loop3A_131 = arith.index_cast %parallel_loop3A_89 : i32 to index
      %parallel_loop3A_132 = arith.constant 48 : index
      %parallel_loop3A_133 = tpu.vector_load %arg11[%parallel_loop3A_130, %parallel_loop3A_131, %parallel_loop3A_132] {strides = array<i32>} : memref<1x200x64xf32, #tpu.memory_space<vmem>>, vector<16xf32>,
      tpu.vector_store %arg11[%parallel_loop3A_130, %parallel_loop3A_131, %parallel_loop3A_132], %parallel_loop3A_128 {strides = array<i32>} : memref<1x200x64xf32, #tpu.memory_space<vmem>>, vector<16xf32>,
    } {sc.loop_unroll_factor = 16 : i64, sc.parallel_access}
    %add3A_49 = arith.constant 126 : i32
    %add3A_50 = arith.addi %mul3A_2, %add3A_49 : i32
    %dma_start3A_51 = arith.constant 0 : i32
    %dma_start3A_52 = arith.constant 0 : i32
    %dma_start3A_53 = tpu.memref_slice %arg4[%add3A_50, %dma_start3A_51, %dma_start3A_52] : memref<4096x200x64xf32, #tpu.memory_space<hbm>> -> memref<1x200x64xf32, #tpu.memory_space<hbm>>
    %dma_start3A_54 = arith.constant 0 : i32
    %dma_start3A_55 = arith.constant 0 : i32
    %dma_start3A_56 = tpu.memref_slice %arg4[%add3A_50, %dma_start3A_54, %dma_start3A_55] : memref<4096x200x64xf32, #tpu.memory_space<hbm>> -> memref<1x200x64xf32, #tpu.memory_space<hbm>>
    tpu.enqueue_dma source(%arg11 : memref<1x200x64xf32, #tpu.memory_space<vmem>>) target(%dma_start3A_56 : memref<1x200x64xf32, #tpu.memory_space<hbm>>) target_semaphore(%arg19 : memref<!tpu.dma_semaphore, #tpu.memory_space<semaphore_mem>>)
    %dma_wait3A_57 = arith.constant 0 : i32
    %dma_wait3A_58 = arith.constant 0 : i32
    %dma_wait3A_59 = tpu.memref_slice %arg3[%dma_wait3A_57, %dma_wait3A_58] : memref<1000000x128xf32, #tpu.memory_space<hbm>> -> memref<1000000x128xf32, #tpu.memory_space<hbm>>
    tpu.wait_indirect_dma semaphore(%arg17 : memref<!tpu.dma_semaphore, #tpu.memory_space<semaphore_mem>>) src(%dma_wait3A_59 : memref<1000000x128xf32, #tpu.memory_space<hbm>>) dst(%arg9 : memref<200x128xf32, #tpu.memory_space<vmem>>)
    %dma_wait3A_60 = arith.constant 0 : i32
    %dma_wait3A_61 = arith.constant 0 : i32
    %dma_wait3A_62 = tpu.memref_slice %arg4[%mul3A_2, %dma_wait3A_60, %dma_wait3A_61] : memref<4096x200x64xf32, #tpu.memory_space<hbm>> -> memref<1x200x64xf32, #tpu.memory_space<hbm>>
    %dma_wait3A_63 = arith.constant 0 : i32
    %dma_wait3A_64 = arith.constant 0 : i32
    %dma_wait3A_65 = tpu.memref_slice %arg4[%mul3A_2, %dma_wait3A_63, %dma_wait3A_64] : memref<4096x200x64xf32, #tpu.memory_space<hbm>> -> memref<1x200x64xf32, #tpu.memory_space<hbm>>
    tpu.wait_dma2 semaphore(%arg20 : memref<!tpu.dma_semaphore, #tpu.memory_space<semaphore_mem>>) src(%arg12 : memref<1x200x64xf32, #tpu.memory_space<vmem>>) dst(%dma_wait3A_65 : memref<1x200x64xf32, #tpu.memory_space<hbm>>)
    %parallel_loop3A_66 = arith.constant 0 : i32
    %parallel_loop3A_67 = arith.constant 200 : i32
    %parallel_loop3A_68 = arith.constant 1 : i32
    scf.for %parallel_loop3A_89 = %parallel_loop3A_66 to %parallel_loop3A_67 step %parallel_loop3A_68  : i32 {
      %parallel_loop3A_90 = arith.index_cast %parallel_loop3A_89 : i32 to index
      %parallel_loop3A_91 = arith.constant 0 : index
      %parallel_loop3A_92 = tpu.vector_load %arg9[%parallel_loop3A_90, %parallel_loop3A_91] {strides = array<i32>} : memref<200x128xf32, #tpu.memory_space<vmem>>, vector<16xf32>,
      %parallel_loop3A_93 = arith.constant 8.000000e+00 : f32
      %parallel_loop3A_94 = vector.broadcast %parallel_loop3A_93 : f32 to vector<16xf32>
      %parallel_loop3A_95 = arith.mulf %parallel_loop3A_92, %parallel_loop3A_94 : vector<16xf32>
      %parallel_loop3A_96 = arith.constant 0 : i32
      %parallel_loop3A_97 = arith.index_cast %parallel_loop3A_96 : i32 to index
      %parallel_loop3A_98 = arith.index_cast %parallel_loop3A_89 : i32 to index
      %parallel_loop3A_99 = arith.constant 0 : index
      %parallel_loop3A_100 = tpu.vector_load %arg12[%parallel_loop3A_97, %parallel_loop3A_98, %parallel_loop3A_99] {strides = array<i32>} : memref<1x200x64xf32, #tpu.memory_space<vmem>>, vector<16xf32>,
      tpu.vector_store %arg12[%parallel_loop3A_97, %parallel_loop3A_98, %parallel_loop3A_99], %parallel_loop3A_95 {strides = array<i32>} : memref<1x200x64xf32, #tpu.memory_space<vmem>>, vector<16xf32>,
      %parallel_loop3A_101 = arith.index_cast %parallel_loop3A_89 : i32 to index
      %parallel_loop3A_102 = arith.constant 16 : index
      %parallel_loop3A_103 = tpu.vector_load %arg9[%parallel_loop3A_101, %parallel_loop3A_102] {strides = array<i32>} : memref<200x128xf32, #tpu.memory_space<vmem>>, vector<16xf32>,
      %parallel_loop3A_104 = arith.constant 8.000000e+00 : f32
      %parallel_loop3A_105 = vector.broadcast %parallel_loop3A_104 : f32 to vector<16xf32>
      %parallel_loop3A_106 = arith.mulf %parallel_loop3A_103, %parallel_loop3A_105 : vector<16xf32>
      %parallel_loop3A_107 = arith.constant 0 : i32
      %parallel_loop3A_108 = arith.index_cast %parallel_loop3A_107 : i32 to index
      %parallel_loop3A_109 = arith.index_cast %parallel_loop3A_89 : i32 to index
      %parallel_loop3A_110 = arith.constant 16 : index
      %parallel_loop3A_111 = tpu.vector_load %arg12[%parallel_loop3A_108, %parallel_loop3A_109, %parallel_loop3A_110] {strides = array<i32>} : memref<1x200x64xf32, #tpu.memory_space<vmem>>, vector<16xf32>,
      tpu.vector_store %arg12[%parallel_loop3A_108, %parallel_loop3A_109, %parallel_loop3A_110], %parallel_loop3A_106 {strides = array<i32>} : memref<1x200x64xf32, #tpu.memory_space<vmem>>, vector<16xf32>,
      %parallel_loop3A_112 = arith.index_cast %parallel_loop3A_89 : i32 to index
      %parallel_loop3A_113 = arith.constant 32 : index
      %parallel_loop3A_114 = tpu.vector_load %arg9[%parallel_loop3A_112, %parallel_loop3A_113] {strides = array<i32>} : memref<200x128xf32, #tpu.memory_space<vmem>>, vector<16xf32>,
      %parallel_loop3A_115 = arith.constant 8.000000e+00 : f32
      %parallel_loop3A_116 = vector.broadcast %parallel_loop3A_115 : f32 to vector<16xf32>
      %parallel_loop3A_117 = arith.mulf %parallel_loop3A_114, %parallel_loop3A_116 : vector<16xf32>
      %parallel_loop3A_118 = arith.constant 0 : i32
      %parallel_loop3A_119 = arith.index_cast %parallel_loop3A_118 : i32 to index
      %parallel_loop3A_120 = arith.index_cast %parallel_loop3A_89 : i32 to index
      %parallel_loop3A_121 = arith.constant 32 : index
      %parallel_loop3A_122 = tpu.vector_load %arg12[%parallel_loop3A_119, %parallel_loop3A_120, %parallel_loop3A_121] {strides = array<i32>} : memref<1x200x64xf32, #tpu.memory_space<vmem>>, vector<16xf32>,
      tpu.vector_store %arg12[%parallel_loop3A_119, %parallel_loop3A_120, %parallel_loop3A_121], %parallel_loop3A_117 {strides = array<i32>} : memref<1x200x64xf32, #tpu.memory_space<vmem>>, vector<16xf32>,
      %parallel_loop3A_123 = arith.index_cast %parallel_loop3A_89 : i32 to index
      %parallel_loop3A_124 = arith.constant 48 : index
      %parallel_loop3A_125 = tpu.vector_load %arg9[%parallel_loop3A_123, %parallel_loop3A_124] {strides = array<i32>} : memref<200x128xf32, #tpu.memory_space<vmem>>, vector<16xf32>,
      %parallel_loop3A_126 = arith.constant 8.000000e+00 : f32
      %parallel_loop3A_127 = vector.broadcast %parallel_loop3A_126 : f32 to vector<16xf32>
      %parallel_loop3A_128 = arith.mulf %parallel_loop3A_125, %parallel_loop3A_127 : vector<16xf32>
      %parallel_loop3A_129 = arith.constant 0 : i32
      %parallel_loop3A_130 = arith.index_cast %parallel_loop3A_129 : i32 to index
      %parallel_loop3A_131 = arith.index_cast %parallel_loop3A_89 : i32 to index
      %parallel_loop3A_132 = arith.constant 48 : index
      %parallel_loop3A_133 = tpu.vector_load %arg12[%parallel_loop3A_130, %parallel_loop3A_131, %parallel_loop3A_132] {strides = array<i32>} : memref<1x200x64xf32, #tpu.memory_space<vmem>>, vector<16xf32>,
      tpu.vector_store %arg12[%parallel_loop3A_130, %parallel_loop3A_131, %parallel_loop3A_132], %parallel_loop3A_128 {strides = array<i32>} : memref<1x200x64xf32, #tpu.memory_space<vmem>>, vector<16xf32>,
    } {sc.loop_unroll_factor = 16 : i64, sc.parallel_access}
    %add3A_69 = arith.constant 127 : i32
    %add3A_70 = arith.addi %mul3A_2, %add3A_69 : i32
    %dma_start3A_71 = arith.constant 0 : i32
    %dma_start3A_72 = arith.constant 0 : i32
    %dma_start3A_73 = tpu.memref_slice %arg4[%add3A_70, %dma_start3A_71, %dma_start3A_72] : memref<4096x200x64xf32, #tpu.memory_space<hbm>> -> memref<1x200x64xf32, #tpu.memory_space<hbm>>
    %dma_start3A_74 = arith.constant 0 : i32
    %dma_start3A_75 = arith.constant 0 : i32
    %dma_start3A_76 = tpu.memref_slice %arg4[%add3A_70, %dma_start3A_74, %dma_start3A_75] : memref<4096x200x64xf32, #tpu.memory_space<hbm>> -> memref<1x200x64xf32, #tpu.memory_space<hbm>>
    tpu.enqueue_dma source(%arg12 : memref<1x200x64xf32, #tpu.memory_space<vmem>>) target(%dma_start3A_76 : memref<1x200x64xf32, #tpu.memory_space<hbm>>) target_semaphore(%arg20 : memref<!tpu.dma_semaphore, #tpu.memory_space<semaphore_mem>>)
    %dma_wait3A_77 = arith.constant 0 : i32
    %dma_wait3A_78 = arith.constant 0 : i32
    %dma_wait3A_79 = tpu.memref_slice %arg4[%mul3A_2, %dma_wait3A_77, %dma_wait3A_78] : memref<4096x200x64xf32, #tpu.memory_space<hbm>> -> memref<1x200x64xf32, #tpu.memory_space<hbm>>
    %dma_wait3A_80 = arith.constant 0 : i32
    %dma_wait3A_81 = arith.constant 0 : i32
    %dma_wait3A_82 = tpu.memref_slice %arg4[%mul3A_2, %dma_wait3A_80, %dma_wait3A_81] : memref<4096x200x64xf32, #tpu.memory_space<hbm>> -> memref<1x200x64xf32, #tpu.memory_space<hbm>>
    tpu.wait_dma2 semaphore(%arg19 : memref<!tpu.dma_semaphore, #tpu.memory_space<semaphore_mem>>) src(%arg11 : memref<1x200x64xf32, #tpu.memory_space<vmem>>) dst(%dma_wait3A_82 : memref<1x200x64xf32, #tpu.memory_space<hbm>>)
    %dma_wait3A_83 = arith.constant 0 : i32
    %dma_wait3A_84 = arith.constant 0 : i32
    %dma_wait3A_85 = tpu.memref_slice %arg4[%mul3A_2, %dma_wait3A_83, %dma_wait3A_84] : memref<4096x200x64xf32, #tpu.memory_space<hbm>> -> memref<1x200x64xf32, #tpu.memory_space<hbm>>
    %dma_wait3A_86 = arith.constant 0 : i32
    %dma_wait3A_87 = arith.constant 0 : i32
    %dma_wait3A_88 = tpu.memref_slice %arg4[%mul3A_2, %dma_wait3A_86, %dma_wait3A_87] : memref<4096x200x64xf32, #tpu.memory_space<hbm>> -> memref<1x200x64xf32, #tpu.memory_space<hbm>>
    tpu.wait_dma2 semaphore(%arg20 : memref<!tpu.dma_semaphore, #tpu.memory_space<semaphore_mem>>) src(%arg12 : memref<1x200x64xf32, #tpu.memory_space<vmem>>) dst(%dma_wait3A_88 : memref<1x200x64xf32, #tpu.memory_space<hbm>>)
    return
  }
}

</mosaic_0001>

<sc_bundles>
// kernel: kernel.3.cloned.1.call-start
scs
__scs_entry_jumppad:
0x0: {  	(pc) =	sbr.rel $0x88, $3  }
0x1: {  	(tag) =	ssettag $0x0;
	lr =	simm.s32 $0x1  }
0x2: {  	[smem:$0x3F9F] =	sst lr;
	_ =	strace $0xD0000000  }
0x3: {  	_ = 	snop  }
0x4: {  	_ = 	snop  }
0x5: {  	_ = 	snop  }
0x6: {  	_ = 	snop  }
0x7: {  	_ = 	snop  }
__scs_overlays_trampoline_lowered:
0x8: {  	[smem:$0x3FAE] =	sst s0  }
0x9: {  	[smem:$0x3FAF] =	sst s1  }
0xa: {  	[smem:$0x3FB0] =	sst s2  }
0xb: {  	[smem:$0x3FB1] =	sst s3  }
0xc: {  	[smem:$0x3FB2] =	sst s4  }
0xd: {  	[smem:$0x3FB3] =	sst s5  }
0xe: {  	[smem:$0x3FB4] =	sst s6  }
0xf: {  	[smem:$0x3FB5] =	sst s7  }
0x10: {  	[smem:$0x3FB6] =	sst s8  }
0x11: {  	[smem:$0x3FB7] =	sst s9;
	s0 =	simm.s32 @!p0 $0x0  }
0x12: {  	s1 =	sld [smem:$0x3F9D];
	s0 =	simm.s32 @p0 $0x1  }
0x13: {  	[smem:$0x3FB8] =	sst s0;
	s0 =	simm.s32 @!p1 $0x0  }
0x14: {  	s2 =	sld [smem:$0x3F9C];
	s0 =	simm.s32 @p1 $0x1  }
0x15: {  	[smem:$0x3FB9] =	sst s0;
	s0 =	simm.s32 @!p2 $0x0  }
0x16: {  	s3 =	sld [smem:$0x3FDB];
	s0 =	simm.s32 @p2 $0x1  }
0x17: {  	s4 =	simm.s32 $0x1BF5;
	[smem:$0x3FBB] =	sst s0  }
0x18: {  	s0 =	sld [smem:$0x3F9E];
	_ =	swait.ge [sflag:s4], $0x0  }
0x19: {  	s7 =	sld [smem:$0x3F9F]  }
0x1a: {  	s8 =	sadd.s32 $0xFFFFE003, lr  }
0x1b: {  	s9 =	sadd.s32 $0xFFFFFEF7, lr;
	s5 =	simm.s32 $0xFFFFFFFF;
	p2 =	slt.u32 s8, $0xFFFFF086  }
0x1c: {  	p1 =	slt.u32 s9, $0xF7A;
	s5 =	simm.s32 @!p2 $0x0  }
0x1d: {  	s5 =	simm.s32 @p1 $0x1;
	p0 =	seq.s32 s7, s2  }
0x1e: {  	s7 =	smul.u32 @!p0 $0xF7A, s2;
	p2 =	seq.s32 @!p0 s5, $0x0  }
0x1f: {  	s9 =	smul.u32 $0xF7A, s1;
	s8 =	simm.s32 @!p0 $0x1BF5;
	p2 =	por !p2, p0  }
0x20: {  	[sflag:s8] =	ssyncset.s32 @!p0 $0xFFFFF086;
	s6 =	sadd.s32 @!p0 s3, s7;
	s7 =	simm.s32 @!p0 $0x108  }
0x21: {  	s3 =	sadd.s32 s3, s9;
	s6 =	sadd.s32 @!p0 $0x88, s6;
	s7 =	simm.s32 @p2 $0x1082  }
0x22: {  	[simem:s7], [sflag:s8] =	dma.local @!p0 [hbm:s6], $0xF7A  }
0x23: {  	s9 =	sor.u32 $0xD0000000, s2;
	s6 =	simm.s32 $0x108;
	_ =	swait.ge @!p0 [sflag:s8], $0x0  }
0x24: {  	s3 =	sadd.s32 $0x88, s3;
	s6 =	simm.s32 @!p1 $0x1082;
	[sflag:s4] =	ssyncset.s32 $0xFFFFF086  }
0x25: {  	[simem:s6], [sflag:s4] =	dma.local [hbm:s3], $0xF7A  }
0x26: {  	[smem:$0x3F9F] =	sst s1;
	(tag) =	ssettag s2;
	_ =	strace s9  }
0x27: {  	s1 =	sld [smem:$0x3FAF]  }
0x28: {  	s2 =	sld [smem:$0x3FB0]  }
0x29: {  	s4 =	sld [smem:$0x3FB2]  }
0x2a: {  	p0 =	seq.s32 s5, $0x0;
	s5 =	sld [smem:$0x3FB3]  }
0x2b: {  	s6 =	sld [smem:$0x3FB4]  }
0x2c: {  	s7 =	sld [smem:$0x3FB5]  }
0x2d: {  	s3 =	simm.s32 $0x108;
	s8 =	sld [smem:$0x3FB6]  }
0x2e: {  	s3 =	simm.s32 @!p0 $0x1082;
	s9 =	sld [smem:$0x3FB7]  }
0x2f: {  	lr =	sadd.s32 s0, s3;
	s0 =	sld [smem:$0x3FAE]  }
0x30: {  	s3 =	sld [smem:$0x3FB1]  }
0x31: {  	[smem:$0x3FBA] =	sst s10  }
0x32: {  	s10 =	sld [smem:$0x3FB8];
	_ =	sdelay $0x3  }
0x33: {  	p0 =	seq.s32 s10, $0x1;
	s10 =	sld [smem:$0x3FBA];
	_ =	sdelay $0x3  }
0x34: {  	[smem:$0x3FBA] =	sst s10  }
0x35: {  	s10 =	sld [smem:$0x3FB9];
	_ =	sdelay $0x3  }
0x36: {  	p1 =	seq.s32 s10, $0x1;
	s10 =	sld [smem:$0x3FBA];
	_ =	sdelay $0x3  }
0x37: {  	[smem:$0x3FBA] =	sst s10  }
0x38: {  	s10 =	sld [smem:$0x3FBB]  }
0x39: {  	_ = 	snop;
	(pc) =	sbr.ind lr, $3  }
0x3a: {  	_ = 	snop  }
0x3b: {  	_ = 	snop  }
0x3c: {  	p2 =	seq.s32 s10, $0x1;
	s10 =	sld [smem:$0x3FBA]  }
0x3d: {  	_ =	shalt  }
0x3e: {  	_ =	shalt  }
0x3f: {  	_ =	shalt  }
0x40: {  	_ =	shalt  }
0x41: {  	_ =	shalt  }
0x42: {  	_ =	shalt  }
0x43: {  	_ =	shalt  }
0x44: {  	_ =	shalt  }
0x45: {  	_ =	shalt  }
0x46: {  	_ =	shalt  }
0x47: {  	_ =	shalt  }
0x48: {  	_ =	shalt  }
0x49: {  	_ =	shalt  }
0x4a: {  	_ =	shalt  }
0x4b: {  	_ =	shalt  }
0x4c: {  	_ =	shalt  }
0x4d: {  	_ =	shalt  }
0x4e: {  	_ =	shalt  }
0x4f: {  	_ =	shalt  }
0x50: {  	_ =	shalt  }
0x51: {  	_ =	shalt  }
0x52: {  	_ =	shalt  }
0x53: {  	_ =	shalt  }
0x54: {  	_ =	shalt  }
0x55: {  	_ =	shalt  }
0x56: {  	_ =	shalt  }
0x57: {  	_ =	shalt  }
0x58: {  	_ =	shalt  }
0x59: {  	_ =	shalt  }
0x5a: {  	_ =	shalt  }
0x5b: {  	_ =	shalt  }
0x5c: {  	_ =	shalt  }
0x5d: {  	_ =	shalt  }
0x5e: {  	_ =	shalt  }
0x5f: {  	_ =	shalt  }
0x60: {  	_ =	shalt  }
0x61: {  	_ =	shalt  }
0x62: {  	_ =	shalt  }
0x63: {  	_ =	shalt  }
0x64: {  	_ =	shalt  }
0x65: {  	_ =	shalt  }
0x66: {  	_ =	shalt  }
0x67: {  	_ =	shalt  }
0x68: {  	_ =	shalt  }
0x69: {  	_ =	shalt  }
0x6a: {  	_ =	shalt  }
0x6b: {  	_ =	shalt  }
0x6c: {  	_ =	shalt  }
0x6d: {  	_ =	shalt  }
0x6e: {  	_ =	shalt  }
0x6f: {  	_ =	shalt  }
0x70: {  	_ =	shalt  }
0x71: {  	_ =	shalt  }
0x72: {  	_ =	shalt  }
0x73: {  	_ =	shalt  }
0x74: {  	_ =	shalt  }
0x75: {  	_ =	shalt  }
0x76: {  	_ =	shalt  }
0x77: {  	_ =	shalt  }
0x78: {  	_ =	shalt  }
0x79: {  	_ =	shalt  }
0x7a: {  	_ =	shalt  }
0x7b: {  	_ =	shalt  }
0x7c: {  	_ =	shalt  }
0x7d: {  	_ =	shalt  }
0x7e: {  	_ =	shalt  }
0x7f: {  	_ =	shalt  }
0x80: {  	_ =	shalt  }
0x81: {  	_ =	shalt  }
0x82: {  	_ =	shalt  }
0x83: {  	_ =	shalt  }
0x84: {  	_ =	shalt  }
0x85: {  	_ =	shalt  }
0x86: {  	_ =	shalt  }
0x87: {  	_ =	shalt  }
.Lfunc_end0:
.L_simem_size_0:
called_computation_lowered:
.L_overlay_start_0:
0x88: {  	s2 =	sld [smem:$0x3FD9]  }
0x89: {  	s3 =	sld [smem:$0x3FFE];
	_ =	sdelay $0x1  }
0x8a: {  	s1 =	srdreg.scid  }
0x8b: {  	s0 =	sand.u32 $0x1, s1  }
0x8c: {  	s17 =	sshll.u32 s0, $0xA;
	s2 =	sadd.s32 s3, s2  }
0x8d: {  	s2 =	sadd.s32 s2, s17  }
0x8e: {  	[smem:$0x3FC6] =	sst s2  }
0x8f: {  	_ = 	snop  }
0x90: {  	s2 =	sld [smem:$0x3FD0];
	(tm) =	ssettm $0x1  }
0x91: {  	s18 =	sld [smem:$0x3FFB];
	_ =	sdelay $0x3  }
0x92: {  	_ =	strace s18  }
0x93: {  	s3 =	sld [smem:$0x3FFC];
	_ =	sdelay $0x3  }
0x94: {  	_ =	strace s3  }
0x95: {  	s3 =	sld [smem:$0x3FFD];
	_ =	sdelay $0x3  }
0x96: {  	_ =	strace s3  }
0x97: {  	_ =	strace $0x8FFFFFFF  }
0x98: {  	s19 =	sld [smem:$0x3FDB];
	_ =	sdelay $0x1  }
0x99: {  	s4 =	simm.s32 $_scs_section_size  }
0x9a: {  	s5 =	simm.s32 $_size__tile_overlayer_lowered;
	s6 =	simm.s32 $_tile_overlayer_lowered  }
0x9b: {  	s22 =	simm.s32 $0x1BFF;
	s21 =	sshll.u32 s6, $0x1;
	s3 =	sadd.s32 s4, s19  }
0x9c: {  	s7 =	simm.s32 $0x0;
	s20 =	sshll.u32 s5, $0x1;
	s5 =	sadd.s32 s21, s3  }
0x9d: {  	[timem:s7], [sflag:s22] =	dma.local [hbm:s5], s20  }
0x9e: {  	_ =	swait.ge [sflag:s22], s20  }
0x9f: {  	s4 =	ssub.s32 $0x0, s20;
	[sflag:s22] =	ssyncset.done $0x0  }
0xa0: {  	[sflag:s22] =	ssyncadd.s32 s4;
	_ =	sdelay $0x1  }
0xa1: {  	s23 =	simm.s32 $0x1B8B  }
0xa2: {  	_ =	swait.ge [sflag:s23], $0x1  }
0xa3: {  	[sflag:s23] =	ssyncset.done $0x0  }
0xa4: {  	s25 =	simm.s32 $0x1B8E;
	s24 =	sld [smem:$0x3FFE];
	[sflag:s23] =	ssyncadd.s32 $0xFFFFFFFF  }
0xa5: {  	s26 =	simm.s32 $execute0_lowered;
	[smem:$0x3FD2] =	sst s25  }
0xa6: {  	s5 =	sshll.u32 s26, $0x1;
	_ =	strace $0x80000046;
	[dreg:$0x1] =	wrdreg $0xFFFFFFFF  }
0xa7: {  	s28 =	simm.s32 $_size_execute0_lowered;
	s3 =	sadd.s32 s3, s5;
	[dreg:$0x0] =	wrdreg $0x0  }
0xa8: {  	s5 =	sshll.u32 s28, $0x1;
	[dreg:$0x2] =	wrdreg s3  }
0xa9: {  	[dreg:$0x3] =	wrdreg s5  }
0xaa: {  	[dreg:$0x4] =	wrdreg $0xC0  }
0xab: {  	_ =	task [dreg:s7], $0x5FFFF  }
0xac: {  	[dreg:$0x1] =	wrdreg $0xFFFFFFFF  }
0xad: {  	[dreg:$0x0] =	wrdreg $0x60  }
0xae: {  	[dreg:$0x2] =	wrdreg s2  }
0xaf: {  	[dreg:$0x3] =	wrdreg s24  }
0xb0: {  	[dreg:$0x4] =	wrdreg $0x9  }
0xb1: {  	_ =	task.clear_ibuf [dreg:s7], $0x5FFFF;
	_ =	strace $0x90000046  }
0xb2: {  	s29 =	simm.s32 $0x9;
	_ =	strace $0x80000048  }
0xb3: {  	_ =	swait.ge [sflag:s29], $0x1  }
0xb4: {  	[sflag:s29] =	ssyncadd.s32 $0xFFFFFFFF  }
0xb5: {  	_ =	strace $0x90000048  }
0xb6: {  	_ =	sfence  }
0xb7: {  	s30 =	sld [smem:$0x0];
	_ =	sdelay $0x2  }
0xb8: {  	s31 =	sshll.u32 s1, $0xD;
	s1 =	sshrl.u32 s1, $0x2  }
0xb9: {  	s3 =	sand.u32 $0x4000, s31;
	s1 =	sadd.s32 s1, s30  }
0xba: {  	s0 =	sor.u32 s3, s0;
	s1 =	sshll.u32 s1, $0x11  }
0xbb: {  	s0 =	sor.u32 s1, s0  }
0xbc: {  	s0 =	sadd.s32 $0x8F2B, s0  }
0xbd: {  	[sflag:s0] =	ssyncadd.remote.s32 $0x1  }
0xbe: {  	_ =	sfence.sel $0xFFFF  }
0xbf: {  	[dreg:$0x0] =	wrdreg $0xFFFFFFFF;
	(pc) =	sbr.abs _section_cstart, $3  }
0xc0: {  	[dreg:$0x1] =	wrdreg $0xFFFFFFFF  }
0xc1: {  	_ =	task.clear_ibuf [dreg:s7], $0x2FFFF;
	_ =	strace $0x9FFFFFFF  }
0xc2: {  	(tm) =	ssettm $0x7FFFFFFF  }
0xc3: {  	_ =	shalt  }
tec
execute0_lowered:
.L_overlay_start_1:
0x0: {  	(tag) =	ssettag $0x1  }
0x1: {  	s2 =	rddreg [dreg:$0x0]  }
0x2: {  	s0 =	rddreg [dreg:$0x1]  }
0x3: {  	s1 =	srdreg.scid;
	s4 =	stileid.u32  }
0x4: {  	s3 =	simm.s32 $0x0;
	s28 =	simm.s32 $0x6700;
	s29 =	simm.s32 $0x3  }
0x5: {  	s30 =	simm.s32 $0xCB00;
	s1 =	sand.u32 $0x1, s1;
	s4 =	sshll.u32 s4, $0x1  }
0x6: {  	s31 =	simm.s32 $0x4;
	s9 =	simm.s32 $0x6;
	s7 =	sor.u32 s1, s4  }
0x7: {  	s10 =	simm.s32 $0x0;
	[smem:$0x7FF] =	sst s3;
	s6 =	sshll.u32 s7, $0x7  }
0x8: {  	s5 =	sadd.s32 $0x600, s0;
	_ =	strace $0x80000047;
	s19 =	sor.u32 $0x3, s6  }
0x9: {  	s1 =	ssub.s32 $0x2, s1;
	s20 =	sor.u32 $0x4, s6;
	[dreg:$0x6] =	wrdreg s19  }
0xa: {  	s4 =	sadd.s32 $0xF42A00, s0;
	s21 =	sor.u32 $0x1, s6;
	[dreg:$0x7] =	wrdreg s20  }
0xb: {  	s8 =	smul.u32 $0xC80, s7;
	s22 =	sor.u32 $0x5, s6;
	[dreg:$0x8] =	wrdreg s21  }
0xc: {  	s16 =	sshrl.u32 s1, $0x1;
	s23 =	sor.u32 $0x2, s6;
	[dreg:$0x9] =	wrdreg s22  }
0xd: {  	s18 =	smul.u32 $0x320000, s7;
	s24 =	sor.u32 $0x6, s6;
	[dreg:$0xa] =	wrdreg s23  }
0xe: {  	s0 =	ssub.s32 s1, s16;
	s25 =	sor.u32 $0x7, s6;
	[dreg:$0xb] =	wrdreg s24  }
0xf: {  	s17 =	sadd.s32 s2, s8;
	[dreg:$0xc] =	wrdreg s25;
	s0 =	smax.u32 s0, $0x1  }
0x10: {  	s21 =	simm.s32 $0x100;
	s22 =	simm.s32 $0x200;
	s23 =	simm.s32 $0x1  }
0x11: {  	s24 =	simm.s32 $0xC8;
	s25 =	simm.s32 $0x300;
	s19 =	simm.s32 $0x8  }
0x12: {  	s8 =	sadd.s32 $0x19, s17;
	[dreg:$0x3] =	wrdreg s17;
	s1 =	sadd.s32 $0x32, s17  }
0x13: {  	s17 =	sor.u32 $0x8, s6;
	[dreg:$0x5] =	wrdreg s1;
	s1 =	sshrl.u32 s18, $0x3  }
0x14: {  	[dreg:$0xf] =	wrdreg s0;
	s0 =	simm.s32 $0x12F00;
	s1 =	sadd.s32 s5, s1  }
0x15: {  	[dreg:$0x4] =	wrdreg s8;
	s8 =	simm.s32 $0x19300;
	s26 =	sadd.s32 $0x62700, s1  }
0x16: {  	s18 =	simm.s32 $0x7;
	s1 =	sadd.s32 $0x63380, s1;
	[dreg:$0xd] =	wrdreg s26  }
0x17: {  	[dreg:$0xe] =	wrdreg s1;
	s26 =	simm.s32 $0x2;
	s1 =	simm.s32 $0x5  }
.LBB2_1:
0x18: {  	[dreg:$0x10] =	wrdreg s10  }
0x19: {  	s7 =	rddreg [dreg:$0x3]  }
0x1a: {  	[tilespmem:s3], [sflag:$0x1] =	stream.linear.gather [hbm4b:s7+s3], $0xC8, $0x38;
	[tilespmem:$0x1F700] =	vst v63  }
0x1b: {  	s16 =	rddreg [dreg:$0x4]  }
0x1c: {  	[tilespmem:s21], [sflag:$0x2] =	stream.linear.gather [hbm4b:s16+s3], $0xC8, $0x38;
	[tilespmem:$0x1F700] =	vst v63  }
0x1d: {  	s20 =	rddreg [dreg:$0x5]  }
0x1e: {  	[tilespmem:s22], [sflag:$0x3] =	stream.linear.gather [hbm4b:s20+s3], $0xC8, $0x38;
	[tilespmem:$0x1F700] =	vst v63  }
0x1f: {  	_ =	swait.ge [sflag:s23], $0xC8  }
0x20: {  	[sflag:s23] =	ssyncset.done $0x0  }
0x21: {  	[sflag:s23] =	ssyncadd.s32 $0xFFFFFF38  }
0x22: {  	[tilespmem:s25], [sflag:$0x4] =	stream.indirect.gather [hbm4b:s4+s24], $0x80, s3, s24, $0xb8;
	[tilespmem:$0x1F700] =	vst v63  }
0x23: {  	_ =	swait.ge [sflag:s26], $0xC8  }
0x24: {  	[sflag:s26] =	ssyncset.done $0x0  }
0x25: {  	s7 =	simm.s32 $0x0;
	[sflag:s26] =	ssyncadd.s32 $0xFFFFFF38  }
0x26: {  	[tilespmem:s28], [sflag:$0x5] =	stream.indirect.gather [hbm4b:s4+s24], $0x80, s21, s24, $0xb8;
	[tilespmem:$0x1F700] =	vst v63  }
.LBB2_2:
0x27: {  	_ =	swait.ge [sflag:s29], $0xC8;
	s20 =	smul.u32 $0x6, s7  }
0x28: {  	[sflag:s29] =	ssyncset.done $0x0;
	s10 =	rddreg [dreg:$0x6]  }
0x29: {  	[sflag:s29] =	ssyncadd.s32 $0xFFFFFF38;
	s10 =	sadd.s32 s20, s10  }
0x2a: {  	[tilespmem:s30], [sflag:$0x6] =	stream.indirect.gather [hbm4b:s4+s24], $0x80, s22, s24, $0xb8;
	[tilespmem:$0x1F700] =	vst v63  }
0x2b: {  	s11 =	smul.u32 $0x19, s10;
	_ =	swait.ge [sflag:s31], $0x6400  }
0x2c: {  	[sflag:s31] =	ssyncset.done $0x0  }
0x2d: {  	p0 =	seq.s32 s7, $0x0;
	s11 =	sadd.s32 s2, s11;
	[sflag:s31] =	ssyncadd.s32 $0xFFFF9C00  }
0x2e: {  	[tilespmem:s3], [sflag:$0x1] =	stream.linear.gather [hbm4b:s11+s3], $0xC8, $0x38;
	[tilespmem:$0x1F700] =	vst v63  }
0x2f: {  	s11 =	simm.s32 @!p0 $0x7  }
0x30: {  	_ =	swait.ge @!p0 [sflag:s11], $0x6400  }
0x31: {  	[sflag:s11] =	ssyncset.done @!p0 $0x0  }
0x32: {  	s13 =	simm.s32 $0x700;
	[sflag:s11] =	ssyncadd.s32 @!p0 $0xFFFF9C00  }
0x33: {  	v0 =	vld [tilespmem:s13+$0x380]  }
0x34: {  	v1 =	vld [tilespmem:s13+$0xFFFFFC80]  }
0x35: {  	v2 =	vld [tilespmem:s13+$0xFFFFFD00]  }
0x36: {  	v3 =	vld [tilespmem:s13+$0xFFFFFD80]  }
0x37: {  	v4 =	vld [tilespmem:s13+$0xFFFFFE00]  }
0x38: {  	v5 =	vld [tilespmem:s13+$0xFFFFFE80];
	v0 =	vmul.f32 $8.000000000e+00, v0  }
0x39: {  	s11 =	simm.s32 $0x13300;
	v6 =	vld [tilespmem:s13+$0xFFFFFF00];
	v1 =	vmul.f32 $8.000000000e+00, v1  }
0x3a: {  	v7 =	vld [tilespmem:s13+$0xFFFFFF80];
	v2 =	vmul.f32 $8.000000000e+00, v2;
	[tilespmem:s11+$0x380] =	vst v0  }
0x3b: {  	[tilespmem:s11+$0xFFFFFC80] =	vst v1;
	v0 =	vmul.f32 $8.000000000e+00, v3;
	v1 =	vld [tilespmem:s13+$0x390]  }
0x3c: {  	[tilespmem:s11+$0xFFFFFD00] =	vst v2;
	v2 =	vmul.f32 $8.000000000e+00, v4;
	v3 =	vld [tilespmem:s13+$0x0]  }
0x3d: {  	v4 =	vld [tilespmem:s13+$0x80];
	[tilespmem:s11+$0xFFFFFD80] =	vst v0;
	v0 =	vmul.f32 $8.000000000e+00, v5  }
0x3e: {  	[tilespmem:s11+$0xFFFFFE00] =	vst v2;
	v2 =	vmul.f32 $8.000000000e+00, v6;
	v5 =	vld [tilespmem:s13+$0x100]  }
0x3f: {  	v6 =	vld [tilespmem:s13+$0x180];
	[tilespmem:s11+$0xFFFFFE80] =	vst v0;
	v0 =	vmul.f32 $8.000000000e+00, v7  }
0x40: {  	[tilespmem:s11+$0xFFFFFF00] =	vst v2;
	v2 =	vld [tilespmem:s13+$0x200];
	v1 =	vmul.f32 $8.000000000e+00, v1  }
0x41: {  	[tilespmem:s11+$0xFFFFFF80] =	vst v0;
	v0 =	vmul.f32 $8.000000000e+00, v3;
	v3 =	vld [tilespmem:s13+$0x280]  }
0x42: {  	v7 =	vld [tilespmem:s13+$0x300];
	v4 =	vmul.f32 $8.000000000e+00, v4;
	[tilespmem:s11+$0x390] =	vst v1  }
0x43: {  	[tilespmem:s11+$0x0] =	vst v0;
	v0 =	vmul.f32 $8.000000000e+00, v5;
	v5 =	vld [tilespmem:s13+$0xFFFFFC00]  }
0x44: {  	[tilespmem:s11+$0x80] =	vst v4;
	v4 =	vmul.f32 $8.000000000e+00, v6;
	v1 =	vld [tilespmem:s13+$0x3A0]  }
0x45: {  	v6 =	vld [tilespmem:s13+$0xFFFFFC90];
	[tilespmem:s11+$0x100] =	vst v0;
	v0 =	vmul.f32 $8.000000000e+00, v2  }
0x46: {  	[tilespmem:s11+$0x180] =	vst v4;
	v2 =	vld [tilespmem:s13+$0xFFFFFD10];
	v3 =	vmul.f32 $8.000000000e+00, v3  }
0x47: {  	v4 =	vld [tilespmem:s13+$0xFFFFFD90];
	[tilespmem:s11+$0x200] =	vst v0;
	v0 =	vmul.f32 $8.000000000e+00, v7  }
0x48: {  	v7 =	vld [tilespmem:s13+$0xFFFFFE10];
	[tilespmem:s11+$0x280] =	vst v3;
	v3 =	vmul.f32 $8.000000000e+00, v5  }
0x49: {  	v5 =	vld [tilespmem:s13+$0xFFFFFE90];
	v1 =	vmul.f32 $8.000000000e+00, v1;
	[tilespmem:s11+$0x300] =	vst v0  }
0x4a: {  	v0 =	vmul.f32 $8.000000000e+00, v6;
	v6 =	vld [tilespmem:s13+$0xFFFFFF10];
	[tilespmem:s11+$0xFFFFFC00] =	vst v3  }
0x4b: {  	[tilespmem:s11+$0x3A0] =	vst v1;
	v1 =	vmul.f32 $8.000000000e+00, v2;
	v3 =	vld [tilespmem:s13+$0xFFFFFC10]  }
0x4c: {  	[tilespmem:s11+$0xFFFFFC90] =	vst v0;
	v0 =	vmul.f32 $8.000000000e+00, v4;
	v2 =	vld [tilespmem:s13+$0x3B0]  }
0x4d: {  	v4 =	vld [tilespmem:s13+$0xFFFFFF90];
	[tilespmem:s11+$0xFFFFFD10] =	vst v1;
	v1 =	vmul.f32 $8.000000000e+00, v7  }
0x4e: {  	[tilespmem:s11+$0xFFFFFD90] =	vst v0;
	v0 =	vmul.f32 $8.000000000e+00, v5;
	v5 =	vld [tilespmem:s13+$0x10]  }
0x4f: {  	[tilespmem:s11+$0xFFFFFE10] =	vst v1;
	v1 =	vmul.f32 $8.000000000e+00, v6;
	v6 =	vld [tilespmem:s13+$0x90]  }
0x50: {  	[tilespmem:s11+$0xFFFFFE90] =	vst v0;
	v0 =	vld [tilespmem:s13+$0x110];
	v3 =	vmul.f32 $8.000000000e+00, v3  }
0x51: {  	v2 =	vmul.f32 $8.000000000e+00, v2;
	[tilespmem:s11+$0xFFFFFF10] =	vst v1;
	v1 =	vld [tilespmem:s13+$0x190]  }
0x52: {  	v7 =	vld [tilespmem:s13+$0x210];
	v4 =	vmul.f32 $8.000000000e+00, v4;
	[tilespmem:s11+$0xFFFFFC10] =	vst v3  }
0x53: {  	v3 =	vld [tilespmem:s13+$0x290];
	[tilespmem:s11+$0x3B0] =	vst v2;
	v2 =	vmul.f32 $8.000000000e+00, v5  }
0x54: {  	[tilespmem:s11+$0xFFFFFF90] =	vst v4;
	v5 =	vld [tilespmem:s13+$0x310];
	v4 =	vmul.f32 $8.000000000e+00, v6  }
0x55: {  	v6 =	vld [tilespmem:s13+$0xFFFFFC20];
	v0 =	vmul.f32 $8.000000000e+00, v0;
	[tilespmem:s11+$0x10] =	vst v2  }
0x56: {  	v2 =	vld [tilespmem:s13+$0xFFFFFCA0];
	[tilespmem:s11+$0x90] =	vst v4;
	v1 =	vmul.f32 $8.000000000e+00, v1  }
0x57: {  	v4 =	vld [tilespmem:s13+$0xFFFFFD20];
	[tilespmem:s11+$0x110] =	vst v0;
	v0 =	vmul.f32 $8.000000000e+00, v7  }
0x58: {  	v7 =	vld [tilespmem:s13+$0xFFFFFDA0];
	[tilespmem:s11+$0x190] =	vst v1;
	v1 =	vmul.f32 $8.000000000e+00, v3  }
0x59: {  	v3 =	vld [tilespmem:s13+$0xFFFFFE20];
	[tilespmem:s11+$0x210] =	vst v0;
	v0 =	vmul.f32 $8.000000000e+00, v5  }
0x5a: {  	v5 =	vmul.f32 $8.000000000e+00, v6;
	v6 =	vld [tilespmem:s13+$0xFFFFFEA0];
	[tilespmem:s11+$0x290] =	vst v1  }
0x5b: {  	v1 =	vmul.f32 $8.000000000e+00, v2;
	v2 =	vld [tilespmem:s13+$0xFFFFFF20];
	[tilespmem:s11+$0x310] =	vst v0  }
0x5c: {  	[tilespmem:s11+$0xFFFFFC20] =	vst v5;
	v0 =	vmul.f32 $8.000000000e+00, v4;
	v4 =	vld [tilespmem:s13+$0xFFFFFFA0]  }
0x5d: {  	v5 =	vld [tilespmem:s13+$0x20];
	[tilespmem:s11+$0xFFFFFCA0] =	vst v1;
	v1 =	vmul.f32 $8.000000000e+00, v7  }
0x5e: {  	[tilespmem:s11+$0xFFFFFD20] =	vst v0;
	v0 =	vmul.f32 $8.000000000e+00, v3;
	v3 =	vld [tilespmem:s13+$0xA0]  }
0x5f: {  	[tilespmem:s11+$0xFFFFFDA0] =	vst v1;
	v1 =	vmul.f32 $8.000000000e+00, v6;
	v6 =	vld [tilespmem:s13+$0x120]  }
0x60: {  	[tilespmem:s11+$0xFFFFFE20] =	vst v0;
	v0 =	vmul.f32 $8.000000000e+00, v2;
	v2 =	vld [tilespmem:s13+$0x1A0]  }
0x61: {  	[tilespmem:s11+$0xFFFFFEA0] =	vst v1;
	v1 =	vmul.f32 $8.000000000e+00, v4;
	v4 =	vld [tilespmem:s13+$0x220]  }
0x62: {  	[tilespmem:s11+$0xFFFFFF20] =	vst v0;
	v0 =	vmul.f32 $8.000000000e+00, v5;
	v5 =	vld [tilespmem:s13+$0x2A0]  }
0x63: {  	[tilespmem:s11+$0xFFFFFFA0] =	vst v1;
	v1 =	vmul.f32 $8.000000000e+00, v3;
	v3 =	vld [tilespmem:s13+$0x320]  }
0x64: {  	v7 =	vld [tilespmem:s13+$0xFFFFFC30];
	[tilespmem:s11+$0x20] =	vst v0;
	v0 =	vmul.f32 $8.000000000e+00, v6  }
0x65: {  	v6 =	vld [tilespmem:s13+$0xFFFFFCB0];
	[tilespmem:s11+$0xA0] =	vst v1;
	v1 =	vmul.f32 $8.000000000e+00, v2  }
0x66: {  	v2 =	vld [tilespmem:s13+$0xFFFFFD30];
	[tilespmem:s11+$0x120] =	vst v0;
	v0 =	vmul.f32 $8.000000000e+00, v4  }
0x67: {  	v4 =	vld [tilespmem:s13+$0xFFFFFDB0];
	[tilespmem:s11+$0x1A0] =	vst v1;
	v1 =	vmul.f32 $8.000000000e+00, v5  }
0x68: {  	v5 =	vld [tilespmem:s13+$0xFFFFFE30];
	[tilespmem:s11+$0x220] =	vst v0;
	v0 =	vmul.f32 $8.000000000e+00, v3  }
0x69: {  	v3 =	vmul.f32 $8.000000000e+00, v7;
	v7 =	vld [tilespmem:s13+$0xFFFFFEB0];
	[tilespmem:s11+$0x2A0] =	vst v1  }
0x6a: {  	v1 =	vmul.f32 $8.000000000e+00, v6;
	v6 =	vld [tilespmem:s13+$0xFFFFFF30];
	[tilespmem:s11+$0x320] =	vst v0  }
0x6b: {  	[tilespmem:s11+$0xFFFFFC30] =	vst v3;
	v0 =	vmul.f32 $8.000000000e+00, v2;
	v2 =	vld [tilespmem:s13+$0xFFFFFFB0]  }
0x6c: {  	[tilespmem:s11+$0xFFFFFCB0] =	vst v1;
	v1 =	vmul.f32 $8.000000000e+00, v4;
	v4 =	vld [tilespmem:s13+$0x30]  }
0x6d: {  	[tilespmem:s11+$0xFFFFFD30] =	vst v0;
	v3 =	vmul.f32 $8.000000000e+00, v5;
	v5 =	vld [tilespmem:s13+$0xB0]  }
0x6e: {  	v0 =	vld [tilespmem:s13+$0x130];
	[tilespmem:s11+$0xFFFFFDB0] =	vst v1;
	v7 =	vmul.f32 $8.000000000e+00, v7  }
0x6f: {  	v1 =	vld [tilespmem:s13+$0x1B0];
	[tilespmem:s11+$0xFFFFFE30] =	vst v3;
	v3 =	vmul.f32 $8.000000000e+00, v6  }
0x70: {  	[tilespmem:s11+$0xFFFFFEB0] =	vst v7;
	v7 =	vmul.f32 $8.000000000e+00, v2;
	v2 =	vld [tilespmem:s13+$0x230]  }
0x71: {  	[tilespmem:s11+$0xFFFFFF30] =	vst v3;
	v3 =	vld [tilespmem:s13+$0x2B0];
	v6 =	vmul.f32 $8.000000000e+00, v4  }
0x72: {  	s12 =	simm.s32 $0x0;
	v4 =	vld [tilespmem:s13+$0x330];
	s13 =	simm.s32 $0xF00;
	[tilespmem:s11+$0xFFFFFFB0] =	vst v7;
	v5 =	vmul.f32 $8.000000000e+00, v5  }
.LBB2_3:
0x73: {  	v7 =	vld [tilespmem:s13+$0x380];
	s12 =	sadd.s32 $0x10, s12;
	[tilespmem:s11+$0x30] =	vst v6;
	v0 =	vmul.f32 $8.000000000e+00, v0  }
0x74: {  	v6 =	vld [tilespmem:s13+$0xFFFFFC80];
	p1 =	slt.u32 s12, $0xB0;
	[tilespmem:s11+$0xB0] =	vst v5;
	v1 =	vmul.f32 $8.000000000e+00, v1  }
0x75: {  	v5 =	vld [tilespmem:s13+$0xFFFFFD00];
	[tilespmem:s11+$0x130] =	vst v0;
	v0 =	vmul.f32 $8.000000000e+00, v2  }
0x76: {  	v2 =	vld [tilespmem:s13+$0xFFFFFD80];
	[tilespmem:s11+$0x1B0] =	vst v1;
	v1 =	vmul.f32 $8.000000000e+00, v3  }
0x77: {  	v3 =	vld [tilespmem:s13+$0xFFFFFE00];
	[tilespmem:s11+$0x230] =	vst v0;
	v0 =	vmul.f32 $8.000000000e+00, v4  }
0x78: {  	v4 =	vld [tilespmem:s13+$0xFFFFFE80];
	v7 =	vmul.f32 $8.000000000e+00, v7;
	[tilespmem:s11+$0x2B0] =	vst v1  }
0x79: {  	v1 =	vmul.f32 $8.000000000e+00, v6;
	v6 =	vld [tilespmem:s13+$0xFFFFFF00];
	[tilespmem:s11+$0x330] =	vst v0;
	s11 =	sadd.s32 $0x800, s11  }
0x7a: {  	v0 =	vmul.f32 $8.000000000e+00, v5;
	v5 =	vld [tilespmem:s13+$0xFFFFFF80];
	[tilespmem:s11+$0x380] =	vst v7  }
0x7b: {  	[tilespmem:s11+$0xFFFFFC80] =	vst v1;
	v1 =	vmul.f32 $8.000000000e+00, v2;
	v2 =	vld [tilespmem:s13+$0x390]  }
0x7c: {  	[tilespmem:s11+$0xFFFFFD00] =	vst v0;
	v0 =	vmul.f32 $8.000000000e+00, v3;
	v3 =	vld [tilespmem:s13+$0x0]  }
0x7d: {  	[tilespmem:s11+$0xFFFFFD80] =	vst v1;
	v1 =	vmul.f32 $8.000000000e+00, v4;
	v4 =	vld [tilespmem:s13+$0x80]  }
0x7e: {  	[tilespmem:s11+$0xFFFFFE00] =	vst v0;
	v0 =	vmul.f32 $8.000000000e+00, v6;
	v6 =	vld [tilespmem:s13+$0x100]  }
0x7f: {  	[tilespmem:s11+$0xFFFFFE80] =	vst v1;
	v1 =	vmul.f32 $8.000000000e+00, v5;
	v5 =	vld [tilespmem:s13+$0x180]  }
0x80: {  	[tilespmem:s11+$0xFFFFFF00] =	vst v0;
	v0 =	vld [tilespmem:s13+$0x200];
	v2 =	vmul.f32 $8.000000000e+00, v2  }
0x81: {  	[tilespmem:s11+$0xFFFFFF80] =	vst v1;
	v1 =	vmul.f32 $8.000000000e+00, v3;
	v3 =	vld [tilespmem:s13+$0x280]  }
0x82: {  	v4 =	vmul.f32 $8.000000000e+00, v4;
	v7 =	vld [tilespmem:s13+$0x300];
	[tilespmem:s11+$0x390] =	vst v2  }
0x83: {  	[tilespmem:s11+$0x0] =	vst v1;
	v1 =	vmul.f32 $8.000000000e+00, v6;
	v2 =	vld [tilespmem:s13+$0x3A0]  }
0x84: {  	v6 =	vld [tilespmem:s13+$0xFFFFFC00];
	[tilespmem:s11+$0x80] =	vst v4;
	v4 =	vmul.f32 $8.000000000e+00, v5  }
0x85: {  	v5 =	vld [tilespmem:s13+$0xFFFFFC90];
	[tilespmem:s11+$0x100] =	vst v1;
	v0 =	vmul.f32 $8.000000000e+00, v0  }
0x86: {  	v1 =	vld [tilespmem:s13+$0xFFFFFD10];
	[tilespmem:s11+$0x180] =	vst v4;
	v3 =	vmul.f32 $8.000000000e+00, v3  }
0x87: {  	v4 =	vld [tilespmem:s13+$0xFFFFFD90];
	[tilespmem:s11+$0x200] =	vst v0;
	v0 =	vmul.f32 $8.000000000e+00, v7  }
0x88: {  	v7 =	vld [tilespmem:s13+$0xFFFFFE10];
	[tilespmem:s11+$0x280] =	vst v3;
	v2 =	vmul.f32 $8.000000000e+00, v2  }
0x89: {  	v3 =	vmul.f32 $8.000000000e+00, v6;
	v6 =	vld [tilespmem:s13+$0xFFFFFE90];
	[tilespmem:s11+$0x300] =	vst v0  }
0x8a: {  	v0 =	vmul.f32 $8.000000000e+00, v5;
	v5 =	vld [tilespmem:s13+$0xFFFFFF10];
	[tilespmem:s11+$0x3A0] =	vst v2  }
0x8b: {  	[tilespmem:s11+$0xFFFFFC00] =	vst v3;
	v1 =	vmul.f32 $8.000000000e+00, v1;
	v2 =	vld [tilespmem:s13+$0x3B0]  }
0x8c: {  	v3 =	vld [tilespmem:s13+$0xFFFFFC10];
	[tilespmem:s11+$0xFFFFFC90] =	vst v0;
	v0 =	vmul.f32 $8.000000000e+00, v4  }
0x8d: {  	[tilespmem:s11+$0xFFFFFD10] =	vst v1;
	v1 =	vmul.f32 $8.000000000e+00, v7;
	v4 =	vld [tilespmem:s13+$0xFFFFFF90]  }
0x8e: {  	[tilespmem:s11+$0xFFFFFD90] =	vst v0;
	v0 =	vmul.f32 $8.000000000e+00, v6;
	v6 =	vld [tilespmem:s13+$0x10]  }
0x8f: {  	[tilespmem:s11+$0xFFFFFE10] =	vst v1;
	v1 =	vmul.f32 $8.000000000e+00, v5;
	v5 =	vld [tilespmem:s13+$0x90]  }
0x90: {  	[tilespmem:s11+$0xFFFFFE90] =	vst v0;
	v0 =	vld [tilespmem:s13+$0x110];
	v2 =	vmul.f32 $8.000000000e+00, v2  }
0x91: {  	v3 =	vmul.f32 $8.000000000e+00, v3;
	[tilespmem:s11+$0xFFFFFF10] =	vst v1;
	v1 =	vld [tilespmem:s13+$0x190]  }
0x92: {  	s14 =	simm.s32 $0x0;
	v4 =	vmul.f32 $8.000000000e+00, v4;
	v7 =	vld [tilespmem:s13+$0x210];
	[tilespmem:s11+$0x3B0] =	vst v2  }
0x93: {  	[tilespmem:s11+$0xFFFFFC10] =	vst v3;
	v2 =	vmul.f32 $8.000000000e+00, v6;
	v3 =	vld [tilespmem:s13+$0x290]  }
0x94: {  	[tilespmem:s11+$0xFFFFFF90] =	vst v4;
	v4 =	vmul.f32 $8.000000000e+00, v5;
	v5 =	vld [tilespmem:s13+$0x310]  }
0x95: {  	v6 =	vld [tilespmem:s13+$0xFFFFFC20];
	[tilespmem:s11+$0x10] =	vst v2;
	v0 =	vmul.f32 $8.000000000e+00, v0  }
0x96: {  	v2 =	vld [tilespmem:s13+$0xFFFFFCA0];
	[tilespmem:s11+$0x90] =	vst v4;
	v1 =	vmul.f32 $8.000000000e+00, v1  }
0x97: {  	v4 =	vld [tilespmem:s13+$0xFFFFFD20];
	[tilespmem:s11+$0x110] =	vst v0;
	v0 =	vmul.f32 $8.000000000e+00, v7  }
0x98: {  	v7 =	vld [tilespmem:s13+$0xFFFFFDA0];
	[tilespmem:s11+$0x190] =	vst v1;
	v1 =	vmul.f32 $8.000000000e+00, v3  }
0x99: {  	v3 =	vld [tilespmem:s13+$0xFFFFFE20];
	[tilespmem:s11+$0x210] =	vst v0;
	v0 =	vmul.f32 $8.000000000e+00, v5  }
0x9a: {  	v5 =	vmul.f32 $8.000000000e+00, v6;
	v6 =	vld [tilespmem:s13+$0xFFFFFEA0];
	[tilespmem:s11+$0x290] =	vst v1  }
0x9b: {  	v1 =	vmul.f32 $8.000000000e+00, v2;
	v2 =	vld [tilespmem:s13+$0xFFFFFF20];
	[tilespmem:s11+$0x310] =	vst v0  }
0x9c: {  	[tilespmem:s11+$0xFFFFFC20] =	vst v5;
	v0 =	vmul.f32 $8.000000000e+00, v4;
	v4 =	vld [tilespmem:s13+$0xFFFFFFA0]  }
0x9d: {  	[tilespmem:s11+$0xFFFFFCA0] =	vst v1;
	v1 =	vmul.f32 $8.000000000e+00, v7;
	v5 =	vld [tilespmem:s13+$0x20]  }
0x9e: {  	[tilespmem:s11+$0xFFFFFD20] =	vst v0;
	v0 =	vmul.f32 $8.000000000e+00, v3;
	v3 =	vld [tilespmem:s13+$0xA0]  }
0x9f: {  	[tilespmem:s11+$0xFFFFFDA0] =	vst v1;
	v1 =	vmul.f32 $8.000000000e+00, v6;
	v6 =	vld [tilespmem:s13+$0x120]  }
0xa0: {  	[tilespmem:s11+$0xFFFFFE20] =	vst v0;
	v0 =	vmul.f32 $8.000000000e+00, v2;
	v2 =	vld [tilespmem:s13+$0x1A0]  }
0xa1: {  	[tilespmem:s11+$0xFFFFFEA0] =	vst v1;
	v1 =	vmul.f32 $8.000000000e+00, v4;
	v4 =	vld [tilespmem:s13+$0x220]  }
0xa2: {  	[tilespmem:s11+$0xFFFFFF20] =	vst v0;
	v0 =	vmul.f32 $8.000000000e+00, v5;
	v5 =	vld [tilespmem:s13+$0x2A0]  }
0xa3: {  	[tilespmem:s11+$0xFFFFFFA0] =	vst v1;
	v1 =	vmul.f32 $8.000000000e+00, v3;
	v3 =	vld [tilespmem:s13+$0x320]  }
0xa4: {  	v7 =	vld [tilespmem:s13+$0xFFFFFC30];
	[tilespmem:s11+$0x20] =	vst v0;
	v0 =	vmul.f32 $8.000000000e+00, v6  }
0xa5: {  	v6 =	vld [tilespmem:s13+$0xFFFFFCB0];
	[tilespmem:s11+$0xA0] =	vst v1;
	v1 =	vmul.f32 $8.000000000e+00, v2  }
0xa6: {  	v2 =	vld [tilespmem:s13+$0xFFFFFD30];
	[tilespmem:s11+$0x120] =	vst v0;
	v0 =	vmul.f32 $8.000000000e+00, v4  }
0xa7: {  	v4 =	vld [tilespmem:s13+$0xFFFFFDB0];
	[tilespmem:s11+$0x1A0] =	vst v1;
	v1 =	vmul.f32 $8.000000000e+00, v5  }
0xa8: {  	v5 =	vld [tilespmem:s13+$0xFFFFFE30];
	[tilespmem:s11+$0x220] =	vst v0;
	v0 =	vmul.f32 $8.000000000e+00, v3  }
0xa9: {  	v3 =	vmul.f32 $8.000000000e+00, v7;
	v7 =	vld [tilespmem:s13+$0xFFFFFEB0];
	[tilespmem:s11+$0x2A0] =	vst v1  }
0xaa: {  	v1 =	vmul.f32 $8.000000000e+00, v6;
	v6 =	vld [tilespmem:s13+$0xFFFFFF30];
	[tilespmem:s11+$0x320] =	vst v0  }
0xab: {  	[tilespmem:s11+$0xFFFFFC30] =	vst v3;
	v0 =	vmul.f32 $8.000000000e+00, v2;
	v2 =	vld [tilespmem:s13+$0xFFFFFFB0]  }
0xac: {  	[tilespmem:s11+$0xFFFFFCB0] =	vst v1;
	v1 =	vmul.f32 $8.000000000e+00, v4;
	v3 =	vld [tilespmem:s13+$0x30]  }
0xad: {  	[tilespmem:s11+$0xFFFFFD30] =	vst v0;
	v4 =	vmul.f32 $8.000000000e+00, v5;
	v5 =	vld [tilespmem:s13+$0xB0]  }
.Ltmp0:
0xae: {  	[tilespmem:s11+$0xFFFFFDB0] =	vst v1;
	v7 =	vmul.f32 $8.000000000e+00, v7;
	v0 =	vld [tilespmem:s13+$0x130];
	(pc) =	sbr.rel @p1 .LBB2_3-.Ltmp0, $4  }
0xaf: {  	[tilespmem:s11+$0xFFFFFE30] =	vst v4;
	v4 =	vmul.f32 $8.000000000e+00, v6;
	v1 =	vld [tilespmem:s13+$0x1B0]  }
0xb0: {  	[tilespmem:s11+$0xFFFFFEB0] =	vst v7;
	v7 =	vmul.f32 $8.000000000e+00, v2;
	v2 =	vld [tilespmem:s13+$0x230]  }
0xb1: {  	[tilespmem:s11+$0xFFFFFF30] =	vst v4;
	v6 =	vmul.f32 $8.000000000e+00, v3;
	v3 =	vld [tilespmem:s13+$0x2B0]  }
0xb2: {  	[tilespmem:s11+$0xFFFFFFB0] =	vst v7;
	v5 =	vmul.f32 $8.000000000e+00, v5;
	v4 =	vld [tilespmem:s13+$0x330];
	s13 =	sadd.s32 $0x800, s13  }
0xb3: {  	[tilespmem:s11+$0x30] =	vst v6;
	v0 =	vmul.f32 $8.000000000e+00, v0  }
0xb4: {  	[tilespmem:s11+$0xB0] =	vst v5;
	v1 =	vmul.f32 $8.000000000e+00, v1  }
0xb5: {  	[tilespmem:s11+$0x130] =	vst v0;
	v61 =	vmul.f32 $8.000000000e+00, v2  }
0xb6: {  	[tilespmem:s11+$0x1B0] =	vst v1;
	v62 =	vmul.f32 $8.000000000e+00, v3  }
0xb7: {  	[tilespmem:s11+$0x230] =	vst v61;
	v63 =	vmul.f32 $8.000000000e+00, v4  }
0xb8: {  	[tilespmem:s11+$0x2B0] =	vst v62  }
0xb9: {  	[tilespmem:s11+$0x330] =	vst v63  }
.LBB2_5:
0xba: {  	s11 =	sshra.s32 s14, $0x2  }
0xbb: {  	v0 =	vld [tilespmem:s11+$0x6300]  }
0xbc: {  	v1 =	vld [tilespmem:s11+$0x6310]  }
0xbd: {  	v2 =	vld [tilespmem:s11+$0x6320]  }
0xbe: {  	v3 =	vld [tilespmem:s11+$0x6330];
	_ =	sdelay $0x1  }
0xbf: {  	p1 =	sne.s32 s14, $0xE00;
	v0 =	vmul.f32 $8.000000000e+00, v0  }
.Ltmp1:
0xc0: {  	v1 =	vmul.f32 $8.000000000e+00, v1;
	(pc) =	sbr.rel @p1 .LBB2_5-.Ltmp1, $4  }
0xc1: {  	v62 =	vmul.f32 $8.000000000e+00, v2;
	[tilespmem:s11+$0x18F00] =	vst v0  }
0xc2: {  	v63 =	vmul.f32 $8.000000000e+00, v3;
	[tilespmem:s11+$0x18F10] =	vst v1  }
0xc3: {  	[tilespmem:s11+$0x18F20] =	vst v62  }
0xc4: {  	s14 =	sadd.s32 $0x200, s14;
	[tilespmem:s11+$0x18F30] =	vst v63  }
0xc5: {  	s11 =	sadd.s32 s6, s20  }
0xc6: {  	s11 =	smul.u32 $0xC80, s11;
	_ =	sdelay $0x1  }
0xc7: {  	s11 =	sadd.s32 s5, s11  }
0xc8: {  	[hbm4b:s11+s3] =	stream.linear.scatter [tilespmem:s0], [sflag:$0x7], $0x6400, $0x38;
	[tilespmem:$0x1F700] =	vst v63  }
0xc9: {  	_ =	swait.ge [sflag:s23], $0xC8  }
0xca: {  	[sflag:s23] =	ssyncset.done $0x0;
	s16 =	rddreg [dreg:$0x7]  }
0xcb: {  	[sflag:s23] =	ssyncadd.s32 $0xFFFFFF38;
	s12 =	sadd.s32 s20, s16  }
0xcc: {  	[tilespmem:s25], [sflag:$0x4] =	stream.indirect.gather [hbm4b:s4+s24], $0x80, s3, s24, $0xb8;
	[tilespmem:$0x1F700] =	vst v63  }
0xcd: {  	s11 =	smul.u32 $0x19, s12;
	_ =	swait.ge [sflag:s1], $0x6400  }
0xce: {  	[sflag:s1] =	ssyncset.done $0x0  }
0xcf: {  	s11 =	sadd.s32 s2, s11;
	[sflag:s1] =	ssyncadd.s32 $0xFFFF9C00  }
0xd0: {  	[tilespmem:s21], [sflag:$0x2] =	stream.linear.gather [hbm4b:s11+s3], $0xC8, $0x38;
	[tilespmem:$0x1F700] =	vst v63  }
0xd1: {  	s11 =	simm.s32 @!p0 $0x8  }
0xd2: {  	_ =	swait.ge @!p0 [sflag:s11], $0x6400  }
0xd3: {  	[sflag:s11] =	ssyncset.done @!p0 $0x0  }
0xd4: {  	s14 =	simm.s32 $0x6B00;
	[sflag:s11] =	ssyncadd.s32 @!p0 $0xFFFF9C00  }
0xd5: {  	v0 =	vld [tilespmem:s14+$0x380]  }
0xd6: {  	v1 =	vld [tilespmem:s14+$0xFFFFFC80]  }
0xd7: {  	v2 =	vld [tilespmem:s14+$0xFFFFFD00]  }
0xd8: {  	v3 =	vld [tilespmem:s14+$0xFFFFFD80]  }
0xd9: {  	v4 =	vld [tilespmem:s14+$0xFFFFFE00]  }
0xda: {  	v5 =	vld [tilespmem:s14+$0xFFFFFE80];
	v0 =	vmul.f32 $8.000000000e+00, v0  }
0xdb: {  	s11 =	simm.s32 $0x19700;
	v6 =	vld [tilespmem:s14+$0xFFFFFF00];
	v1 =	vmul.f32 $8.000000000e+00, v1  }
0xdc: {  	v7 =	vld [tilespmem:s14+$0xFFFFFF80];
	v2 =	vmul.f32 $8.000000000e+00, v2;
	[tilespmem:s11+$0x380] =	vst v0  }
0xdd: {  	[tilespmem:s11+$0xFFFFFC80] =	vst v1;
	v0 =	vmul.f32 $8.000000000e+00, v3;
	v1 =	vld [tilespmem:s14+$0x390]  }
0xde: {  	[tilespmem:s11+$0xFFFFFD00] =	vst v2;
	v2 =	vmul.f32 $8.000000000e+00, v4;
	v3 =	vld [tilespmem:s14+$0x0]  }
0xdf: {  	v4 =	vld [tilespmem:s14+$0x80];
	[tilespmem:s11+$0xFFFFFD80] =	vst v0;
	v0 =	vmul.f32 $8.000000000e+00, v5  }
0xe0: {  	[tilespmem:s11+$0xFFFFFE00] =	vst v2;
	v2 =	vmul.f32 $8.000000000e+00, v6;
	v5 =	vld [tilespmem:s14+$0x100]  }
0xe1: {  	v6 =	vld [tilespmem:s14+$0x180];
	[tilespmem:s11+$0xFFFFFE80] =	vst v0;
	v0 =	vmul.f32 $8.000000000e+00, v7  }
0xe2: {  	[tilespmem:s11+$0xFFFFFF00] =	vst v2;
	v2 =	vld [tilespmem:s14+$0x200];
	v1 =	vmul.f32 $8.000000000e+00, v1  }
0xe3: {  	[tilespmem:s11+$0xFFFFFF80] =	vst v0;
	v0 =	vmul.f32 $8.000000000e+00, v3;
	v3 =	vld [tilespmem:s14+$0x280]  }
0xe4: {  	v7 =	vld [tilespmem:s14+$0x300];
	v4 =	vmul.f32 $8.000000000e+00, v4;
	[tilespmem:s11+$0x390] =	vst v1  }
0xe5: {  	[tilespmem:s11+$0x0] =	vst v0;
	v0 =	vmul.f32 $8.000000000e+00, v5;
	v5 =	vld [tilespmem:s14+$0xFFFFFC00]  }
0xe6: {  	[tilespmem:s11+$0x80] =	vst v4;
	v4 =	vmul.f32 $8.000000000e+00, v6;
	v1 =	vld [tilespmem:s14+$0x3A0]  }
0xe7: {  	v6 =	vld [tilespmem:s14+$0xFFFFFC90];
	[tilespmem:s11+$0x100] =	vst v0;
	v0 =	vmul.f32 $8.000000000e+00, v2  }
0xe8: {  	[tilespmem:s11+$0x180] =	vst v4;
	v2 =	vld [tilespmem:s14+$0xFFFFFD10];
	v3 =	vmul.f32 $8.000000000e+00, v3  }
0xe9: {  	v4 =	vld [tilespmem:s14+$0xFFFFFD90];
	[tilespmem:s11+$0x200] =	vst v0;
	v0 =	vmul.f32 $8.000000000e+00, v7  }
0xea: {  	v7 =	vld [tilespmem:s14+$0xFFFFFE10];
	[tilespmem:s11+$0x280] =	vst v3;
	v3 =	vmul.f32 $8.000000000e+00, v5  }
0xeb: {  	v5 =	vld [tilespmem:s14+$0xFFFFFE90];
	v1 =	vmul.f32 $8.000000000e+00, v1;
	[tilespmem:s11+$0x300] =	vst v0  }
0xec: {  	v0 =	vmul.f32 $8.000000000e+00, v6;
	v6 =	vld [tilespmem:s14+$0xFFFFFF10];
	[tilespmem:s11+$0xFFFFFC00] =	vst v3  }
0xed: {  	[tilespmem:s11+$0x3A0] =	vst v1;
	v1 =	vmul.f32 $8.000000000e+00, v2;
	v3 =	vld [tilespmem:s14+$0xFFFFFC10]  }
0xee: {  	[tilespmem:s11+$0xFFFFFC90] =	vst v0;
	v0 =	vmul.f32 $8.000000000e+00, v4;
	v2 =	vld [tilespmem:s14+$0x3B0]  }
0xef: {  	v4 =	vld [tilespmem:s14+$0xFFFFFF90];
	[tilespmem:s11+$0xFFFFFD10] =	vst v1;
	v1 =	vmul.f32 $8.000000000e+00, v7  }
0xf0: {  	[tilespmem:s11+$0xFFFFFD90] =	vst v0;
	v0 =	vmul.f32 $8.000000000e+00, v5;
	v5 =	vld [tilespmem:s14+$0x10]  }
0xf1: {  	[tilespmem:s11+$0xFFFFFE10] =	vst v1;
	v1 =	vmul.f32 $8.000000000e+00, v6;
	v6 =	vld [tilespmem:s14+$0x90]  }
0xf2: {  	[tilespmem:s11+$0xFFFFFE90] =	vst v0;
	v0 =	vld [tilespmem:s14+$0x110];
	v3 =	vmul.f32 $8.000000000e+00, v3  }
0xf3: {  	v2 =	vmul.f32 $8.000000000e+00, v2;
	[tilespmem:s11+$0xFFFFFF10] =	vst v1;
	v1 =	vld [tilespmem:s14+$0x190]  }
0xf4: {  	v7 =	vld [tilespmem:s14+$0x210];
	v4 =	vmul.f32 $8.000000000e+00, v4;
	[tilespmem:s11+$0xFFFFFC10] =	vst v3  }
0xf5: {  	v3 =	vld [tilespmem:s14+$0x290];
	[tilespmem:s11+$0x3B0] =	vst v2;
	v2 =	vmul.f32 $8.000000000e+00, v5  }
0xf6: {  	[tilespmem:s11+$0xFFFFFF90] =	vst v4;
	v5 =	vld [tilespmem:s14+$0x310];
	v4 =	vmul.f32 $8.000000000e+00, v6  }
0xf7: {  	v6 =	vld [tilespmem:s14+$0xFFFFFC20];
	v0 =	vmul.f32 $8.000000000e+00, v0;
	[tilespmem:s11+$0x10] =	vst v2  }
0xf8: {  	v2 =	vld [tilespmem:s14+$0xFFFFFCA0];
	[tilespmem:s11+$0x90] =	vst v4;
	v1 =	vmul.f32 $8.000000000e+00, v1  }
0xf9: {  	v4 =	vld [tilespmem:s14+$0xFFFFFD20];
	[tilespmem:s11+$0x110] =	vst v0;
	v0 =	vmul.f32 $8.000000000e+00, v7  }
0xfa: {  	v7 =	vld [tilespmem:s14+$0xFFFFFDA0];
	[tilespmem:s11+$0x190] =	vst v1;
	v1 =	vmul.f32 $8.000000000e+00, v3  }
0xfb: {  	v3 =	vld [tilespmem:s14+$0xFFFFFE20];
	[tilespmem:s11+$0x210] =	vst v0;
	v0 =	vmul.f32 $8.000000000e+00, v5  }
0xfc: {  	v5 =	vmul.f32 $8.000000000e+00, v6;
	v6 =	vld [tilespmem:s14+$0xFFFFFEA0];
	[tilespmem:s11+$0x290] =	vst v1  }
0xfd: {  	v1 =	vmul.f32 $8.000000000e+00, v2;
	v2 =	vld [tilespmem:s14+$0xFFFFFF20];
	[tilespmem:s11+$0x310] =	vst v0  }
0xfe: {  	[tilespmem:s11+$0xFFFFFC20] =	vst v5;
	v0 =	vmul.f32 $8.000000000e+00, v4;
	v4 =	vld [tilespmem:s14+$0xFFFFFFA0]  }
0xff: {  	v5 =	vld [tilespmem:s14+$0x20];
	[tilespmem:s11+$0xFFFFFCA0] =	vst v1;
	v1 =	vmul.f32 $8.000000000e+00, v7  }
0x100: {  	[tilespmem:s11+$0xFFFFFD20] =	vst v0;
	v0 =	vmul.f32 $8.000000000e+00, v3;
	v3 =	vld [tilespmem:s14+$0xA0]  }
0x101: {  	[tilespmem:s11+$0xFFFFFDA0] =	vst v1;
	v1 =	vmul.f32 $8.000000000e+00, v6;
	v6 =	vld [tilespmem:s14+$0x120]  }
0x102: {  	[tilespmem:s11+$0xFFFFFE20] =	vst v0;
	v0 =	vmul.f32 $8.000000000e+00, v2;
	v2 =	vld [tilespmem:s14+$0x1A0]  }
0x103: {  	[tilespmem:s11+$0xFFFFFEA0] =	vst v1;
	v1 =	vmul.f32 $8.000000000e+00, v4;
	v4 =	vld [tilespmem:s14+$0x220]  }
0x104: {  	[tilespmem:s11+$0xFFFFFF20] =	vst v0;
	v0 =	vmul.f32 $8.000000000e+00, v5;
	v5 =	vld [tilespmem:s14+$0x2A0]  }
0x105: {  	[tilespmem:s11+$0xFFFFFFA0] =	vst v1;
	v1 =	vmul.f32 $8.000000000e+00, v3;
	v3 =	vld [tilespmem:s14+$0x320]  }
0x106: {  	v7 =	vld [tilespmem:s14+$0xFFFFFC30];
	[tilespmem:s11+$0x20] =	vst v0;
	v0 =	vmul.f32 $8.000000000e+00, v6  }
0x107: {  	v6 =	vld [tilespmem:s14+$0xFFFFFCB0];
	[tilespmem:s11+$0xA0] =	vst v1;
	v1 =	vmul.f32 $8.000000000e+00, v2  }
0x108: {  	v2 =	vld [tilespmem:s14+$0xFFFFFD30];
	[tilespmem:s11+$0x120] =	vst v0;
	v0 =	vmul.f32 $8.000000000e+00, v4  }
0x109: {  	v4 =	vld [tilespmem:s14+$0xFFFFFDB0];
	[tilespmem:s11+$0x1A0] =	vst v1;
	v1 =	vmul.f32 $8.000000000e+00, v5  }
0x10a: {  	v5 =	vld [tilespmem:s14+$0xFFFFFE30];
	[tilespmem:s11+$0x220] =	vst v0;
	v0 =	vmul.f32 $8.000000000e+00, v3  }
0x10b: {  	v3 =	vmul.f32 $8.000000000e+00, v7;
	v7 =	vld [tilespmem:s14+$0xFFFFFEB0];
	[tilespmem:s11+$0x2A0] =	vst v1  }
0x10c: {  	v1 =	vmul.f32 $8.000000000e+00, v6;
	v6 =	vld [tilespmem:s14+$0xFFFFFF30];
	[tilespmem:s11+$0x320] =	vst v0  }
0x10d: {  	[tilespmem:s11+$0xFFFFFC30] =	vst v3;
	v0 =	vmul.f32 $8.000000000e+00, v2;
	v2 =	vld [tilespmem:s14+$0xFFFFFFB0]  }
0x10e: {  	[tilespmem:s11+$0xFFFFFCB0] =	vst v1;
	v1 =	vmul.f32 $8.000000000e+00, v4;
	v4 =	vld [tilespmem:s14+$0x30]  }
0x10f: {  	[tilespmem:s11+$0xFFFFFD30] =	vst v0;
	v3 =	vmul.f32 $8.000000000e+00, v5;
	v5 =	vld [tilespmem:s14+$0xB0]  }
0x110: {  	v0 =	vld [tilespmem:s14+$0x130];
	[tilespmem:s11+$0xFFFFFDB0] =	vst v1;
	v7 =	vmul.f32 $8.000000000e+00, v7  }
0x111: {  	v1 =	vld [tilespmem:s14+$0x1B0];
	[tilespmem:s11+$0xFFFFFE30] =	vst v3;
	v3 =	vmul.f32 $8.000000000e+00, v6  }
0x112: {  	[tilespmem:s11+$0xFFFFFEB0] =	vst v7;
	v7 =	vmul.f32 $8.000000000e+00, v2;
	v2 =	vld [tilespmem:s14+$0x230]  }
0x113: {  	[tilespmem:s11+$0xFFFFFF30] =	vst v3;
	v3 =	vld [tilespmem:s14+$0x2B0];
	v6 =	vmul.f32 $8.000000000e+00, v4  }
0x114: {  	s13 =	simm.s32 $0x0;
	v4 =	vld [tilespmem:s14+$0x330];
	s14 =	simm.s32 $0x7300;
	[tilespmem:s11+$0xFFFFFFB0] =	vst v7;
	v5 =	vmul.f32 $8.000000000e+00, v5  }
.LBB2_7:
0x115: {  	v7 =	vld [tilespmem:s14+$0x380];
	s13 =	sadd.s32 $0x10, s13;
	[tilespmem:s11+$0x30] =	vst v6;
	v0 =	vmul.f32 $8.000000000e+00, v0  }
0x116: {  	v6 =	vld [tilespmem:s14+$0xFFFFFC80];
	p0 =	slt.u32 s13, $0xB0;
	[tilespmem:s11+$0xB0] =	vst v5;
	v1 =	vmul.f32 $8.000000000e+00, v1  }
0x117: {  	v5 =	vld [tilespmem:s14+$0xFFFFFD00];
	[tilespmem:s11+$0x130] =	vst v0;
	v0 =	vmul.f32 $8.000000000e+00, v2  }
0x118: {  	v2 =	vld [tilespmem:s14+$0xFFFFFD80];
	[tilespmem:s11+$0x1B0] =	vst v1;
	v1 =	vmul.f32 $8.000000000e+00, v3  }
0x119: {  	v3 =	vld [tilespmem:s14+$0xFFFFFE00];
	[tilespmem:s11+$0x230] =	vst v0;
	v0 =	vmul.f32 $8.000000000e+00, v4  }
0x11a: {  	v4 =	vld [tilespmem:s14+$0xFFFFFE80];
	v7 =	vmul.f32 $8.000000000e+00, v7;
	[tilespmem:s11+$0x2B0] =	vst v1  }
0x11b: {  	v1 =	vmul.f32 $8.000000000e+00, v6;
	v6 =	vld [tilespmem:s14+$0xFFFFFF00];
	[tilespmem:s11+$0x330] =	vst v0;
	s11 =	sadd.s32 $0x800, s11  }
0x11c: {  	v0 =	vmul.f32 $8.000000000e+00, v5;
	v5 =	vld [tilespmem:s14+$0xFFFFFF80];
	[tilespmem:s11+$0x380] =	vst v7  }
0x11d: {  	[tilespmem:s11+$0xFFFFFC80] =	vst v1;
	v1 =	vmul.f32 $8.000000000e+00, v2;
	v2 =	vld [tilespmem:s14+$0x390]  }
0x11e: {  	[tilespmem:s11+$0xFFFFFD00] =	vst v0;
	v0 =	vmul.f32 $8.000000000e+00, v3;
	v3 =	vld [tilespmem:s14+$0x0]  }
0x11f: {  	[tilespmem:s11+$0xFFFFFD80] =	vst v1;
	v1 =	vmul.f32 $8.000000000e+00, v4;
	v4 =	vld [tilespmem:s14+$0x80]  }
0x120: {  	[tilespmem:s11+$0xFFFFFE00] =	vst v0;
	v0 =	vmul.f32 $8.000000000e+00, v6;
	v6 =	vld [tilespmem:s14+$0x100]  }
0x121: {  	[tilespmem:s11+$0xFFFFFE80] =	vst v1;
	v1 =	vmul.f32 $8.000000000e+00, v5;
	v5 =	vld [tilespmem:s14+$0x180]  }
0x122: {  	[tilespmem:s11+$0xFFFFFF00] =	vst v0;
	v0 =	vld [tilespmem:s14+$0x200];
	v2 =	vmul.f32 $8.000000000e+00, v2  }
0x123: {  	[tilespmem:s11+$0xFFFFFF80] =	vst v1;
	v1 =	vmul.f32 $8.000000000e+00, v3;
	v3 =	vld [tilespmem:s14+$0x280]  }
0x124: {  	v4 =	vmul.f32 $8.000000000e+00, v4;
	v7 =	vld [tilespmem:s14+$0x300];
	[tilespmem:s11+$0x390] =	vst v2  }
0x125: {  	[tilespmem:s11+$0x0] =	vst v1;
	v1 =	vmul.f32 $8.000000000e+00, v6;
	v2 =	vld [tilespmem:s14+$0x3A0]  }
0x126: {  	v6 =	vld [tilespmem:s14+$0xFFFFFC00];
	[tilespmem:s11+$0x80] =	vst v4;
	v4 =	vmul.f32 $8.000000000e+00, v5  }
0x127: {  	v5 =	vld [tilespmem:s14+$0xFFFFFC90];
	[tilespmem:s11+$0x100] =	vst v1;
	v0 =	vmul.f32 $8.000000000e+00, v0  }
0x128: {  	v1 =	vld [tilespmem:s14+$0xFFFFFD10];
	[tilespmem:s11+$0x180] =	vst v4;
	v3 =	vmul.f32 $8.000000000e+00, v3  }
0x129: {  	v4 =	vld [tilespmem:s14+$0xFFFFFD90];
	[tilespmem:s11+$0x200] =	vst v0;
	v0 =	vmul.f32 $8.000000000e+00, v7  }
0x12a: {  	v7 =	vld [tilespmem:s14+$0xFFFFFE10];
	[tilespmem:s11+$0x280] =	vst v3;
	v2 =	vmul.f32 $8.000000000e+00, v2  }
0x12b: {  	v3 =	vmul.f32 $8.000000000e+00, v6;
	v6 =	vld [tilespmem:s14+$0xFFFFFE90];
	[tilespmem:s11+$0x300] =	vst v0  }
0x12c: {  	v0 =	vmul.f32 $8.000000000e+00, v5;
	v5 =	vld [tilespmem:s14+$0xFFFFFF10];
	[tilespmem:s11+$0x3A0] =	vst v2  }
0x12d: {  	[tilespmem:s11+$0xFFFFFC00] =	vst v3;
	v1 =	vmul.f32 $8.000000000e+00, v1;
	v2 =	vld [tilespmem:s14+$0x3B0]  }
0x12e: {  	v3 =	vld [tilespmem:s14+$0xFFFFFC10];
	[tilespmem:s11+$0xFFFFFC90] =	vst v0;
	v0 =	vmul.f32 $8.000000000e+00, v4  }
0x12f: {  	[tilespmem:s11+$0xFFFFFD10] =	vst v1;
	v1 =	vmul.f32 $8.000000000e+00, v7;
	v4 =	vld [tilespmem:s14+$0xFFFFFF90]  }
0x130: {  	[tilespmem:s11+$0xFFFFFD90] =	vst v0;
	v0 =	vmul.f32 $8.000000000e+00, v6;
	v6 =	vld [tilespmem:s14+$0x10]  }
0x131: {  	[tilespmem:s11+$0xFFFFFE10] =	vst v1;
	v1 =	vmul.f32 $8.000000000e+00, v5;
	v5 =	vld [tilespmem:s14+$0x90]  }
0x132: {  	[tilespmem:s11+$0xFFFFFE90] =	vst v0;
	v0 =	vld [tilespmem:s14+$0x110];
	v2 =	vmul.f32 $8.000000000e+00, v2  }
0x133: {  	v3 =	vmul.f32 $8.000000000e+00, v3;
	[tilespmem:s11+$0xFFFFFF10] =	vst v1;
	v1 =	vld [tilespmem:s14+$0x190]  }
0x134: {  	s15 =	simm.s32 $0x0;
	v4 =	vmul.f32 $8.000000000e+00, v4;
	v7 =	vld [tilespmem:s14+$0x210];
	[tilespmem:s11+$0x3B0] =	vst v2  }
0x135: {  	[tilespmem:s11+$0xFFFFFC10] =	vst v3;
	v2 =	vmul.f32 $8.000000000e+00, v6;
	v3 =	vld [tilespmem:s14+$0x290]  }
0x136: {  	[tilespmem:s11+$0xFFFFFF90] =	vst v4;
	v4 =	vmul.f32 $8.000000000e+00, v5;
	v5 =	vld [tilespmem:s14+$0x310]  }
0x137: {  	v6 =	vld [tilespmem:s14+$0xFFFFFC20];
	[tilespmem:s11+$0x10] =	vst v2;
	v0 =	vmul.f32 $8.000000000e+00, v0  }
0x138: {  	v2 =	vld [tilespmem:s14+$0xFFFFFCA0];
	[tilespmem:s11+$0x90] =	vst v4;
	v1 =	vmul.f32 $8.000000000e+00, v1  }
0x139: {  	v4 =	vld [tilespmem:s14+$0xFFFFFD20];
	[tilespmem:s11+$0x110] =	vst v0;
	v0 =	vmul.f32 $8.000000000e+00, v7  }
0x13a: {  	v7 =	vld [tilespmem:s14+$0xFFFFFDA0];
	[tilespmem:s11+$0x190] =	vst v1;
	v1 =	vmul.f32 $8.000000000e+00, v3  }
0x13b: {  	v3 =	vld [tilespmem:s14+$0xFFFFFE20];
	[tilespmem:s11+$0x210] =	vst v0;
	v0 =	vmul.f32 $8.000000000e+00, v5  }
0x13c: {  	v5 =	vmul.f32 $8.000000000e+00, v6;
	v6 =	vld [tilespmem:s14+$0xFFFFFEA0];
	[tilespmem:s11+$0x290] =	vst v1  }
0x13d: {  	v1 =	vmul.f32 $8.000000000e+00, v2;
	v2 =	vld [tilespmem:s14+$0xFFFFFF20];
	[tilespmem:s11+$0x310] =	vst v0  }
0x13e: {  	[tilespmem:s11+$0xFFFFFC20] =	vst v5;
	v0 =	vmul.f32 $8.000000000e+00, v4;
	v4 =	vld [tilespmem:s14+$0xFFFFFFA0]  }
0x13f: {  	[tilespmem:s11+$0xFFFFFCA0] =	vst v1;
	v1 =	vmul.f32 $8.000000000e+00, v7;
	v5 =	vld [tilespmem:s14+$0x20]  }
0x140: {  	[tilespmem:s11+$0xFFFFFD20] =	vst v0;
	v0 =	vmul.f32 $8.000000000e+00, v3;
	v3 =	vld [tilespmem:s14+$0xA0]  }
0x141: {  	[tilespmem:s11+$0xFFFFFDA0] =	vst v1;
	v1 =	vmul.f32 $8.000000000e+00, v6;
	v6 =	vld [tilespmem:s14+$0x120]  }
0x142: {  	[tilespmem:s11+$0xFFFFFE20] =	vst v0;
	v0 =	vmul.f32 $8.000000000e+00, v2;
	v2 =	vld [tilespmem:s14+$0x1A0]  }
0x143: {  	[tilespmem:s11+$0xFFFFFEA0] =	vst v1;
	v1 =	vmul.f32 $8.000000000e+00, v4;
	v4 =	vld [tilespmem:s14+$0x220]  }
0x144: {  	[tilespmem:s11+$0xFFFFFF20] =	vst v0;
	v0 =	vmul.f32 $8.000000000e+00, v5;
	v5 =	vld [tilespmem:s14+$0x2A0]  }
0x145: {  	[tilespmem:s11+$0xFFFFFFA0] =	vst v1;
	v1 =	vmul.f32 $8.000000000e+00, v3;
	v3 =	vld [tilespmem:s14+$0x320]  }
0x146: {  	v7 =	vld [tilespmem:s14+$0xFFFFFC30];
	[tilespmem:s11+$0x20] =	vst v0;
	v0 =	vmul.f32 $8.000000000e+00, v6  }
0x147: {  	v6 =	vld [tilespmem:s14+$0xFFFFFCB0];
	[tilespmem:s11+$0xA0] =	vst v1;
	v1 =	vmul.f32 $8.000000000e+00, v2  }
0x148: {  	v2 =	vld [tilespmem:s14+$0xFFFFFD30];
	[tilespmem:s11+$0x120] =	vst v0;
	v0 =	vmul.f32 $8.000000000e+00, v4  }
0x149: {  	v4 =	vld [tilespmem:s14+$0xFFFFFDB0];
	[tilespmem:s11+$0x1A0] =	vst v1;
	v1 =	vmul.f32 $8.000000000e+00, v5  }
0x14a: {  	v5 =	vld [tilespmem:s14+$0xFFFFFE30];
	[tilespmem:s11+$0x220] =	vst v0;
	v0 =	vmul.f32 $8.000000000e+00, v3  }
0x14b: {  	v3 =	vmul.f32 $8.000000000e+00, v7;
	v7 =	vld [tilespmem:s14+$0xFFFFFEB0];
	[tilespmem:s11+$0x2A0] =	vst v1  }
0x14c: {  	v1 =	vmul.f32 $8.000000000e+00, v6;
	v6 =	vld [tilespmem:s14+$0xFFFFFF30];
	[tilespmem:s11+$0x320] =	vst v0  }
0x14d: {  	[tilespmem:s11+$0xFFFFFC30] =	vst v3;
	v0 =	vmul.f32 $8.000000000e+00, v2;
	v2 =	vld [tilespmem:s14+$0xFFFFFFB0]  }
0x14e: {  	[tilespmem:s11+$0xFFFFFCB0] =	vst v1;
	v1 =	vmul.f32 $8.000000000e+00, v4;
	v3 =	vld [tilespmem:s14+$0x30]  }
0x14f: {  	[tilespmem:s11+$0xFFFFFD30] =	vst v0;
	v4 =	vmul.f32 $8.000000000e+00, v5;
	v5 =	vld [tilespmem:s14+$0xB0]  }
.Ltmp2:
0x150: {  	[tilespmem:s11+$0xFFFFFDB0] =	vst v1;
	v7 =	vmul.f32 $8.000000000e+00, v7;
	v0 =	vld [tilespmem:s14+$0x130];
	(pc) =	sbr.rel @p0 .LBB2_7-.Ltmp2, $4  }
0x151: {  	[tilespmem:s11+$0xFFFFFE30] =	vst v4;
	v4 =	vmul.f32 $8.000000000e+00, v6;
	v1 =	vld [tilespmem:s14+$0x1B0]  }
0x152: {  	[tilespmem:s11+$0xFFFFFEB0] =	vst v7;
	v7 =	vmul.f32 $8.000000000e+00, v2;
	v2 =	vld [tilespmem:s14+$0x230]  }
0x153: {  	[tilespmem:s11+$0xFFFFFF30] =	vst v4;
	v6 =	vmul.f32 $8.000000000e+00, v3;
	v3 =	vld [tilespmem:s14+$0x2B0]  }
0x154: {  	[tilespmem:s11+$0xFFFFFFB0] =	vst v7;
	v5 =	vmul.f32 $8.000000000e+00, v5;
	v4 =	vld [tilespmem:s14+$0x330];
	s14 =	sadd.s32 $0x800, s14  }
0x155: {  	[tilespmem:s11+$0x30] =	vst v6;
	v0 =	vmul.f32 $8.000000000e+00, v0  }
0x156: {  	[tilespmem:s11+$0xB0] =	vst v5;
	v1 =	vmul.f32 $8.000000000e+00, v1  }
0x157: {  	[tilespmem:s11+$0x130] =	vst v0;
	v61 =	vmul.f32 $8.000000000e+00, v2  }
0x158: {  	[tilespmem:s11+$0x1B0] =	vst v1;
	v62 =	vmul.f32 $8.000000000e+00, v3  }
0x159: {  	[tilespmem:s11+$0x230] =	vst v61;
	v63 =	vmul.f32 $8.000000000e+00, v4  }
0x15a: {  	[tilespmem:s11+$0x2B0] =	vst v62  }
0x15b: {  	[tilespmem:s11+$0x330] =	vst v63  }
.LBB2_9:
0x15c: {  	s11 =	sshra.s32 s15, $0x2  }
0x15d: {  	v0 =	vld [tilespmem:s11+$0xC700]  }
0x15e: {  	v1 =	vld [tilespmem:s11+$0xC710]  }
0x15f: {  	v2 =	vld [tilespmem:s11+$0xC720]  }
0x160: {  	v3 =	vld [tilespmem:s11+$0xC730];
	_ =	sdelay $0x1  }
0x161: {  	p0 =	sne.s32 s15, $0xE00;
	v0 =	vmul.f32 $8.000000000e+00, v0  }
.Ltmp3:
0x162: {  	v1 =	vmul.f32 $8.000000000e+00, v1;
	(pc) =	sbr.rel @p0 .LBB2_9-.Ltmp3, $4  }
0x163: {  	v62 =	vmul.f32 $8.000000000e+00, v2;
	[tilespmem:s11+$0x1F300] =	vst v0  }
0x164: {  	v63 =	vmul.f32 $8.000000000e+00, v3;
	[tilespmem:s11+$0x1F310] =	vst v1  }
0x165: {  	[tilespmem:s11+$0x1F320] =	vst v62  }
0x166: {  	s15 =	sadd.s32 $0x200, s15;
	[tilespmem:s11+$0x1F330] =	vst v63  }
0x167: {  	s11 =	rddreg [dreg:$0x8]  }
0x168: {  	s11 =	sadd.s32 s20, s11  }
0x169: {  	s11 =	smul.u32 $0xC80, s11;
	_ =	sdelay $0x1  }
0x16a: {  	s11 =	sadd.s32 s5, s11  }
0x16b: {  	[hbm4b:s11+s3] =	stream.linear.scatter [tilespmem:s8], [sflag:$0x8], $0x6400, $0x38;
	[tilespmem:$0x1F700] =	vst v63  }
0x16c: {  	_ =	swait.ge [sflag:s26], $0xC8  }
0x16d: {  	[sflag:s26] =	ssyncset.done $0x0;
	s16 =	rddreg [dreg:$0x9]  }
0x16e: {  	[sflag:s26] =	ssyncadd.s32 $0xFFFFFF38;
	s11 =	sadd.s32 s20, s16  }
0x16f: {  	[tilespmem:s28], [sflag:$0x5] =	stream.indirect.gather [hbm4b:s4+s24], $0x80, s21, s24, $0xb8;
	[tilespmem:$0x1F700] =	vst v63  }
0x170: {  	s13 =	smul.u32 $0x19, s11;
	_ =	swait.ge [sflag:s9], $0x6400  }
0x171: {  	[sflag:s9] =	ssyncset.done $0x0  }
0x172: {  	s13 =	sadd.s32 s2, s13;
	[sflag:s9] =	ssyncadd.s32 $0xFFFF9C00  }
0x173: {  	[tilespmem:s22], [sflag:$0x3] =	stream.linear.gather [hbm4b:s13+s3], $0xC8, $0x38;
	[tilespmem:$0x1F700] =	vst v63  }
0x174: {  	_ =	swait.ge [sflag:s18], $0x6400  }
0x175: {  	[sflag:s18] =	ssyncset.done $0x0  }
0x176: {  	s15 =	simm.s32 $0xCF00;
	[sflag:s18] =	ssyncadd.s32 $0xFFFF9C00  }
0x177: {  	v0 =	vld [tilespmem:s15+$0x380]  }
0x178: {  	v1 =	vld [tilespmem:s15+$0xFFFFFC80]  }
0x179: {  	v2 =	vld [tilespmem:s15+$0xFFFFFD00]  }
0x17a: {  	v3 =	vld [tilespmem:s15+$0xFFFFFD80]  }
0x17b: {  	v4 =	vld [tilespmem:s15+$0xFFFFFE00]  }
0x17c: {  	v5 =	vld [tilespmem:s15+$0xFFFFFE80];
	v0 =	vmul.f32 $8.000000000e+00, v0  }
0x17d: {  	s13 =	simm.s32 $0x13300;
	v6 =	vld [tilespmem:s15+$0xFFFFFF00];
	v1 =	vmul.f32 $8.000000000e+00, v1  }
0x17e: {  	v7 =	vld [tilespmem:s15+$0xFFFFFF80];
	v2 =	vmul.f32 $8.000000000e+00, v2;
	[tilespmem:s13+$0x380] =	vst v0  }
0x17f: {  	[tilespmem:s13+$0xFFFFFC80] =	vst v1;
	v0 =	vmul.f32 $8.000000000e+00, v3;
	v1 =	vld [tilespmem:s15+$0x390]  }
0x180: {  	[tilespmem:s13+$0xFFFFFD00] =	vst v2;
	v2 =	vmul.f32 $8.000000000e+00, v4;
	v3 =	vld [tilespmem:s15+$0x0]  }
0x181: {  	v4 =	vld [tilespmem:s15+$0x80];
	[tilespmem:s13+$0xFFFFFD80] =	vst v0;
	v0 =	vmul.f32 $8.000000000e+00, v5  }
0x182: {  	[tilespmem:s13+$0xFFFFFE00] =	vst v2;
	v2 =	vmul.f32 $8.000000000e+00, v6;
	v5 =	vld [tilespmem:s15+$0x100]  }
0x183: {  	v6 =	vld [tilespmem:s15+$0x180];
	[tilespmem:s13+$0xFFFFFE80] =	vst v0;
	v0 =	vmul.f32 $8.000000000e+00, v7  }
0x184: {  	[tilespmem:s13+$0xFFFFFF00] =	vst v2;
	v2 =	vld [tilespmem:s15+$0x200];
	v1 =	vmul.f32 $8.000000000e+00, v1  }
0x185: {  	[tilespmem:s13+$0xFFFFFF80] =	vst v0;
	v0 =	vmul.f32 $8.000000000e+00, v3;
	v3 =	vld [tilespmem:s15+$0x280]  }
0x186: {  	v7 =	vld [tilespmem:s15+$0x300];
	v4 =	vmul.f32 $8.000000000e+00, v4;
	[tilespmem:s13+$0x390] =	vst v1  }
0x187: {  	[tilespmem:s13+$0x0] =	vst v0;
	v0 =	vmul.f32 $8.000000000e+00, v5;
	v5 =	vld [tilespmem:s15+$0xFFFFFC00]  }
0x188: {  	[tilespmem:s13+$0x80] =	vst v4;
	v4 =	vmul.f32 $8.000000000e+00, v6;
	v1 =	vld [tilespmem:s15+$0x3A0]  }
0x189: {  	v6 =	vld [tilespmem:s15+$0xFFFFFC90];
	[tilespmem:s13+$0x100] =	vst v0;
	v0 =	vmul.f32 $8.000000000e+00, v2  }
0x18a: {  	[tilespmem:s13+$0x180] =	vst v4;
	v2 =	vld [tilespmem:s15+$0xFFFFFD10];
	v3 =	vmul.f32 $8.000000000e+00, v3  }
0x18b: {  	v4 =	vld [tilespmem:s15+$0xFFFFFD90];
	[tilespmem:s13+$0x200] =	vst v0;
	v0 =	vmul.f32 $8.000000000e+00, v7  }
0x18c: {  	v7 =	vld [tilespmem:s15+$0xFFFFFE10];
	[tilespmem:s13+$0x280] =	vst v3;
	v3 =	vmul.f32 $8.000000000e+00, v5  }
0x18d: {  	v5 =	vld [tilespmem:s15+$0xFFFFFE90];
	v1 =	vmul.f32 $8.000000000e+00, v1;
	[tilespmem:s13+$0x300] =	vst v0  }
0x18e: {  	v0 =	vmul.f32 $8.000000000e+00, v6;
	v6 =	vld [tilespmem:s15+$0xFFFFFF10];
	[tilespmem:s13+$0xFFFFFC00] =	vst v3  }
0x18f: {  	[tilespmem:s13+$0x3A0] =	vst v1;
	v1 =	vmul.f32 $8.000000000e+00, v2;
	v3 =	vld [tilespmem:s15+$0xFFFFFC10]  }
0x190: {  	[tilespmem:s13+$0xFFFFFC90] =	vst v0;
	v0 =	vmul.f32 $8.000000000e+00, v4;
	v2 =	vld [tilespmem:s15+$0x3B0]  }
0x191: {  	v4 =	vld [tilespmem:s15+$0xFFFFFF90];
	[tilespmem:s13+$0xFFFFFD10] =	vst v1;
	v1 =	vmul.f32 $8.000000000e+00, v7  }
0x192: {  	[tilespmem:s13+$0xFFFFFD90] =	vst v0;
	v0 =	vmul.f32 $8.000000000e+00, v5;
	v5 =	vld [tilespmem:s15+$0x10]  }
0x193: {  	[tilespmem:s13+$0xFFFFFE10] =	vst v1;
	v1 =	vmul.f32 $8.000000000e+00, v6;
	v6 =	vld [tilespmem:s15+$0x90]  }
0x194: {  	[tilespmem:s13+$0xFFFFFE90] =	vst v0;
	v0 =	vld [tilespmem:s15+$0x110];
	v3 =	vmul.f32 $8.000000000e+00, v3  }
0x195: {  	v2 =	vmul.f32 $8.000000000e+00, v2;
	[tilespmem:s13+$0xFFFFFF10] =	vst v1;
	v1 =	vld [tilespmem:s15+$0x190]  }
0x196: {  	v7 =	vld [tilespmem:s15+$0x210];
	v4 =	vmul.f32 $8.000000000e+00, v4;
	[tilespmem:s13+$0xFFFFFC10] =	vst v3  }
0x197: {  	v3 =	vld [tilespmem:s15+$0x290];
	[tilespmem:s13+$0x3B0] =	vst v2;
	v2 =	vmul.f32 $8.000000000e+00, v5  }
0x198: {  	[tilespmem:s13+$0xFFFFFF90] =	vst v4;
	v5 =	vld [tilespmem:s15+$0x310];
	v4 =	vmul.f32 $8.000000000e+00, v6  }
0x199: {  	v6 =	vld [tilespmem:s15+$0xFFFFFC20];
	v0 =	vmul.f32 $8.000000000e+00, v0;
	[tilespmem:s13+$0x10] =	vst v2  }
0x19a: {  	v2 =	vld [tilespmem:s15+$0xFFFFFCA0];
	[tilespmem:s13+$0x90] =	vst v4;
	v1 =	vmul.f32 $8.000000000e+00, v1  }
0x19b: {  	v4 =	vld [tilespmem:s15+$0xFFFFFD20];
	[tilespmem:s13+$0x110] =	vst v0;
	v0 =	vmul.f32 $8.000000000e+00, v7  }
0x19c: {  	v7 =	vld [tilespmem:s15+$0xFFFFFDA0];
	[tilespmem:s13+$0x190] =	vst v1;
	v1 =	vmul.f32 $8.000000000e+00, v3  }
0x19d: {  	v3 =	vld [tilespmem:s15+$0xFFFFFE20];
	[tilespmem:s13+$0x210] =	vst v0;
	v0 =	vmul.f32 $8.000000000e+00, v5  }
0x19e: {  	v5 =	vmul.f32 $8.000000000e+00, v6;
	v6 =	vld [tilespmem:s15+$0xFFFFFEA0];
	[tilespmem:s13+$0x290] =	vst v1  }
0x19f: {  	v1 =	vmul.f32 $8.000000000e+00, v2;
	v2 =	vld [tilespmem:s15+$0xFFFFFF20];
	[tilespmem:s13+$0x310] =	vst v0  }
0x1a0: {  	[tilespmem:s13+$0xFFFFFC20] =	vst v5;
	v0 =	vmul.f32 $8.000000000e+00, v4;
	v4 =	vld [tilespmem:s15+$0xFFFFFFA0]  }
0x1a1: {  	v5 =	vld [tilespmem:s15+$0x20];
	[tilespmem:s13+$0xFFFFFCA0] =	vst v1;
	v1 =	vmul.f32 $8.000000000e+00, v7  }
0x1a2: {  	[tilespmem:s13+$0xFFFFFD20] =	vst v0;
	v0 =	vmul.f32 $8.000000000e+00, v3;
	v3 =	vld [tilespmem:s15+$0xA0]  }
0x1a3: {  	[tilespmem:s13+$0xFFFFFDA0] =	vst v1;
	v1 =	vmul.f32 $8.000000000e+00, v6;
	v6 =	vld [tilespmem:s15+$0x120]  }
0x1a4: {  	[tilespmem:s13+$0xFFFFFE20] =	vst v0;
	v0 =	vmul.f32 $8.000000000e+00, v2;
	v2 =	vld [tilespmem:s15+$0x1A0]  }
0x1a5: {  	[tilespmem:s13+$0xFFFFFEA0] =	vst v1;
	v1 =	vmul.f32 $8.000000000e+00, v4;
	v4 =	vld [tilespmem:s15+$0x220]  }
0x1a6: {  	[tilespmem:s13+$0xFFFFFF20] =	vst v0;
	v0 =	vmul.f32 $8.000000000e+00, v5;
	v5 =	vld [tilespmem:s15+$0x2A0]  }
0x1a7: {  	[tilespmem:s13+$0xFFFFFFA0] =	vst v1;
	v1 =	vmul.f32 $8.000000000e+00, v3;
	v3 =	vld [tilespmem:s15+$0x320]  }
0x1a8: {  	v7 =	vld [tilespmem:s15+$0xFFFFFC30];
	[tilespmem:s13+$0x20] =	vst v0;
	v0 =	vmul.f32 $8.000000000e+00, v6  }
0x1a9: {  	v6 =	vld [tilespmem:s15+$0xFFFFFCB0];
	[tilespmem:s13+$0xA0] =	vst v1;
	v1 =	vmul.f32 $8.000000000e+00, v2  }
0x1aa: {  	v2 =	vld [tilespmem:s15+$0xFFFFFD30];
	[tilespmem:s13+$0x120] =	vst v0;
	v0 =	vmul.f32 $8.000000000e+00, v4  }
0x1ab: {  	v4 =	vld [tilespmem:s15+$0xFFFFFDB0];
	[tilespmem:s13+$0x1A0] =	vst v1;
	v1 =	vmul.f32 $8.000000000e+00, v5  }
0x1ac: {  	v5 =	vld [tilespmem:s15+$0xFFFFFE30];
	[tilespmem:s13+$0x220] =	vst v0;
	v0 =	vmul.f32 $8.000000000e+00, v3  }
0x1ad: {  	v3 =	vmul.f32 $8.000000000e+00, v7;
	v7 =	vld [tilespmem:s15+$0xFFFFFEB0];
	[tilespmem:s13+$0x2A0] =	vst v1  }
0x1ae: {  	v1 =	vmul.f32 $8.000000000e+00, v6;
	v6 =	vld [tilespmem:s15+$0xFFFFFF30];
	[tilespmem:s13+$0x320] =	vst v0  }
0x1af: {  	[tilespmem:s13+$0xFFFFFC30] =	vst v3;
	v0 =	vmul.f32 $8.000000000e+00, v2;
	v2 =	vld [tilespmem:s15+$0xFFFFFFB0]  }
0x1b0: {  	[tilespmem:s13+$0xFFFFFCB0] =	vst v1;
	v1 =	vmul.f32 $8.000000000e+00, v4;
	v4 =	vld [tilespmem:s15+$0x30]  }
0x1b1: {  	[tilespmem:s13+$0xFFFFFD30] =	vst v0;
	v3 =	vmul.f32 $8.000000000e+00, v5;
	v5 =	vld [tilespmem:s15+$0xB0]  }
0x1b2: {  	v0 =	vld [tilespmem:s15+$0x130];
	[tilespmem:s13+$0xFFFFFDB0] =	vst v1;
	v7 =	vmul.f32 $8.000000000e+00, v7  }
0x1b3: {  	v1 =	vld [tilespmem:s15+$0x1B0];
	[tilespmem:s13+$0xFFFFFE30] =	vst v3;
	v3 =	vmul.f32 $8.000000000e+00, v6  }
0x1b4: {  	[tilespmem:s13+$0xFFFFFEB0] =	vst v7;
	v7 =	vmul.f32 $8.000000000e+00, v2;
	v2 =	vld [tilespmem:s15+$0x230]  }
0x1b5: {  	[tilespmem:s13+$0xFFFFFF30] =	vst v3;
	v3 =	vld [tilespmem:s15+$0x2B0];
	v6 =	vmul.f32 $8.000000000e+00, v4  }
0x1b6: {  	s14 =	simm.s32 $0x0;
	v4 =	vld [tilespmem:s15+$0x330];
	s15 =	simm.s32 $0xD700;
	[tilespmem:s13+$0xFFFFFFB0] =	vst v7;
	v5 =	vmul.f32 $8.000000000e+00, v5  }
.LBB2_11:
0x1b7: {  	v7 =	vld [tilespmem:s15+$0x380];
	s14 =	sadd.s32 $0x10, s14;
	[tilespmem:s13+$0x30] =	vst v6;
	v0 =	vmul.f32 $8.000000000e+00, v0  }
0x1b8: {  	v6 =	vld [tilespmem:s15+$0xFFFFFC80];
	p0 =	slt.u32 s14, $0xB0;
	[tilespmem:s13+$0xB0] =	vst v5;
	v1 =	vmul.f32 $8.000000000e+00, v1  }
0x1b9: {  	v5 =	vld [tilespmem:s15+$0xFFFFFD00];
	[tilespmem:s13+$0x130] =	vst v0;
	v0 =	vmul.f32 $8.000000000e+00, v2  }
0x1ba: {  	v2 =	vld [tilespmem:s15+$0xFFFFFD80];
	[tilespmem:s13+$0x1B0] =	vst v1;
	v1 =	vmul.f32 $8.000000000e+00, v3  }
0x1bb: {  	v3 =	vld [tilespmem:s15+$0xFFFFFE00];
	[tilespmem:s13+$0x230] =	vst v0;
	v0 =	vmul.f32 $8.000000000e+00, v4  }
0x1bc: {  	v4 =	vld [tilespmem:s15+$0xFFFFFE80];
	v7 =	vmul.f32 $8.000000000e+00, v7;
	[tilespmem:s13+$0x2B0] =	vst v1  }
0x1bd: {  	v1 =	vmul.f32 $8.000000000e+00, v6;
	v6 =	vld [tilespmem:s15+$0xFFFFFF00];
	[tilespmem:s13+$0x330] =	vst v0;
	s13 =	sadd.s32 $0x800, s13  }
0x1be: {  	v0 =	vmul.f32 $8.000000000e+00, v5;
	v5 =	vld [tilespmem:s15+$0xFFFFFF80];
	[tilespmem:s13+$0x380] =	vst v7  }
0x1bf: {  	[tilespmem:s13+$0xFFFFFC80] =	vst v1;
	v1 =	vmul.f32 $8.000000000e+00, v2;
	v2 =	vld [tilespmem:s15+$0x390]  }
0x1c0: {  	[tilespmem:s13+$0xFFFFFD00] =	vst v0;
	v0 =	vmul.f32 $8.000000000e+00, v3;
	v3 =	vld [tilespmem:s15+$0x0]  }
0x1c1: {  	[tilespmem:s13+$0xFFFFFD80] =	vst v1;
	v1 =	vmul.f32 $8.000000000e+00, v4;
	v4 =	vld [tilespmem:s15+$0x80]  }
0x1c2: {  	[tilespmem:s13+$0xFFFFFE00] =	vst v0;
	v0 =	vmul.f32 $8.000000000e+00, v6;
	v6 =	vld [tilespmem:s15+$0x100]  }
0x1c3: {  	[tilespmem:s13+$0xFFFFFE80] =	vst v1;
	v1 =	vmul.f32 $8.000000000e+00, v5;
	v5 =	vld [tilespmem:s15+$0x180]  }
0x1c4: {  	[tilespmem:s13+$0xFFFFFF00] =	vst v0;
	v0 =	vld [tilespmem:s15+$0x200];
	v2 =	vmul.f32 $8.000000000e+00, v2  }
0x1c5: {  	[tilespmem:s13+$0xFFFFFF80] =	vst v1;
	v1 =	vmul.f32 $8.000000000e+00, v3;
	v3 =	vld [tilespmem:s15+$0x280]  }
0x1c6: {  	v4 =	vmul.f32 $8.000000000e+00, v4;
	v7 =	vld [tilespmem:s15+$0x300];
	[tilespmem:s13+$0x390] =	vst v2  }
0x1c7: {  	[tilespmem:s13+$0x0] =	vst v1;
	v1 =	vmul.f32 $8.000000000e+00, v6;
	v2 =	vld [tilespmem:s15+$0x3A0]  }
0x1c8: {  	v6 =	vld [tilespmem:s15+$0xFFFFFC00];
	[tilespmem:s13+$0x80] =	vst v4;
	v4 =	vmul.f32 $8.000000000e+00, v5  }
0x1c9: {  	v5 =	vld [tilespmem:s15+$0xFFFFFC90];
	[tilespmem:s13+$0x100] =	vst v1;
	v0 =	vmul.f32 $8.000000000e+00, v0  }
0x1ca: {  	v1 =	vld [tilespmem:s15+$0xFFFFFD10];
	[tilespmem:s13+$0x180] =	vst v4;
	v3 =	vmul.f32 $8.000000000e+00, v3  }
0x1cb: {  	v4 =	vld [tilespmem:s15+$0xFFFFFD90];
	[tilespmem:s13+$0x200] =	vst v0;
	v0 =	vmul.f32 $8.000000000e+00, v7  }
0x1cc: {  	v7 =	vld [tilespmem:s15+$0xFFFFFE10];
	[tilespmem:s13+$0x280] =	vst v3;
	v2 =	vmul.f32 $8.000000000e+00, v2  }
0x1cd: {  	v3 =	vmul.f32 $8.000000000e+00, v6;
	v6 =	vld [tilespmem:s15+$0xFFFFFE90];
	[tilespmem:s13+$0x300] =	vst v0  }
0x1ce: {  	v0 =	vmul.f32 $8.000000000e+00, v5;
	v5 =	vld [tilespmem:s15+$0xFFFFFF10];
	[tilespmem:s13+$0x3A0] =	vst v2  }
0x1cf: {  	[tilespmem:s13+$0xFFFFFC00] =	vst v3;
	v1 =	vmul.f32 $8.000000000e+00, v1;
	v2 =	vld [tilespmem:s15+$0x3B0]  }
0x1d0: {  	v3 =	vld [tilespmem:s15+$0xFFFFFC10];
	[tilespmem:s13+$0xFFFFFC90] =	vst v0;
	v0 =	vmul.f32 $8.000000000e+00, v4  }
0x1d1: {  	[tilespmem:s13+$0xFFFFFD10] =	vst v1;
	v1 =	vmul.f32 $8.000000000e+00, v7;
	v4 =	vld [tilespmem:s15+$0xFFFFFF90]  }
0x1d2: {  	[tilespmem:s13+$0xFFFFFD90] =	vst v0;
	v0 =	vmul.f32 $8.000000000e+00, v6;
	v6 =	vld [tilespmem:s15+$0x10]  }
0x1d3: {  	[tilespmem:s13+$0xFFFFFE10] =	vst v1;
	v1 =	vmul.f32 $8.000000000e+00, v5;
	v5 =	vld [tilespmem:s15+$0x90]  }
0x1d4: {  	[tilespmem:s13+$0xFFFFFE90] =	vst v0;
	v0 =	vld [tilespmem:s15+$0x110];
	v2 =	vmul.f32 $8.000000000e+00, v2  }
0x1d5: {  	v3 =	vmul.f32 $8.000000000e+00, v3;
	[tilespmem:s13+$0xFFFFFF10] =	vst v1;
	v1 =	vld [tilespmem:s15+$0x190]  }
0x1d6: {  	s16 =	simm.s32 $0x0;
	v4 =	vmul.f32 $8.000000000e+00, v4;
	v7 =	vld [tilespmem:s15+$0x210];
	[tilespmem:s13+$0x3B0] =	vst v2  }
0x1d7: {  	[tilespmem:s13+$0xFFFFFC10] =	vst v3;
	v2 =	vmul.f32 $8.000000000e+00, v6;
	v3 =	vld [tilespmem:s15+$0x290]  }
0x1d8: {  	[tilespmem:s13+$0xFFFFFF90] =	vst v4;
	v4 =	vmul.f32 $8.000000000e+00, v5;
	v5 =	vld [tilespmem:s15+$0x310]  }
0x1d9: {  	v6 =	vld [tilespmem:s15+$0xFFFFFC20];
	[tilespmem:s13+$0x10] =	vst v2;
	v0 =	vmul.f32 $8.000000000e+00, v0  }
0x1da: {  	v2 =	vld [tilespmem:s15+$0xFFFFFCA0];
	[tilespmem:s13+$0x90] =	vst v4;
	v1 =	vmul.f32 $8.000000000e+00, v1  }
0x1db: {  	v4 =	vld [tilespmem:s15+$0xFFFFFD20];
	[tilespmem:s13+$0x110] =	vst v0;
	v0 =	vmul.f32 $8.000000000e+00, v7  }
0x1dc: {  	v7 =	vld [tilespmem:s15+$0xFFFFFDA0];
	[tilespmem:s13+$0x190] =	vst v1;
	v1 =	vmul.f32 $8.000000000e+00, v3  }
0x1dd: {  	v3 =	vld [tilespmem:s15+$0xFFFFFE20];
	[tilespmem:s13+$0x210] =	vst v0;
	v0 =	vmul.f32 $8.000000000e+00, v5  }
0x1de: {  	v5 =	vmul.f32 $8.000000000e+00, v6;
	v6 =	vld [tilespmem:s15+$0xFFFFFEA0];
	[tilespmem:s13+$0x290] =	vst v1  }
0x1df: {  	v1 =	vmul.f32 $8.000000000e+00, v2;
	v2 =	vld [tilespmem:s15+$0xFFFFFF20];
	[tilespmem:s13+$0x310] =	vst v0  }
0x1e0: {  	[tilespmem:s13+$0xFFFFFC20] =	vst v5;
	v0 =	vmul.f32 $8.000000000e+00, v4;
	v4 =	vld [tilespmem:s15+$0xFFFFFFA0]  }
0x1e1: {  	[tilespmem:s13+$0xFFFFFCA0] =	vst v1;
	v1 =	vmul.f32 $8.000000000e+00, v7;
	v5 =	vld [tilespmem:s15+$0x20]  }
0x1e2: {  	[tilespmem:s13+$0xFFFFFD20] =	vst v0;
	v0 =	vmul.f32 $8.000000000e+00, v3;
	v3 =	vld [tilespmem:s15+$0xA0]  }
0x1e3: {  	[tilespmem:s13+$0xFFFFFDA0] =	vst v1;
	v1 =	vmul.f32 $8.000000000e+00, v6;
	v6 =	vld [tilespmem:s15+$0x120]  }
0x1e4: {  	[tilespmem:s13+$0xFFFFFE20] =	vst v0;
	v0 =	vmul.f32 $8.000000000e+00, v2;
	v2 =	vld [tilespmem:s15+$0x1A0]  }
0x1e5: {  	[tilespmem:s13+$0xFFFFFEA0] =	vst v1;
	v1 =	vmul.f32 $8.000000000e+00, v4;
	v4 =	vld [tilespmem:s15+$0x220]  }
0x1e6: {  	[tilespmem:s13+$0xFFFFFF20] =	vst v0;
	v0 =	vmul.f32 $8.000000000e+00, v5;
	v5 =	vld [tilespmem:s15+$0x2A0]  }
0x1e7: {  	[tilespmem:s13+$0xFFFFFFA0] =	vst v1;
	v1 =	vmul.f32 $8.000000000e+00, v3;
	v3 =	vld [tilespmem:s15+$0x320]  }
0x1e8: {  	v7 =	vld [tilespmem:s15+$0xFFFFFC30];
	[tilespmem:s13+$0x20] =	vst v0;
	v0 =	vmul.f32 $8.000000000e+00, v6  }
0x1e9: {  	v6 =	vld [tilespmem:s15+$0xFFFFFCB0];
	[tilespmem:s13+$0xA0] =	vst v1;
	v1 =	vmul.f32 $8.000000000e+00, v2  }
0x1ea: {  	v2 =	vld [tilespmem:s15+$0xFFFFFD30];
	[tilespmem:s13+$0x120] =	vst v0;
	v0 =	vmul.f32 $8.000000000e+00, v4  }
0x1eb: {  	v4 =	vld [tilespmem:s15+$0xFFFFFDB0];
	[tilespmem:s13+$0x1A0] =	vst v1;
	v1 =	vmul.f32 $8.000000000e+00, v5  }
0x1ec: {  	v5 =	vld [tilespmem:s15+$0xFFFFFE30];
	[tilespmem:s13+$0x220] =	vst v0;
	v0 =	vmul.f32 $8.000000000e+00, v3  }
0x1ed: {  	v3 =	vmul.f32 $8.000000000e+00, v7;
	v7 =	vld [tilespmem:s15+$0xFFFFFEB0];
	[tilespmem:s13+$0x2A0] =	vst v1  }
0x1ee: {  	v1 =	vmul.f32 $8.000000000e+00, v6;
	v6 =	vld [tilespmem:s15+$0xFFFFFF30];
	[tilespmem:s13+$0x320] =	vst v0  }
0x1ef: {  	[tilespmem:s13+$0xFFFFFC30] =	vst v3;
	v0 =	vmul.f32 $8.000000000e+00, v2;
	v2 =	vld [tilespmem:s15+$0xFFFFFFB0]  }
0x1f0: {  	[tilespmem:s13+$0xFFFFFCB0] =	vst v1;
	v1 =	vmul.f32 $8.000000000e+00, v4;
	v3 =	vld [tilespmem:s15+$0x30]  }
0x1f1: {  	[tilespmem:s13+$0xFFFFFD30] =	vst v0;
	v4 =	vmul.f32 $8.000000000e+00, v5;
	v5 =	vld [tilespmem:s15+$0xB0]  }
.Ltmp4:
0x1f2: {  	[tilespmem:s13+$0xFFFFFDB0] =	vst v1;
	v7 =	vmul.f32 $8.000000000e+00, v7;
	v0 =	vld [tilespmem:s15+$0x130];
	(pc) =	sbr.rel @p0 .LBB2_11-.Ltmp4, $4  }
0x1f3: {  	[tilespmem:s13+$0xFFFFFE30] =	vst v4;
	v4 =	vmul.f32 $8.000000000e+00, v6;
	v1 =	vld [tilespmem:s15+$0x1B0]  }
0x1f4: {  	[tilespmem:s13+$0xFFFFFEB0] =	vst v7;
	v7 =	vmul.f32 $8.000000000e+00, v2;
	v2 =	vld [tilespmem:s15+$0x230]  }
0x1f5: {  	[tilespmem:s13+$0xFFFFFF30] =	vst v4;
	v6 =	vmul.f32 $8.000000000e+00, v3;
	v3 =	vld [tilespmem:s15+$0x2B0]  }
0x1f6: {  	[tilespmem:s13+$0xFFFFFFB0] =	vst v7;
	v5 =	vmul.f32 $8.000000000e+00, v5;
	v4 =	vld [tilespmem:s15+$0x330];
	s15 =	sadd.s32 $0x800, s15  }
0x1f7: {  	[tilespmem:s13+$0x30] =	vst v6;
	v0 =	vmul.f32 $8.000000000e+00, v0  }
0x1f8: {  	[tilespmem:s13+$0xB0] =	vst v5;
	v1 =	vmul.f32 $8.000000000e+00, v1  }
0x1f9: {  	[tilespmem:s13+$0x130] =	vst v0;
	v61 =	vmul.f32 $8.000000000e+00, v2  }
0x1fa: {  	[tilespmem:s13+$0x1B0] =	vst v1;
	v62 =	vmul.f32 $8.000000000e+00, v3  }
0x1fb: {  	[tilespmem:s13+$0x230] =	vst v61;
	v63 =	vmul.f32 $8.000000000e+00, v4  }
0x1fc: {  	[tilespmem:s13+$0x2B0] =	vst v62  }
0x1fd: {  	[tilespmem:s13+$0x330] =	vst v63  }
.LBB2_13:
0x1fe: {  	s13 =	sshra.s32 s16, $0x2  }
0x1ff: {  	v0 =	vld [tilespmem:s13+$0x12B00]  }
0x200: {  	v1 =	vld [tilespmem:s13+$0x12B10]  }
0x201: {  	v2 =	vld [tilespmem:s13+$0x12B20]  }
0x202: {  	v3 =	vld [tilespmem:s13+$0x12B30];
	_ =	sdelay $0x1  }
0x203: {  	p0 =	sne.s32 s16, $0xE00;
	v0 =	vmul.f32 $8.000000000e+00, v0  }
.Ltmp5:
0x204: {  	v1 =	vmul.f32 $8.000000000e+00, v1;
	(pc) =	sbr.rel @p0 .LBB2_13-.Ltmp5, $4  }
0x205: {  	v62 =	vmul.f32 $8.000000000e+00, v2;
	[tilespmem:s13+$0x18F00] =	vst v0  }
0x206: {  	v63 =	vmul.f32 $8.000000000e+00, v3;
	[tilespmem:s13+$0x18F10] =	vst v1  }
0x207: {  	[tilespmem:s13+$0x18F20] =	vst v62  }
0x208: {  	s16 =	sadd.s32 $0x200, s16;
	[tilespmem:s13+$0x18F30] =	vst v63  }
0x209: {  	s13 =	rddreg [dreg:$0xa]  }
0x20a: {  	s13 =	sadd.s32 s20, s13  }
0x20b: {  	s13 =	smul.u32 $0xC80, s13;
	_ =	sdelay $0x1  }
0x20c: {  	s13 =	sadd.s32 s5, s13  }
0x20d: {  	[hbm4b:s13+s3] =	stream.linear.scatter [tilespmem:s0], [sflag:$0x7], $0x6400, $0x38;
	[tilespmem:$0x1F700] =	vst v63  }
0x20e: {  	_ =	swait.ge [sflag:s29], $0xC8  }
0x20f: {  	[sflag:s29] =	ssyncset.done $0x0;
	s16 =	rddreg [dreg:$0xb]  }
0x210: {  	[sflag:s29] =	ssyncadd.s32 $0xFFFFFF38;
	s13 =	sadd.s32 s20, s16  }
0x211: {  	[tilespmem:s30], [sflag:$0x6] =	stream.indirect.gather [hbm4b:s4+s24], $0x80, s22, s24, $0xb8;
	[tilespmem:$0x1F700] =	vst v63  }
0x212: {  	s13 =	smul.u32 $0x19, s13;
	_ =	swait.ge [sflag:s31], $0x6400  }
0x213: {  	[sflag:s31] =	ssyncset.done $0x0  }
0x214: {  	s13 =	sadd.s32 s2, s13;
	[sflag:s31] =	ssyncadd.s32 $0xFFFF9C00  }
0x215: {  	[tilespmem:s3], [sflag:$0x1] =	stream.linear.gather [hbm4b:s13+s3], $0xC8, $0x38;
	[tilespmem:$0x1F700] =	vst v63  }
0x216: {  	_ =	swait.ge [sflag:s19], $0x6400  }
0x217: {  	[sflag:s19] =	ssyncset.done $0x0  }
0x218: {  	s15 =	simm.s32 $0x700;
	[sflag:s19] =	ssyncadd.s32 $0xFFFF9C00  }
0x219: {  	v0 =	vld [tilespmem:s15+$0x380]  }
0x21a: {  	v1 =	vld [tilespmem:s15+$0xFFFFFC80]  }
0x21b: {  	v2 =	vld [tilespmem:s15+$0xFFFFFD00]  }
0x21c: {  	v3 =	vld [tilespmem:s15+$0xFFFFFD80]  }
0x21d: {  	v4 =	vld [tilespmem:s15+$0xFFFFFE00]  }
0x21e: {  	v5 =	vld [tilespmem:s15+$0xFFFFFE80];
	v0 =	vmul.f32 $8.000000000e+00, v0  }
0x21f: {  	s13 =	simm.s32 $0x19700;
	v6 =	vld [tilespmem:s15+$0xFFFFFF00];
	v1 =	vmul.f32 $8.000000000e+00, v1  }
0x220: {  	v7 =	vld [tilespmem:s15+$0xFFFFFF80];
	v2 =	vmul.f32 $8.000000000e+00, v2;
	[tilespmem:s13+$0x380] =	vst v0  }
0x221: {  	[tilespmem:s13+$0xFFFFFC80] =	vst v1;
	v0 =	vmul.f32 $8.000000000e+00, v3;
	v1 =	vld [tilespmem:s15+$0x390]  }
0x222: {  	[tilespmem:s13+$0xFFFFFD00] =	vst v2;
	v2 =	vmul.f32 $8.000000000e+00, v4;
	v3 =	vld [tilespmem:s15+$0x0]  }
0x223: {  	v4 =	vld [tilespmem:s15+$0x80];
	[tilespmem:s13+$0xFFFFFD80] =	vst v0;
	v0 =	vmul.f32 $8.000000000e+00, v5  }
0x224: {  	[tilespmem:s13+$0xFFFFFE00] =	vst v2;
	v2 =	vmul.f32 $8.000000000e+00, v6;
	v5 =	vld [tilespmem:s15+$0x100]  }
0x225: {  	v6 =	vld [tilespmem:s15+$0x180];
	[tilespmem:s13+$0xFFFFFE80] =	vst v0;
	v0 =	vmul.f32 $8.000000000e+00, v7  }
0x226: {  	[tilespmem:s13+$0xFFFFFF00] =	vst v2;
	v2 =	vld [tilespmem:s15+$0x200];
	v1 =	vmul.f32 $8.000000000e+00, v1  }
0x227: {  	[tilespmem:s13+$0xFFFFFF80] =	vst v0;
	v0 =	vmul.f32 $8.000000000e+00, v3;
	v3 =	vld [tilespmem:s15+$0x280]  }
0x228: {  	v7 =	vld [tilespmem:s15+$0x300];
	v4 =	vmul.f32 $8.000000000e+00, v4;
	[tilespmem:s13+$0x390] =	vst v1  }
0x229: {  	[tilespmem:s13+$0x0] =	vst v0;
	v0 =	vmul.f32 $8.000000000e+00, v5;
	v5 =	vld [tilespmem:s15+$0xFFFFFC00]  }
0x22a: {  	[tilespmem:s13+$0x80] =	vst v4;
	v4 =	vmul.f32 $8.000000000e+00, v6;
	v1 =	vld [tilespmem:s15+$0x3A0]  }
0x22b: {  	v6 =	vld [tilespmem:s15+$0xFFFFFC90];
	[tilespmem:s13+$0x100] =	vst v0;
	v0 =	vmul.f32 $8.000000000e+00, v2  }
0x22c: {  	[tilespmem:s13+$0x180] =	vst v4;
	v2 =	vld [tilespmem:s15+$0xFFFFFD10];
	v3 =	vmul.f32 $8.000000000e+00, v3  }
0x22d: {  	v4 =	vld [tilespmem:s15+$0xFFFFFD90];
	[tilespmem:s13+$0x200] =	vst v0;
	v0 =	vmul.f32 $8.000000000e+00, v7  }
0x22e: {  	v7 =	vld [tilespmem:s15+$0xFFFFFE10];
	[tilespmem:s13+$0x280] =	vst v3;
	v3 =	vmul.f32 $8.000000000e+00, v5  }
0x22f: {  	v5 =	vld [tilespmem:s15+$0xFFFFFE90];
	v1 =	vmul.f32 $8.000000000e+00, v1;
	[tilespmem:s13+$0x300] =	vst v0  }
0x230: {  	v0 =	vmul.f32 $8.000000000e+00, v6;
	v6 =	vld [tilespmem:s15+$0xFFFFFF10];
	[tilespmem:s13+$0xFFFFFC00] =	vst v3  }
0x231: {  	[tilespmem:s13+$0x3A0] =	vst v1;
	v1 =	vmul.f32 $8.000000000e+00, v2;
	v3 =	vld [tilespmem:s15+$0xFFFFFC10]  }
0x232: {  	[tilespmem:s13+$0xFFFFFC90] =	vst v0;
	v0 =	vmul.f32 $8.000000000e+00, v4;
	v2 =	vld [tilespmem:s15+$0x3B0]  }
0x233: {  	v4 =	vld [tilespmem:s15+$0xFFFFFF90];
	[tilespmem:s13+$0xFFFFFD10] =	vst v1;
	v1 =	vmul.f32 $8.000000000e+00, v7  }
0x234: {  	[tilespmem:s13+$0xFFFFFD90] =	vst v0;
	v0 =	vmul.f32 $8.000000000e+00, v5;
	v5 =	vld [tilespmem:s15+$0x10]  }
0x235: {  	[tilespmem:s13+$0xFFFFFE10] =	vst v1;
	v1 =	vmul.f32 $8.000000000e+00, v6;
	v6 =	vld [tilespmem:s15+$0x90]  }
0x236: {  	[tilespmem:s13+$0xFFFFFE90] =	vst v0;
	v0 =	vld [tilespmem:s15+$0x110];
	v3 =	vmul.f32 $8.000000000e+00, v3  }
0x237: {  	v2 =	vmul.f32 $8.000000000e+00, v2;
	[tilespmem:s13+$0xFFFFFF10] =	vst v1;
	v1 =	vld [tilespmem:s15+$0x190]  }
0x238: {  	v7 =	vld [tilespmem:s15+$0x210];
	v4 =	vmul.f32 $8.000000000e+00, v4;
	[tilespmem:s13+$0xFFFFFC10] =	vst v3  }
0x239: {  	v3 =	vld [tilespmem:s15+$0x290];
	[tilespmem:s13+$0x3B0] =	vst v2;
	v2 =	vmul.f32 $8.000000000e+00, v5  }
0x23a: {  	[tilespmem:s13+$0xFFFFFF90] =	vst v4;
	v5 =	vld [tilespmem:s15+$0x310];
	v4 =	vmul.f32 $8.000000000e+00, v6  }
0x23b: {  	v6 =	vld [tilespmem:s15+$0xFFFFFC20];
	v0 =	vmul.f32 $8.000000000e+00, v0;
	[tilespmem:s13+$0x10] =	vst v2  }
0x23c: {  	v2 =	vld [tilespmem:s15+$0xFFFFFCA0];
	[tilespmem:s13+$0x90] =	vst v4;
	v1 =	vmul.f32 $8.000000000e+00, v1  }
0x23d: {  	v4 =	vld [tilespmem:s15+$0xFFFFFD20];
	[tilespmem:s13+$0x110] =	vst v0;
	v0 =	vmul.f32 $8.000000000e+00, v7  }
0x23e: {  	v7 =	vld [tilespmem:s15+$0xFFFFFDA0];
	[tilespmem:s13+$0x190] =	vst v1;
	v1 =	vmul.f32 $8.000000000e+00, v3  }
0x23f: {  	v3 =	vld [tilespmem:s15+$0xFFFFFE20];
	[tilespmem:s13+$0x210] =	vst v0;
	v0 =	vmul.f32 $8.000000000e+00, v5  }
0x240: {  	v5 =	vmul.f32 $8.000000000e+00, v6;
	v6 =	vld [tilespmem:s15+$0xFFFFFEA0];
	[tilespmem:s13+$0x290] =	vst v1  }
0x241: {  	v1 =	vmul.f32 $8.000000000e+00, v2;
	v2 =	vld [tilespmem:s15+$0xFFFFFF20];
	[tilespmem:s13+$0x310] =	vst v0  }
0x242: {  	[tilespmem:s13+$0xFFFFFC20] =	vst v5;
	v0 =	vmul.f32 $8.000000000e+00, v4;
	v4 =	vld [tilespmem:s15+$0xFFFFFFA0]  }
0x243: {  	v5 =	vld [tilespmem:s15+$0x20];
	[tilespmem:s13+$0xFFFFFCA0] =	vst v1;
	v1 =	vmul.f32 $8.000000000e+00, v7  }
0x244: {  	[tilespmem:s13+$0xFFFFFD20] =	vst v0;
	v0 =	vmul.f32 $8.000000000e+00, v3;
	v3 =	vld [tilespmem:s15+$0xA0]  }
0x245: {  	[tilespmem:s13+$0xFFFFFDA0] =	vst v1;
	v1 =	vmul.f32 $8.000000000e+00, v6;
	v6 =	vld [tilespmem:s15+$0x120]  }
0x246: {  	[tilespmem:s13+$0xFFFFFE20] =	vst v0;
	v0 =	vmul.f32 $8.000000000e+00, v2;
	v2 =	vld [tilespmem:s15+$0x1A0]  }
0x247: {  	[tilespmem:s13+$0xFFFFFEA0] =	vst v1;
	v1 =	vmul.f32 $8.000000000e+00, v4;
	v4 =	vld [tilespmem:s15+$0x220]  }
0x248: {  	[tilespmem:s13+$0xFFFFFF20] =	vst v0;
	v0 =	vmul.f32 $8.000000000e+00, v5;
	v5 =	vld [tilespmem:s15+$0x2A0]  }
0x249: {  	[tilespmem:s13+$0xFFFFFFA0] =	vst v1;
	v1 =	vmul.f32 $8.000000000e+00, v3;
	v3 =	vld [tilespmem:s15+$0x320]  }
0x24a: {  	v7 =	vld [tilespmem:s15+$0xFFFFFC30];
	[tilespmem:s13+$0x20] =	vst v0;
	v0 =	vmul.f32 $8.000000000e+00, v6  }
0x24b: {  	v6 =	vld [tilespmem:s15+$0xFFFFFCB0];
	[tilespmem:s13+$0xA0] =	vst v1;
	v1 =	vmul.f32 $8.000000000e+00, v2  }
0x24c: {  	v2 =	vld [tilespmem:s15+$0xFFFFFD30];
	[tilespmem:s13+$0x120] =	vst v0;
	v0 =	vmul.f32 $8.000000000e+00, v4  }
0x24d: {  	v4 =	vld [tilespmem:s15+$0xFFFFFDB0];
	[tilespmem:s13+$0x1A0] =	vst v1;
	v1 =	vmul.f32 $8.000000000e+00, v5  }
0x24e: {  	v5 =	vld [tilespmem:s15+$0xFFFFFE30];
	[tilespmem:s13+$0x220] =	vst v0;
	v0 =	vmul.f32 $8.000000000e+00, v3  }
0x24f: {  	v3 =	vmul.f32 $8.000000000e+00, v7;
	v7 =	vld [tilespmem:s15+$0xFFFFFEB0];
	[tilespmem:s13+$0x2A0] =	vst v1  }
0x250: {  	v1 =	vmul.f32 $8.000000000e+00, v6;
	v6 =	vld [tilespmem:s15+$0xFFFFFF30];
	[tilespmem:s13+$0x320] =	vst v0  }
0x251: {  	[tilespmem:s13+$0xFFFFFC30] =	vst v3;
	v0 =	vmul.f32 $8.000000000e+00, v2;
	v2 =	vld [tilespmem:s15+$0xFFFFFFB0]  }
0x252: {  	[tilespmem:s13+$0xFFFFFCB0] =	vst v1;
	v1 =	vmul.f32 $8.000000000e+00, v4;
	v4 =	vld [tilespmem:s15+$0x30]  }
0x253: {  	[tilespmem:s13+$0xFFFFFD30] =	vst v0;
	v3 =	vmul.f32 $8.000000000e+00, v5;
	v5 =	vld [tilespmem:s15+$0xB0]  }
0x254: {  	v0 =	vld [tilespmem:s15+$0x130];
	[tilespmem:s13+$0xFFFFFDB0] =	vst v1;
	v7 =	vmul.f32 $8.000000000e+00, v7  }
0x255: {  	v1 =	vld [tilespmem:s15+$0x1B0];
	[tilespmem:s13+$0xFFFFFE30] =	vst v3;
	v3 =	vmul.f32 $8.000000000e+00, v6  }
0x256: {  	[tilespmem:s13+$0xFFFFFEB0] =	vst v7;
	v7 =	vmul.f32 $8.000000000e+00, v2;
	v2 =	vld [tilespmem:s15+$0x230]  }
0x257: {  	[tilespmem:s13+$0xFFFFFF30] =	vst v3;
	v3 =	vld [tilespmem:s15+$0x2B0];
	v6 =	vmul.f32 $8.000000000e+00, v4  }
0x258: {  	s14 =	simm.s32 $0x0;
	v4 =	vld [tilespmem:s15+$0x330];
	s15 =	simm.s32 $0xF00;
	[tilespmem:s13+$0xFFFFFFB0] =	vst v7;
	v5 =	vmul.f32 $8.000000000e+00, v5  }
.LBB2_15:
0x259: {  	v7 =	vld [tilespmem:s15+$0x380];
	s14 =	sadd.s32 $0x10, s14;
	[tilespmem:s13+$0x30] =	vst v6;
	v0 =	vmul.f32 $8.000000000e+00, v0  }
0x25a: {  	v6 =	vld [tilespmem:s15+$0xFFFFFC80];
	p0 =	slt.u32 s14, $0xB0;
	[tilespmem:s13+$0xB0] =	vst v5;
	v1 =	vmul.f32 $8.000000000e+00, v1  }
0x25b: {  	v5 =	vld [tilespmem:s15+$0xFFFFFD00];
	[tilespmem:s13+$0x130] =	vst v0;
	v0 =	vmul.f32 $8.000000000e+00, v2  }
0x25c: {  	v2 =	vld [tilespmem:s15+$0xFFFFFD80];
	[tilespmem:s13+$0x1B0] =	vst v1;
	v1 =	vmul.f32 $8.000000000e+00, v3  }
0x25d: {  	v3 =	vld [tilespmem:s15+$0xFFFFFE00];
	[tilespmem:s13+$0x230] =	vst v0;
	v0 =	vmul.f32 $8.000000000e+00, v4  }
0x25e: {  	v4 =	vld [tilespmem:s15+$0xFFFFFE80];
	v7 =	vmul.f32 $8.000000000e+00, v7;
	[tilespmem:s13+$0x2B0] =	vst v1  }
0x25f: {  	v1 =	vmul.f32 $8.000000000e+00, v6;
	v6 =	vld [tilespmem:s15+$0xFFFFFF00];
	[tilespmem:s13+$0x330] =	vst v0;
	s13 =	sadd.s32 $0x800, s13  }
0x260: {  	v0 =	vmul.f32 $8.000000000e+00, v5;
	v5 =	vld [tilespmem:s15+$0xFFFFFF80];
	[tilespmem:s13+$0x380] =	vst v7  }
0x261: {  	[tilespmem:s13+$0xFFFFFC80] =	vst v1;
	v1 =	vmul.f32 $8.000000000e+00, v2;
	v2 =	vld [tilespmem:s15+$0x390]  }
0x262: {  	[tilespmem:s13+$0xFFFFFD00] =	vst v0;
	v0 =	vmul.f32 $8.000000000e+00, v3;
	v3 =	vld [tilespmem:s15+$0x0]  }
0x263: {  	[tilespmem:s13+$0xFFFFFD80] =	vst v1;
	v1 =	vmul.f32 $8.000000000e+00, v4;
	v4 =	vld [tilespmem:s15+$0x80]  }
0x264: {  	[tilespmem:s13+$0xFFFFFE00] =	vst v0;
	v0 =	vmul.f32 $8.000000000e+00, v6;
	v6 =	vld [tilespmem:s15+$0x100]  }
0x265: {  	[tilespmem:s13+$0xFFFFFE80] =	vst v1;
	v1 =	vmul.f32 $8.000000000e+00, v5;
	v5 =	vld [tilespmem:s15+$0x180]  }
0x266: {  	[tilespmem:s13+$0xFFFFFF00] =	vst v0;
	v0 =	vld [tilespmem:s15+$0x200];
	v2 =	vmul.f32 $8.000000000e+00, v2  }
0x267: {  	[tilespmem:s13+$0xFFFFFF80] =	vst v1;
	v1 =	vmul.f32 $8.000000000e+00, v3;
	v3 =	vld [tilespmem:s15+$0x280]  }
0x268: {  	v4 =	vmul.f32 $8.000000000e+00, v4;
	v7 =	vld [tilespmem:s15+$0x300];
	[tilespmem:s13+$0x390] =	vst v2  }
0x269: {  	[tilespmem:s13+$0x0] =	vst v1;
	v1 =	vmul.f32 $8.000000000e+00, v6;
	v2 =	vld [tilespmem:s15+$0x3A0]  }
0x26a: {  	v6 =	vld [tilespmem:s15+$0xFFFFFC00];
	[tilespmem:s13+$0x80] =	vst v4;
	v4 =	vmul.f32 $8.000000000e+00, v5  }
0x26b: {  	v5 =	vld [tilespmem:s15+$0xFFFFFC90];
	[tilespmem:s13+$0x100] =	vst v1;
	v0 =	vmul.f32 $8.000000000e+00, v0  }
0x26c: {  	v1 =	vld [tilespmem:s15+$0xFFFFFD10];
	[tilespmem:s13+$0x180] =	vst v4;
	v3 =	vmul.f32 $8.000000000e+00, v3  }
0x26d: {  	v4 =	vld [tilespmem:s15+$0xFFFFFD90];
	[tilespmem:s13+$0x200] =	vst v0;
	v0 =	vmul.f32 $8.000000000e+00, v7  }
0x26e: {  	v7 =	vld [tilespmem:s15+$0xFFFFFE10];
	[tilespmem:s13+$0x280] =	vst v3;
	v2 =	vmul.f32 $8.000000000e+00, v2  }
0x26f: {  	v3 =	vmul.f32 $8.000000000e+00, v6;
	v6 =	vld [tilespmem:s15+$0xFFFFFE90];
	[tilespmem:s13+$0x300] =	vst v0  }
0x270: {  	v0 =	vmul.f32 $8.000000000e+00, v5;
	v5 =	vld [tilespmem:s15+$0xFFFFFF10];
	[tilespmem:s13+$0x3A0] =	vst v2  }
0x271: {  	[tilespmem:s13+$0xFFFFFC00] =	vst v3;
	v1 =	vmul.f32 $8.000000000e+00, v1;
	v2 =	vld [tilespmem:s15+$0x3B0]  }
0x272: {  	v3 =	vld [tilespmem:s15+$0xFFFFFC10];
	[tilespmem:s13+$0xFFFFFC90] =	vst v0;
	v0 =	vmul.f32 $8.000000000e+00, v4  }
0x273: {  	[tilespmem:s13+$0xFFFFFD10] =	vst v1;
	v1 =	vmul.f32 $8.000000000e+00, v7;
	v4 =	vld [tilespmem:s15+$0xFFFFFF90]  }
0x274: {  	[tilespmem:s13+$0xFFFFFD90] =	vst v0;
	v0 =	vmul.f32 $8.000000000e+00, v6;
	v6 =	vld [tilespmem:s15+$0x10]  }
0x275: {  	[tilespmem:s13+$0xFFFFFE10] =	vst v1;
	v1 =	vmul.f32 $8.000000000e+00, v5;
	v5 =	vld [tilespmem:s15+$0x90]  }
0x276: {  	[tilespmem:s13+$0xFFFFFE90] =	vst v0;
	v0 =	vld [tilespmem:s15+$0x110];
	v2 =	vmul.f32 $8.000000000e+00, v2  }
0x277: {  	v3 =	vmul.f32 $8.000000000e+00, v3;
	[tilespmem:s13+$0xFFFFFF10] =	vst v1;
	v1 =	vld [tilespmem:s15+$0x190]  }
0x278: {  	s16 =	simm.s32 $0x0;
	v4 =	vmul.f32 $8.000000000e+00, v4;
	v7 =	vld [tilespmem:s15+$0x210];
	[tilespmem:s13+$0x3B0] =	vst v2  }
0x279: {  	[tilespmem:s13+$0xFFFFFC10] =	vst v3;
	v2 =	vmul.f32 $8.000000000e+00, v6;
	v3 =	vld [tilespmem:s15+$0x290]  }
0x27a: {  	[tilespmem:s13+$0xFFFFFF90] =	vst v4;
	v4 =	vmul.f32 $8.000000000e+00, v5;
	v5 =	vld [tilespmem:s15+$0x310]  }
0x27b: {  	v6 =	vld [tilespmem:s15+$0xFFFFFC20];
	[tilespmem:s13+$0x10] =	vst v2;
	v0 =	vmul.f32 $8.000000000e+00, v0  }
0x27c: {  	v2 =	vld [tilespmem:s15+$0xFFFFFCA0];
	[tilespmem:s13+$0x90] =	vst v4;
	v1 =	vmul.f32 $8.000000000e+00, v1  }
0x27d: {  	v4 =	vld [tilespmem:s15+$0xFFFFFD20];
	[tilespmem:s13+$0x110] =	vst v0;
	v0 =	vmul.f32 $8.000000000e+00, v7  }
0x27e: {  	v7 =	vld [tilespmem:s15+$0xFFFFFDA0];
	[tilespmem:s13+$0x190] =	vst v1;
	v1 =	vmul.f32 $8.000000000e+00, v3  }
0x27f: {  	v3 =	vld [tilespmem:s15+$0xFFFFFE20];
	[tilespmem:s13+$0x210] =	vst v0;
	v0 =	vmul.f32 $8.000000000e+00, v5  }
0x280: {  	v5 =	vmul.f32 $8.000000000e+00, v6;
	v6 =	vld [tilespmem:s15+$0xFFFFFEA0];
	[tilespmem:s13+$0x290] =	vst v1  }
0x281: {  	v1 =	vmul.f32 $8.000000000e+00, v2;
	v2 =	vld [tilespmem:s15+$0xFFFFFF20];
	[tilespmem:s13+$0x310] =	vst v0  }
0x282: {  	[tilespmem:s13+$0xFFFFFC20] =	vst v5;
	v0 =	vmul.f32 $8.000000000e+00, v4;
	v4 =	vld [tilespmem:s15+$0xFFFFFFA0]  }
0x283: {  	[tilespmem:s13+$0xFFFFFCA0] =	vst v1;
	v1 =	vmul.f32 $8.000000000e+00, v7;
	v5 =	vld [tilespmem:s15+$0x20]  }
0x284: {  	[tilespmem:s13+$0xFFFFFD20] =	vst v0;
	v0 =	vmul.f32 $8.000000000e+00, v3;
	v3 =	vld [tilespmem:s15+$0xA0]  }
0x285: {  	[tilespmem:s13+$0xFFFFFDA0] =	vst v1;
	v1 =	vmul.f32 $8.000000000e+00, v6;
	v6 =	vld [tilespmem:s15+$0x120]  }
0x286: {  	[tilespmem:s13+$0xFFFFFE20] =	vst v0;
	v0 =	vmul.f32 $8.000000000e+00, v2;
	v2 =	vld [tilespmem:s15+$0x1A0]  }
0x287: {  	[tilespmem:s13+$0xFFFFFEA0] =	vst v1;
	v1 =	vmul.f32 $8.000000000e+00, v4;
	v4 =	vld [tilespmem:s15+$0x220]  }
0x288: {  	[tilespmem:s13+$0xFFFFFF20] =	vst v0;
	v0 =	vmul.f32 $8.000000000e+00, v5;
	v5 =	vld [tilespmem:s15+$0x2A0]  }
0x289: {  	[tilespmem:s13+$0xFFFFFFA0] =	vst v1;
	v1 =	vmul.f32 $8.000000000e+00, v3;
	v3 =	vld [tilespmem:s15+$0x320]  }
0x28a: {  	v7 =	vld [tilespmem:s15+$0xFFFFFC30];
	[tilespmem:s13+$0x20] =	vst v0;
	v0 =	vmul.f32 $8.000000000e+00, v6  }
0x28b: {  	v6 =	vld [tilespmem:s15+$0xFFFFFCB0];
	[tilespmem:s13+$0xA0] =	vst v1;
	v1 =	vmul.f32 $8.000000000e+00, v2  }
0x28c: {  	v2 =	vld [tilespmem:s15+$0xFFFFFD30];
	[tilespmem:s13+$0x120] =	vst v0;
	v0 =	vmul.f32 $8.000000000e+00, v4  }
0x28d: {  	v4 =	vld [tilespmem:s15+$0xFFFFFDB0];
	[tilespmem:s13+$0x1A0] =	vst v1;
	v1 =	vmul.f32 $8.000000000e+00, v5  }
0x28e: {  	v5 =	vld [tilespmem:s15+$0xFFFFFE30];
	[tilespmem:s13+$0x220] =	vst v0;
	v0 =	vmul.f32 $8.000000000e+00, v3  }
0x28f: {  	v3 =	vmul.f32 $8.000000000e+00, v7;
	v7 =	vld [tilespmem:s15+$0xFFFFFEB0];
	[tilespmem:s13+$0x2A0] =	vst v1  }
0x290: {  	v1 =	vmul.f32 $8.000000000e+00, v6;
	v6 =	vld [tilespmem:s15+$0xFFFFFF30];
	[tilespmem:s13+$0x320] =	vst v0  }
0x291: {  	[tilespmem:s13+$0xFFFFFC30] =	vst v3;
	v0 =	vmul.f32 $8.000000000e+00, v2;
	v2 =	vld [tilespmem:s15+$0xFFFFFFB0]  }
0x292: {  	[tilespmem:s13+$0xFFFFFCB0] =	vst v1;
	v1 =	vmul.f32 $8.000000000e+00, v4;
	v3 =	vld [tilespmem:s15+$0x30]  }
0x293: {  	[tilespmem:s13+$0xFFFFFD30] =	vst v0;
	v4 =	vmul.f32 $8.000000000e+00, v5;
	v5 =	vld [tilespmem:s15+$0xB0]  }
.Ltmp6:
0x294: {  	[tilespmem:s13+$0xFFFFFDB0] =	vst v1;
	v7 =	vmul.f32 $8.000000000e+00, v7;
	v0 =	vld [tilespmem:s15+$0x130];
	(pc) =	sbr.rel @p0 .LBB2_15-.Ltmp6, $4  }
0x295: {  	[tilespmem:s13+$0xFFFFFE30] =	vst v4;
	v4 =	vmul.f32 $8.000000000e+00, v6;
	v1 =	vld [tilespmem:s15+$0x1B0]  }
0x296: {  	[tilespmem:s13+$0xFFFFFEB0] =	vst v7;
	v7 =	vmul.f32 $8.000000000e+00, v2;
	v2 =	vld [tilespmem:s15+$0x230]  }
0x297: {  	[tilespmem:s13+$0xFFFFFF30] =	vst v4;
	v6 =	vmul.f32 $8.000000000e+00, v3;
	v3 =	vld [tilespmem:s15+$0x2B0]  }
0x298: {  	[tilespmem:s13+$0xFFFFFFB0] =	vst v7;
	v5 =	vmul.f32 $8.000000000e+00, v5;
	v4 =	vld [tilespmem:s15+$0x330];
	s15 =	sadd.s32 $0x800, s15  }
0x299: {  	[tilespmem:s13+$0x30] =	vst v6;
	v0 =	vmul.f32 $8.000000000e+00, v0  }
0x29a: {  	[tilespmem:s13+$0xB0] =	vst v5;
	v1 =	vmul.f32 $8.000000000e+00, v1  }
0x29b: {  	[tilespmem:s13+$0x130] =	vst v0;
	v61 =	vmul.f32 $8.000000000e+00, v2  }
0x29c: {  	[tilespmem:s13+$0x1B0] =	vst v1;
	v62 =	vmul.f32 $8.000000000e+00, v3  }
0x29d: {  	[tilespmem:s13+$0x230] =	vst v61;
	v63 =	vmul.f32 $8.000000000e+00, v4  }
0x29e: {  	[tilespmem:s13+$0x2B0] =	vst v62  }
0x29f: {  	[tilespmem:s13+$0x330] =	vst v63  }
.LBB2_17:
0x2a0: {  	s13 =	sshra.s32 s16, $0x2  }
0x2a1: {  	v0 =	vld [tilespmem:s13+$0x6300]  }
0x2a2: {  	v1 =	vld [tilespmem:s13+$0x6310]  }
0x2a3: {  	v2 =	vld [tilespmem:s13+$0x6320]  }
0x2a4: {  	v3 =	vld [tilespmem:s13+$0x6330];
	_ =	sdelay $0x1  }
0x2a5: {  	p0 =	sne.s32 s16, $0xE00;
	v0 =	vmul.f32 $8.000000000e+00, v0  }
.Ltmp7:
0x2a6: {  	v1 =	vmul.f32 $8.000000000e+00, v1;
	(pc) =	sbr.rel @p0 .LBB2_17-.Ltmp7, $4  }
0x2a7: {  	v62 =	vmul.f32 $8.000000000e+00, v2;
	[tilespmem:s13+$0x1F300] =	vst v0  }
0x2a8: {  	v63 =	vmul.f32 $8.000000000e+00, v3;
	[tilespmem:s13+$0x1F310] =	vst v1  }
0x2a9: {  	[tilespmem:s13+$0x1F320] =	vst v62  }
0x2aa: {  	s16 =	sadd.s32 $0x200, s16;
	[tilespmem:s13+$0x1F330] =	vst v63  }
0x2ab: {  	s10 =	smul.u32 $0xC80, s10;
	_ =	sdelay $0x1  }
0x2ac: {  	s10 =	sadd.s32 s5, s10  }
0x2ad: {  	[hbm4b:s10+s3] =	stream.linear.scatter [tilespmem:s8], [sflag:$0x8], $0x6400, $0x38;
	[tilespmem:$0x1F700] =	vst v63  }
0x2ae: {  	_ =	swait.ge [sflag:s23], $0xC8  }
0x2af: {  	[sflag:s23] =	ssyncset.done $0x0;
	s16 =	rddreg [dreg:$0xc]  }
0x2b0: {  	[sflag:s23] =	ssyncadd.s32 $0xFFFFFF38;
	s10 =	sadd.s32 s20, s16  }
0x2b1: {  	[tilespmem:s25], [sflag:$0x4] =	stream.indirect.gather [hbm4b:s4+s24], $0x80, s3, s24, $0xb8;
	[tilespmem:$0x1F700] =	vst v63  }
0x2b2: {  	s10 =	smul.u32 $0x19, s10;
	_ =	swait.ge [sflag:s1], $0x6400  }
0x2b3: {  	[sflag:s1] =	ssyncset.done $0x0  }
0x2b4: {  	s10 =	sadd.s32 s2, s10;
	[sflag:s1] =	ssyncadd.s32 $0xFFFF9C00  }
0x2b5: {  	[tilespmem:s21], [sflag:$0x2] =	stream.linear.gather [hbm4b:s10+s3], $0xC8, $0x38;
	[tilespmem:$0x1F700] =	vst v63  }
0x2b6: {  	_ =	swait.ge [sflag:s18], $0x6400  }
0x2b7: {  	[sflag:s18] =	ssyncset.done $0x0  }
0x2b8: {  	s14 =	simm.s32 $0x6B00;
	[sflag:s18] =	ssyncadd.s32 $0xFFFF9C00  }
0x2b9: {  	v0 =	vld [tilespmem:s14+$0x380]  }
0x2ba: {  	v1 =	vld [tilespmem:s14+$0xFFFFFC80]  }
0x2bb: {  	v2 =	vld [tilespmem:s14+$0xFFFFFD00]  }
0x2bc: {  	v3 =	vld [tilespmem:s14+$0xFFFFFD80]  }
0x2bd: {  	v4 =	vld [tilespmem:s14+$0xFFFFFE00]  }
0x2be: {  	v5 =	vld [tilespmem:s14+$0xFFFFFE80];
	v0 =	vmul.f32 $8.000000000e+00, v0  }
0x2bf: {  	s10 =	simm.s32 $0x13300;
	v6 =	vld [tilespmem:s14+$0xFFFFFF00];
	v1 =	vmul.f32 $8.000000000e+00, v1  }
0x2c0: {  	v7 =	vld [tilespmem:s14+$0xFFFFFF80];
	v2 =	vmul.f32 $8.000000000e+00, v2;
	[tilespmem:s10+$0x380] =	vst v0  }
0x2c1: {  	[tilespmem:s10+$0xFFFFFC80] =	vst v1;
	v0 =	vmul.f32 $8.000000000e+00, v3;
	v1 =	vld [tilespmem:s14+$0x390]  }
0x2c2: {  	[tilespmem:s10+$0xFFFFFD00] =	vst v2;
	v2 =	vmul.f32 $8.000000000e+00, v4;
	v3 =	vld [tilespmem:s14+$0x0]  }
0x2c3: {  	v4 =	vld [tilespmem:s14+$0x80];
	[tilespmem:s10+$0xFFFFFD80] =	vst v0;
	v0 =	vmul.f32 $8.000000000e+00, v5  }
0x2c4: {  	[tilespmem:s10+$0xFFFFFE00] =	vst v2;
	v2 =	vmul.f32 $8.000000000e+00, v6;
	v5 =	vld [tilespmem:s14+$0x100]  }
0x2c5: {  	v6 =	vld [tilespmem:s14+$0x180];
	[tilespmem:s10+$0xFFFFFE80] =	vst v0;
	v0 =	vmul.f32 $8.000000000e+00, v7  }
0x2c6: {  	[tilespmem:s10+$0xFFFFFF00] =	vst v2;
	v2 =	vld [tilespmem:s14+$0x200];
	v1 =	vmul.f32 $8.000000000e+00, v1  }
0x2c7: {  	[tilespmem:s10+$0xFFFFFF80] =	vst v0;
	v0 =	vmul.f32 $8.000000000e+00, v3;
	v3 =	vld [tilespmem:s14+$0x280]  }
0x2c8: {  	v7 =	vld [tilespmem:s14+$0x300];
	v4 =	vmul.f32 $8.000000000e+00, v4;
	[tilespmem:s10+$0x390] =	vst v1  }
0x2c9: {  	[tilespmem:s10+$0x0] =	vst v0;
	v0 =	vmul.f32 $8.000000000e+00, v5;
	v5 =	vld [tilespmem:s14+$0xFFFFFC00]  }
0x2ca: {  	[tilespmem:s10+$0x80] =	vst v4;
	v4 =	vmul.f32 $8.000000000e+00, v6;
	v1 =	vld [tilespmem:s14+$0x3A0]  }
0x2cb: {  	v6 =	vld [tilespmem:s14+$0xFFFFFC90];
	[tilespmem:s10+$0x100] =	vst v0;
	v0 =	vmul.f32 $8.000000000e+00, v2  }
0x2cc: {  	[tilespmem:s10+$0x180] =	vst v4;
	v2 =	vld [tilespmem:s14+$0xFFFFFD10];
	v3 =	vmul.f32 $8.000000000e+00, v3  }
0x2cd: {  	v4 =	vld [tilespmem:s14+$0xFFFFFD90];
	[tilespmem:s10+$0x200] =	vst v0;
	v0 =	vmul.f32 $8.000000000e+00, v7  }
0x2ce: {  	v7 =	vld [tilespmem:s14+$0xFFFFFE10];
	[tilespmem:s10+$0x280] =	vst v3;
	v3 =	vmul.f32 $8.000000000e+00, v5  }
0x2cf: {  	v5 =	vld [tilespmem:s14+$0xFFFFFE90];
	v1 =	vmul.f32 $8.000000000e+00, v1;
	[tilespmem:s10+$0x300] =	vst v0  }
0x2d0: {  	v0 =	vmul.f32 $8.000000000e+00, v6;
	v6 =	vld [tilespmem:s14+$0xFFFFFF10];
	[tilespmem:s10+$0xFFFFFC00] =	vst v3  }
0x2d1: {  	[tilespmem:s10+$0x3A0] =	vst v1;
	v1 =	vmul.f32 $8.000000000e+00, v2;
	v3 =	vld [tilespmem:s14+$0xFFFFFC10]  }
0x2d2: {  	[tilespmem:s10+$0xFFFFFC90] =	vst v0;
	v0 =	vmul.f32 $8.000000000e+00, v4;
	v2 =	vld [tilespmem:s14+$0x3B0]  }
0x2d3: {  	v4 =	vld [tilespmem:s14+$0xFFFFFF90];
	[tilespmem:s10+$0xFFFFFD10] =	vst v1;
	v1 =	vmul.f32 $8.000000000e+00, v7  }
0x2d4: {  	[tilespmem:s10+$0xFFFFFD90] =	vst v0;
	v0 =	vmul.f32 $8.000000000e+00, v5;
	v5 =	vld [tilespmem:s14+$0x10]  }
0x2d5: {  	[tilespmem:s10+$0xFFFFFE10] =	vst v1;
	v1 =	vmul.f32 $8.000000000e+00, v6;
	v6 =	vld [tilespmem:s14+$0x90]  }
0x2d6: {  	[tilespmem:s10+$0xFFFFFE90] =	vst v0;
	v0 =	vld [tilespmem:s14+$0x110];
	v3 =	vmul.f32 $8.000000000e+00, v3  }
0x2d7: {  	v2 =	vmul.f32 $8.000000000e+00, v2;
	[tilespmem:s10+$0xFFFFFF10] =	vst v1;
	v1 =	vld [tilespmem:s14+$0x190]  }
0x2d8: {  	v7 =	vld [tilespmem:s14+$0x210];
	v4 =	vmul.f32 $8.000000000e+00, v4;
	[tilespmem:s10+$0xFFFFFC10] =	vst v3  }
0x2d9: {  	v3 =	vld [tilespmem:s14+$0x290];
	[tilespmem:s10+$0x3B0] =	vst v2;
	v2 =	vmul.f32 $8.000000000e+00, v5  }
0x2da: {  	[tilespmem:s10+$0xFFFFFF90] =	vst v4;
	v5 =	vld [tilespmem:s14+$0x310];
	v4 =	vmul.f32 $8.000000000e+00, v6  }
0x2db: {  	v6 =	vld [tilespmem:s14+$0xFFFFFC20];
	v0 =	vmul.f32 $8.000000000e+00, v0;
	[tilespmem:s10+$0x10] =	vst v2  }
0x2dc: {  	v2 =	vld [tilespmem:s14+$0xFFFFFCA0];
	[tilespmem:s10+$0x90] =	vst v4;
	v1 =	vmul.f32 $8.000000000e+00, v1  }
0x2dd: {  	v4 =	vld [tilespmem:s14+$0xFFFFFD20];
	[tilespmem:s10+$0x110] =	vst v0;
	v0 =	vmul.f32 $8.000000000e+00, v7  }
0x2de: {  	v7 =	vld [tilespmem:s14+$0xFFFFFDA0];
	[tilespmem:s10+$0x190] =	vst v1;
	v1 =	vmul.f32 $8.000000000e+00, v3  }
0x2df: {  	v3 =	vld [tilespmem:s14+$0xFFFFFE20];
	[tilespmem:s10+$0x210] =	vst v0;
	v0 =	vmul.f32 $8.000000000e+00, v5  }
0x2e0: {  	v5 =	vmul.f32 $8.000000000e+00, v6;
	v6 =	vld [tilespmem:s14+$0xFFFFFEA0];
	[tilespmem:s10+$0x290] =	vst v1  }
0x2e1: {  	v1 =	vmul.f32 $8.000000000e+00, v2;
	v2 =	vld [tilespmem:s14+$0xFFFFFF20];
	[tilespmem:s10+$0x310] =	vst v0  }
0x2e2: {  	[tilespmem:s10+$0xFFFFFC20] =	vst v5;
	v0 =	vmul.f32 $8.000000000e+00, v4;
	v4 =	vld [tilespmem:s14+$0xFFFFFFA0]  }
0x2e3: {  	v5 =	vld [tilespmem:s14+$0x20];
	[tilespmem:s10+$0xFFFFFCA0] =	vst v1;
	v1 =	vmul.f32 $8.000000000e+00, v7  }
0x2e4: {  	[tilespmem:s10+$0xFFFFFD20] =	vst v0;
	v0 =	vmul.f32 $8.000000000e+00, v3;
	v3 =	vld [tilespmem:s14+$0xA0]  }
0x2e5: {  	[tilespmem:s10+$0xFFFFFDA0] =	vst v1;
	v1 =	vmul.f32 $8.000000000e+00, v6;
	v6 =	vld [tilespmem:s14+$0x120]  }
0x2e6: {  	[tilespmem:s10+$0xFFFFFE20] =	vst v0;
	v0 =	vmul.f32 $8.000000000e+00, v2;
	v2 =	vld [tilespmem:s14+$0x1A0]  }
0x2e7: {  	[tilespmem:s10+$0xFFFFFEA0] =	vst v1;
	v1 =	vmul.f32 $8.000000000e+00, v4;
	v4 =	vld [tilespmem:s14+$0x220]  }
0x2e8: {  	[tilespmem:s10+$0xFFFFFF20] =	vst v0;
	v0 =	vmul.f32 $8.000000000e+00, v5;
	v5 =	vld [tilespmem:s14+$0x2A0]  }
0x2e9: {  	[tilespmem:s10+$0xFFFFFFA0] =	vst v1;
	v1 =	vmul.f32 $8.000000000e+00, v3;
	v3 =	vld [tilespmem:s14+$0x320]  }
0x2ea: {  	v7 =	vld [tilespmem:s14+$0xFFFFFC30];
	[tilespmem:s10+$0x20] =	vst v0;
	v0 =	vmul.f32 $8.000000000e+00, v6  }
0x2eb: {  	v6 =	vld [tilespmem:s14+$0xFFFFFCB0];
	[tilespmem:s10+$0xA0] =	vst v1;
	v1 =	vmul.f32 $8.000000000e+00, v2  }
0x2ec: {  	v2 =	vld [tilespmem:s14+$0xFFFFFD30];
	[tilespmem:s10+$0x120] =	vst v0;
	v0 =	vmul.f32 $8.000000000e+00, v4  }
0x2ed: {  	v4 =	vld [tilespmem:s14+$0xFFFFFDB0];
	[tilespmem:s10+$0x1A0] =	vst v1;
	v1 =	vmul.f32 $8.000000000e+00, v5  }
0x2ee: {  	v5 =	vld [tilespmem:s14+$0xFFFFFE30];
	[tilespmem:s10+$0x220] =	vst v0;
	v0 =	vmul.f32 $8.000000000e+00, v3  }
0x2ef: {  	v3 =	vmul.f32 $8.000000000e+00, v7;
	v7 =	vld [tilespmem:s14+$0xFFFFFEB0];
	[tilespmem:s10+$0x2A0] =	vst v1  }
0x2f0: {  	v1 =	vmul.f32 $8.000000000e+00, v6;
	v6 =	vld [tilespmem:s14+$0xFFFFFF30];
	[tilespmem:s10+$0x320] =	vst v0  }
0x2f1: {  	[tilespmem:s10+$0xFFFFFC30] =	vst v3;
	v0 =	vmul.f32 $8.000000000e+00, v2;
	v2 =	vld [tilespmem:s14+$0xFFFFFFB0]  }
0x2f2: {  	[tilespmem:s10+$0xFFFFFCB0] =	vst v1;
	v1 =	vmul.f32 $8.000000000e+00, v4;
	v4 =	vld [tilespmem:s14+$0x30]  }
0x2f3: {  	[tilespmem:s10+$0xFFFFFD30] =	vst v0;
	v3 =	vmul.f32 $8.000000000e+00, v5;
	v5 =	vld [tilespmem:s14+$0xB0]  }
0x2f4: {  	v0 =	vld [tilespmem:s14+$0x130];
	[tilespmem:s10+$0xFFFFFDB0] =	vst v1;
	v7 =	vmul.f32 $8.000000000e+00, v7  }
0x2f5: {  	v1 =	vld [tilespmem:s14+$0x1B0];
	[tilespmem:s10+$0xFFFFFE30] =	vst v3;
	v3 =	vmul.f32 $8.000000000e+00, v6  }
0x2f6: {  	[tilespmem:s10+$0xFFFFFEB0] =	vst v7;
	v7 =	vmul.f32 $8.000000000e+00, v2;
	v2 =	vld [tilespmem:s14+$0x230]  }
0x2f7: {  	[tilespmem:s10+$0xFFFFFF30] =	vst v3;
	v3 =	vld [tilespmem:s14+$0x2B0];
	v6 =	vmul.f32 $8.000000000e+00, v4  }
0x2f8: {  	s13 =	simm.s32 $0x0;
	v4 =	vld [tilespmem:s14+$0x330];
	s14 =	simm.s32 $0x7300;
	[tilespmem:s10+$0xFFFFFFB0] =	vst v7;
	v5 =	vmul.f32 $8.000000000e+00, v5  }
.LBB2_19:
0x2f9: {  	v7 =	vld [tilespmem:s14+$0x380];
	s13 =	sadd.s32 $0x10, s13;
	[tilespmem:s10+$0x30] =	vst v6;
	v0 =	vmul.f32 $8.000000000e+00, v0  }
0x2fa: {  	v6 =	vld [tilespmem:s14+$0xFFFFFC80];
	p0 =	slt.u32 s13, $0xB0;
	[tilespmem:s10+$0xB0] =	vst v5;
	v1 =	vmul.f32 $8.000000000e+00, v1  }
0x2fb: {  	v5 =	vld [tilespmem:s14+$0xFFFFFD00];
	[tilespmem:s10+$0x130] =	vst v0;
	v0 =	vmul.f32 $8.000000000e+00, v2  }
0x2fc: {  	v2 =	vld [tilespmem:s14+$0xFFFFFD80];
	[tilespmem:s10+$0x1B0] =	vst v1;
	v1 =	vmul.f32 $8.000000000e+00, v3  }
0x2fd: {  	v3 =	vld [tilespmem:s14+$0xFFFFFE00];
	[tilespmem:s10+$0x230] =	vst v0;
	v0 =	vmul.f32 $8.000000000e+00, v4  }
0x2fe: {  	v4 =	vld [tilespmem:s14+$0xFFFFFE80];
	v7 =	vmul.f32 $8.000000000e+00, v7;
	[tilespmem:s10+$0x2B0] =	vst v1  }
0x2ff: {  	v1 =	vmul.f32 $8.000000000e+00, v6;
	v6 =	vld [tilespmem:s14+$0xFFFFFF00];
	[tilespmem:s10+$0x330] =	vst v0;
	s10 =	sadd.s32 $0x800, s10  }
0x300: {  	v0 =	vmul.f32 $8.000000000e+00, v5;
	v5 =	vld [tilespmem:s14+$0xFFFFFF80];
	[tilespmem:s10+$0x380] =	vst v7  }
0x301: {  	[tilespmem:s10+$0xFFFFFC80] =	vst v1;
	v1 =	vmul.f32 $8.000000000e+00, v2;
	v2 =	vld [tilespmem:s14+$0x390]  }
0x302: {  	[tilespmem:s10+$0xFFFFFD00] =	vst v0;
	v0 =	vmul.f32 $8.000000000e+00, v3;
	v3 =	vld [tilespmem:s14+$0x0]  }
0x303: {  	[tilespmem:s10+$0xFFFFFD80] =	vst v1;
	v1 =	vmul.f32 $8.000000000e+00, v4;
	v4 =	vld [tilespmem:s14+$0x80]  }
0x304: {  	[tilespmem:s10+$0xFFFFFE00] =	vst v0;
	v0 =	vmul.f32 $8.000000000e+00, v6;
	v6 =	vld [tilespmem:s14+$0x100]  }
0x305: {  	[tilespmem:s10+$0xFFFFFE80] =	vst v1;
	v1 =	vmul.f32 $8.000000000e+00, v5;
	v5 =	vld [tilespmem:s14+$0x180]  }
0x306: {  	[tilespmem:s10+$0xFFFFFF00] =	vst v0;
	v0 =	vld [tilespmem:s14+$0x200];
	v2 =	vmul.f32 $8.000000000e+00, v2  }
0x307: {  	[tilespmem:s10+$0xFFFFFF80] =	vst v1;
	v1 =	vmul.f32 $8.000000000e+00, v3;
	v3 =	vld [tilespmem:s14+$0x280]  }
0x308: {  	v4 =	vmul.f32 $8.000000000e+00, v4;
	v7 =	vld [tilespmem:s14+$0x300];
	[tilespmem:s10+$0x390] =	vst v2  }
0x309: {  	[tilespmem:s10+$0x0] =	vst v1;
	v1 =	vmul.f32 $8.000000000e+00, v6;
	v2 =	vld [tilespmem:s14+$0x3A0]  }
0x30a: {  	v6 =	vld [tilespmem:s14+$0xFFFFFC00];
	[tilespmem:s10+$0x80] =	vst v4;
	v4 =	vmul.f32 $8.000000000e+00, v5  }
0x30b: {  	v5 =	vld [tilespmem:s14+$0xFFFFFC90];
	[tilespmem:s10+$0x100] =	vst v1;
	v0 =	vmul.f32 $8.000000000e+00, v0  }
0x30c: {  	v1 =	vld [tilespmem:s14+$0xFFFFFD10];
	[tilespmem:s10+$0x180] =	vst v4;
	v3 =	vmul.f32 $8.000000000e+00, v3  }
0x30d: {  	v4 =	vld [tilespmem:s14+$0xFFFFFD90];
	[tilespmem:s10+$0x200] =	vst v0;
	v0 =	vmul.f32 $8.000000000e+00, v7  }
0x30e: {  	v7 =	vld [tilespmem:s14+$0xFFFFFE10];
	[tilespmem:s10+$0x280] =	vst v3;
	v2 =	vmul.f32 $8.000000000e+00, v2  }
0x30f: {  	v3 =	vmul.f32 $8.000000000e+00, v6;
	v6 =	vld [tilespmem:s14+$0xFFFFFE90];
	[tilespmem:s10+$0x300] =	vst v0  }
0x310: {  	v0 =	vmul.f32 $8.000000000e+00, v5;
	v5 =	vld [tilespmem:s14+$0xFFFFFF10];
	[tilespmem:s10+$0x3A0] =	vst v2  }
0x311: {  	[tilespmem:s10+$0xFFFFFC00] =	vst v3;
	v1 =	vmul.f32 $8.000000000e+00, v1;
	v2 =	vld [tilespmem:s14+$0x3B0]  }
0x312: {  	v3 =	vld [tilespmem:s14+$0xFFFFFC10];
	[tilespmem:s10+$0xFFFFFC90] =	vst v0;
	v0 =	vmul.f32 $8.000000000e+00, v4  }
0x313: {  	[tilespmem:s10+$0xFFFFFD10] =	vst v1;
	v1 =	vmul.f32 $8.000000000e+00, v7;
	v4 =	vld [tilespmem:s14+$0xFFFFFF90]  }
0x314: {  	[tilespmem:s10+$0xFFFFFD90] =	vst v0;
	v0 =	vmul.f32 $8.000000000e+00, v6;
	v6 =	vld [tilespmem:s14+$0x10]  }
0x315: {  	[tilespmem:s10+$0xFFFFFE10] =	vst v1;
	v1 =	vmul.f32 $8.000000000e+00, v5;
	v5 =	vld [tilespmem:s14+$0x90]  }
0x316: {  	[tilespmem:s10+$0xFFFFFE90] =	vst v0;
	v0 =	vld [tilespmem:s14+$0x110];
	v2 =	vmul.f32 $8.000000000e+00, v2  }
0x317: {  	v3 =	vmul.f32 $8.000000000e+00, v3;
	[tilespmem:s10+$0xFFFFFF10] =	vst v1;
	v1 =	vld [tilespmem:s14+$0x190]  }
0x318: {  	s15 =	simm.s32 $0x0;
	v4 =	vmul.f32 $8.000000000e+00, v4;
	v7 =	vld [tilespmem:s14+$0x210];
	[tilespmem:s10+$0x3B0] =	vst v2  }
0x319: {  	[tilespmem:s10+$0xFFFFFC10] =	vst v3;
	v2 =	vmul.f32 $8.000000000e+00, v6;
	v3 =	vld [tilespmem:s14+$0x290]  }
0x31a: {  	[tilespmem:s10+$0xFFFFFF90] =	vst v4;
	v4 =	vmul.f32 $8.000000000e+00, v5;
	v5 =	vld [tilespmem:s14+$0x310]  }
0x31b: {  	v6 =	vld [tilespmem:s14+$0xFFFFFC20];
	[tilespmem:s10+$0x10] =	vst v2;
	v0 =	vmul.f32 $8.000000000e+00, v0  }
0x31c: {  	v2 =	vld [tilespmem:s14+$0xFFFFFCA0];
	[tilespmem:s10+$0x90] =	vst v4;
	v1 =	vmul.f32 $8.000000000e+00, v1  }
0x31d: {  	v4 =	vld [tilespmem:s14+$0xFFFFFD20];
	[tilespmem:s10+$0x110] =	vst v0;
	v0 =	vmul.f32 $8.000000000e+00, v7  }
0x31e: {  	v7 =	vld [tilespmem:s14+$0xFFFFFDA0];
	[tilespmem:s10+$0x190] =	vst v1;
	v1 =	vmul.f32 $8.000000000e+00, v3  }
0x31f: {  	v3 =	vld [tilespmem:s14+$0xFFFFFE20];
	[tilespmem:s10+$0x210] =	vst v0;
	v0 =	vmul.f32 $8.000000000e+00, v5  }
0x320: {  	v5 =	vmul.f32 $8.000000000e+00, v6;
	v6 =	vld [tilespmem:s14+$0xFFFFFEA0];
	[tilespmem:s10+$0x290] =	vst v1  }
0x321: {  	v1 =	vmul.f32 $8.000000000e+00, v2;
	v2 =	vld [tilespmem:s14+$0xFFFFFF20];
	[tilespmem:s10+$0x310] =	vst v0  }
0x322: {  	[tilespmem:s10+$0xFFFFFC20] =	vst v5;
	v0 =	vmul.f32 $8.000000000e+00, v4;
	v4 =	vld [tilespmem:s14+$0xFFFFFFA0]  }
0x323: {  	[tilespmem:s10+$0xFFFFFCA0] =	vst v1;
	v1 =	vmul.f32 $8.000000000e+00, v7;
	v5 =	vld [tilespmem:s14+$0x20]  }
0x324: {  	[tilespmem:s10+$0xFFFFFD20] =	vst v0;
	v0 =	vmul.f32 $8.000000000e+00, v3;
	v3 =	vld [tilespmem:s14+$0xA0]  }
0x325: {  	[tilespmem:s10+$0xFFFFFDA0] =	vst v1;
	v1 =	vmul.f32 $8.000000000e+00, v6;
	v6 =	vld [tilespmem:s14+$0x120]  }
0x326: {  	[tilespmem:s10+$0xFFFFFE20] =	vst v0;
	v0 =	vmul.f32 $8.000000000e+00, v2;
	v2 =	vld [tilespmem:s14+$0x1A0]  }
0x327: {  	[tilespmem:s10+$0xFFFFFEA0] =	vst v1;
	v1 =	vmul.f32 $8.000000000e+00, v4;
	v4 =	vld [tilespmem:s14+$0x220]  }
0x328: {  	[tilespmem:s10+$0xFFFFFF20] =	vst v0;
	v0 =	vmul.f32 $8.000000000e+00, v5;
	v5 =	vld [tilespmem:s14+$0x2A0]  }
0x329: {  	[tilespmem:s10+$0xFFFFFFA0] =	vst v1;
	v1 =	vmul.f32 $8.000000000e+00, v3;
	v3 =	vld [tilespmem:s14+$0x320]  }
0x32a: {  	v7 =	vld [tilespmem:s14+$0xFFFFFC30];
	[tilespmem:s10+$0x20] =	vst v0;
	v0 =	vmul.f32 $8.000000000e+00, v6  }
0x32b: {  	v6 =	vld [tilespmem:s14+$0xFFFFFCB0];
	[tilespmem:s10+$0xA0] =	vst v1;
	v1 =	vmul.f32 $8.000000000e+00, v2  }
0x32c: {  	v2 =	vld [tilespmem:s14+$0xFFFFFD30];
	[tilespmem:s10+$0x120] =	vst v0;
	v0 =	vmul.f32 $8.000000000e+00, v4  }
0x32d: {  	v4 =	vld [tilespmem:s14+$0xFFFFFDB0];
	[tilespmem:s10+$0x1A0] =	vst v1;
	v1 =	vmul.f32 $8.000000000e+00, v5  }
0x32e: {  	v5 =	vld [tilespmem:s14+$0xFFFFFE30];
	[tilespmem:s10+$0x220] =	vst v0;
	v0 =	vmul.f32 $8.000000000e+00, v3  }
0x32f: {  	v3 =	vmul.f32 $8.000000000e+00, v7;
	v7 =	vld [tilespmem:s14+$0xFFFFFEB0];
	[tilespmem:s10+$0x2A0] =	vst v1  }
0x330: {  	v1 =	vmul.f32 $8.000000000e+00, v6;
	v6 =	vld [tilespmem:s14+$0xFFFFFF30];
	[tilespmem:s10+$0x320] =	vst v0  }
0x331: {  	[tilespmem:s10+$0xFFFFFC30] =	vst v3;
	v0 =	vmul.f32 $8.000000000e+00, v2;
	v2 =	vld [tilespmem:s14+$0xFFFFFFB0]  }
0x332: {  	[tilespmem:s10+$0xFFFFFCB0] =	vst v1;
	v1 =	vmul.f32 $8.000000000e+00, v4;
	v3 =	vld [tilespmem:s14+$0x30]  }
0x333: {  	[tilespmem:s10+$0xFFFFFD30] =	vst v0;
	v4 =	vmul.f32 $8.000000000e+00, v5;
	v5 =	vld [tilespmem:s14+$0xB0]  }
.Ltmp8:
0x334: {  	[tilespmem:s10+$0xFFFFFDB0] =	vst v1;
	v7 =	vmul.f32 $8.000000000e+00, v7;
	v0 =	vld [tilespmem:s14+$0x130];
	(pc) =	sbr.rel @p0 .LBB2_19-.Ltmp8, $4  }
0x335: {  	[tilespmem:s10+$0xFFFFFE30] =	vst v4;
	v4 =	vmul.f32 $8.000000000e+00, v6;
	v1 =	vld [tilespmem:s14+$0x1B0]  }
0x336: {  	[tilespmem:s10+$0xFFFFFEB0] =	vst v7;
	v7 =	vmul.f32 $8.000000000e+00, v2;
	v2 =	vld [tilespmem:s14+$0x230]  }
0x337: {  	[tilespmem:s10+$0xFFFFFF30] =	vst v4;
	v6 =	vmul.f32 $8.000000000e+00, v3;
	v3 =	vld [tilespmem:s14+$0x2B0]  }
0x338: {  	[tilespmem:s10+$0xFFFFFFB0] =	vst v7;
	v5 =	vmul.f32 $8.000000000e+00, v5;
	v4 =	vld [tilespmem:s14+$0x330];
	s14 =	sadd.s32 $0x800, s14  }
0x339: {  	[tilespmem:s10+$0x30] =	vst v6;
	v0 =	vmul.f32 $8.000000000e+00, v0  }
0x33a: {  	[tilespmem:s10+$0xB0] =	vst v5;
	v1 =	vmul.f32 $8.000000000e+00, v1  }
0x33b: {  	[tilespmem:s10+$0x130] =	vst v0;
	v61 =	vmul.f32 $8.000000000e+00, v2  }
0x33c: {  	[tilespmem:s10+$0x1B0] =	vst v1;
	v62 =	vmul.f32 $8.000000000e+00, v3  }
0x33d: {  	[tilespmem:s10+$0x230] =	vst v61;
	v63 =	vmul.f32 $8.000000000e+00, v4  }
0x33e: {  	[tilespmem:s10+$0x2B0] =	vst v62  }
0x33f: {  	[tilespmem:s10+$0x330] =	vst v63  }
.LBB2_21:
0x340: {  	s10 =	sshra.s32 s15, $0x2  }
0x341: {  	v0 =	vld [tilespmem:s10+$0xC700]  }
0x342: {  	v1 =	vld [tilespmem:s10+$0xC710]  }
0x343: {  	v2 =	vld [tilespmem:s10+$0xC720]  }
0x344: {  	v3 =	vld [tilespmem:s10+$0xC730];
	_ =	sdelay $0x1  }
0x345: {  	p0 =	sne.s32 s15, $0xE00;
	v0 =	vmul.f32 $8.000000000e+00, v0  }
.Ltmp9:
0x346: {  	v1 =	vmul.f32 $8.000000000e+00, v1;
	(pc) =	sbr.rel @p0 .LBB2_21-.Ltmp9, $4  }
0x347: {  	v62 =	vmul.f32 $8.000000000e+00, v2;
	[tilespmem:s10+$0x18F00] =	vst v0  }
0x348: {  	v63 =	vmul.f32 $8.000000000e+00, v3;
	[tilespmem:s10+$0x18F10] =	vst v1  }
0x349: {  	[tilespmem:s10+$0x18F20] =	vst v62  }
0x34a: {  	s15 =	sadd.s32 $0x200, s15;
	[tilespmem:s10+$0x18F30] =	vst v63  }
0x34b: {  	s10 =	smul.u32 $0xC80, s12;
	_ =	sdelay $0x1  }
0x34c: {  	s10 =	sadd.s32 s5, s10  }
0x34d: {  	[hbm4b:s10+s3] =	stream.linear.scatter [tilespmem:s0], [sflag:$0x7], $0x6400, $0x38;
	[tilespmem:$0x1F700] =	vst v63  }
0x34e: {  	_ =	swait.ge [sflag:s26], $0xC8  }
0x34f: {  	p0 =	seq.s32 s7, $0x14;
	[sflag:s26] =	ssyncset.done $0x0  }
0x350: {  	s10 =	sadd.s32 @!p0 s20, s17;
	[sflag:s26] =	ssyncadd.s32 $0xFFFFFF38  }
0x351: {  	[tilespmem:s28], [sflag:$0x5] =	stream.indirect.gather [hbm4b:s4+s24], $0x80, s21, s24, $0xb8;
	[tilespmem:$0x1F700] =	vst v63  }
0x352: {  	s10 =	smul.u32 @!p0 $0x19, s10;
	_ =	swait.ge [sflag:s9], $0x6400  }
0x353: {  	s12 =	simm.s32 @!p0 $0x0;
	[sflag:s9] =	ssyncset.done $0x0  }
0x354: {  	s13 =	simm.s32 @!p0 $0x200;
	s10 =	sadd.s32 @!p0 s2, s10;
	[sflag:s9] =	ssyncadd.s32 $0xFFFF9C00  }
0x355: {  	[tilespmem:s13], [sflag:$0x3] =	stream.linear.gather @!p0 [hbm4b:s10+s12], $0xC8, $0x38;
	[tilespmem:$0x1F700] =	vst v63  }
0x356: {  	_ =	swait.ge [sflag:s19], $0x6400  }
0x357: {  	[sflag:s19] =	ssyncset.done $0x0  }
0x358: {  	s20 =	simm.s32 $0xCF00;
	[sflag:s19] =	ssyncadd.s32 $0xFFFF9C00  }
0x359: {  	v0 =	vld [tilespmem:s20+$0x380]  }
0x35a: {  	v1 =	vld [tilespmem:s20+$0xFFFFFC80]  }
0x35b: {  	v2 =	vld [tilespmem:s20+$0xFFFFFD00]  }
0x35c: {  	v3 =	vld [tilespmem:s20+$0xFFFFFD80]  }
0x35d: {  	v4 =	vld [tilespmem:s20+$0xFFFFFE00]  }
0x35e: {  	v5 =	vld [tilespmem:s20+$0xFFFFFE80];
	v0 =	vmul.f32 $8.000000000e+00, v0  }
0x35f: {  	s10 =	simm.s32 $0x19700;
	v6 =	vld [tilespmem:s20+$0xFFFFFF00];
	v1 =	vmul.f32 $8.000000000e+00, v1  }
0x360: {  	v7 =	vld [tilespmem:s20+$0xFFFFFF80];
	v2 =	vmul.f32 $8.000000000e+00, v2;
	[tilespmem:s10+$0x380] =	vst v0  }
0x361: {  	[tilespmem:s10+$0xFFFFFC80] =	vst v1;
	v0 =	vmul.f32 $8.000000000e+00, v3;
	v1 =	vld [tilespmem:s20+$0x390]  }
0x362: {  	[tilespmem:s10+$0xFFFFFD00] =	vst v2;
	v2 =	vmul.f32 $8.000000000e+00, v4;
	v3 =	vld [tilespmem:s20+$0x0]  }
0x363: {  	v4 =	vld [tilespmem:s20+$0x80];
	[tilespmem:s10+$0xFFFFFD80] =	vst v0;
	v0 =	vmul.f32 $8.000000000e+00, v5  }
0x364: {  	[tilespmem:s10+$0xFFFFFE00] =	vst v2;
	v2 =	vmul.f32 $8.000000000e+00, v6;
	v5 =	vld [tilespmem:s20+$0x100]  }
0x365: {  	v6 =	vld [tilespmem:s20+$0x180];
	[tilespmem:s10+$0xFFFFFE80] =	vst v0;
	v0 =	vmul.f32 $8.000000000e+00, v7  }
0x366: {  	[tilespmem:s10+$0xFFFFFF00] =	vst v2;
	v2 =	vld [tilespmem:s20+$0x200];
	v1 =	vmul.f32 $8.000000000e+00, v1  }
0x367: {  	[tilespmem:s10+$0xFFFFFF80] =	vst v0;
	v0 =	vmul.f32 $8.000000000e+00, v3;
	v3 =	vld [tilespmem:s20+$0x280]  }
0x368: {  	v7 =	vld [tilespmem:s20+$0x300];
	v4 =	vmul.f32 $8.000000000e+00, v4;
	[tilespmem:s10+$0x390] =	vst v1  }
0x369: {  	[tilespmem:s10+$0x0] =	vst v0;
	v0 =	vmul.f32 $8.000000000e+00, v5;
	v5 =	vld [tilespmem:s20+$0xFFFFFC00]  }
0x36a: {  	[tilespmem:s10+$0x80] =	vst v4;
	v4 =	vmul.f32 $8.000000000e+00, v6;
	v1 =	vld [tilespmem:s20+$0x3A0]  }
0x36b: {  	v6 =	vld [tilespmem:s20+$0xFFFFFC90];
	[tilespmem:s10+$0x100] =	vst v0;
	v0 =	vmul.f32 $8.000000000e+00, v2  }
0x36c: {  	[tilespmem:s10+$0x180] =	vst v4;
	v2 =	vld [tilespmem:s20+$0xFFFFFD10];
	v3 =	vmul.f32 $8.000000000e+00, v3  }
0x36d: {  	v4 =	vld [tilespmem:s20+$0xFFFFFD90];
	[tilespmem:s10+$0x200] =	vst v0;
	v0 =	vmul.f32 $8.000000000e+00, v7  }
0x36e: {  	v7 =	vld [tilespmem:s20+$0xFFFFFE10];
	[tilespmem:s10+$0x280] =	vst v3;
	v3 =	vmul.f32 $8.000000000e+00, v5  }
0x36f: {  	v5 =	vld [tilespmem:s20+$0xFFFFFE90];
	v1 =	vmul.f32 $8.000000000e+00, v1;
	[tilespmem:s10+$0x300] =	vst v0  }
0x370: {  	v0 =	vmul.f32 $8.000000000e+00, v6;
	v6 =	vld [tilespmem:s20+$0xFFFFFF10];
	[tilespmem:s10+$0xFFFFFC00] =	vst v3  }
0x371: {  	[tilespmem:s10+$0x3A0] =	vst v1;
	v1 =	vmul.f32 $8.000000000e+00, v2;
	v3 =	vld [tilespmem:s20+$0xFFFFFC10]  }
0x372: {  	[tilespmem:s10+$0xFFFFFC90] =	vst v0;
	v0 =	vmul.f32 $8.000000000e+00, v4;
	v2 =	vld [tilespmem:s20+$0x3B0]  }
0x373: {  	v4 =	vld [tilespmem:s20+$0xFFFFFF90];
	[tilespmem:s10+$0xFFFFFD10] =	vst v1;
	v1 =	vmul.f32 $8.000000000e+00, v7  }
0x374: {  	[tilespmem:s10+$0xFFFFFD90] =	vst v0;
	v0 =	vmul.f32 $8.000000000e+00, v5;
	v5 =	vld [tilespmem:s20+$0x10]  }
0x375: {  	[tilespmem:s10+$0xFFFFFE10] =	vst v1;
	v1 =	vmul.f32 $8.000000000e+00, v6;
	v6 =	vld [tilespmem:s20+$0x90]  }
0x376: {  	[tilespmem:s10+$0xFFFFFE90] =	vst v0;
	v0 =	vld [tilespmem:s20+$0x110];
	v3 =	vmul.f32 $8.000000000e+00, v3  }
0x377: {  	v2 =	vmul.f32 $8.000000000e+00, v2;
	[tilespmem:s10+$0xFFFFFF10] =	vst v1;
	v1 =	vld [tilespmem:s20+$0x190]  }
0x378: {  	v7 =	vld [tilespmem:s20+$0x210];
	v4 =	vmul.f32 $8.000000000e+00, v4;
	[tilespmem:s10+$0xFFFFFC10] =	vst v3  }
0x379: {  	v3 =	vld [tilespmem:s20+$0x290];
	[tilespmem:s10+$0x3B0] =	vst v2;
	v2 =	vmul.f32 $8.000000000e+00, v5  }
0x37a: {  	[tilespmem:s10+$0xFFFFFF90] =	vst v4;
	v5 =	vld [tilespmem:s20+$0x310];
	v4 =	vmul.f32 $8.000000000e+00, v6  }
0x37b: {  	v6 =	vld [tilespmem:s20+$0xFFFFFC20];
	v0 =	vmul.f32 $8.000000000e+00, v0;
	[tilespmem:s10+$0x10] =	vst v2  }
0x37c: {  	v2 =	vld [tilespmem:s20+$0xFFFFFCA0];
	[tilespmem:s10+$0x90] =	vst v4;
	v1 =	vmul.f32 $8.000000000e+00, v1  }
0x37d: {  	v4 =	vld [tilespmem:s20+$0xFFFFFD20];
	[tilespmem:s10+$0x110] =	vst v0;
	v0 =	vmul.f32 $8.000000000e+00, v7  }
0x37e: {  	v7 =	vld [tilespmem:s20+$0xFFFFFDA0];
	[tilespmem:s10+$0x190] =	vst v1;
	v1 =	vmul.f32 $8.000000000e+00, v3  }
0x37f: {  	v3 =	vld [tilespmem:s20+$0xFFFFFE20];
	[tilespmem:s10+$0x210] =	vst v0;
	v0 =	vmul.f32 $8.000000000e+00, v5  }
0x380: {  	v5 =	vmul.f32 $8.000000000e+00, v6;
	v6 =	vld [tilespmem:s20+$0xFFFFFEA0];
	[tilespmem:s10+$0x290] =	vst v1  }
0x381: {  	v1 =	vmul.f32 $8.000000000e+00, v2;
	v2 =	vld [tilespmem:s20+$0xFFFFFF20];
	[tilespmem:s10+$0x310] =	vst v0  }
0x382: {  	[tilespmem:s10+$0xFFFFFC20] =	vst v5;
	v0 =	vmul.f32 $8.000000000e+00, v4;
	v4 =	vld [tilespmem:s20+$0xFFFFFFA0]  }
0x383: {  	v5 =	vld [tilespmem:s20+$0x20];
	[tilespmem:s10+$0xFFFFFCA0] =	vst v1;
	v1 =	vmul.f32 $8.000000000e+00, v7  }
0x384: {  	[tilespmem:s10+$0xFFFFFD20] =	vst v0;
	v0 =	vmul.f32 $8.000000000e+00, v3;
	v3 =	vld [tilespmem:s20+$0xA0]  }
0x385: {  	[tilespmem:s10+$0xFFFFFDA0] =	vst v1;
	v1 =	vmul.f32 $8.000000000e+00, v6;
	v6 =	vld [tilespmem:s20+$0x120]  }
0x386: {  	[tilespmem:s10+$0xFFFFFE20] =	vst v0;
	v0 =	vmul.f32 $8.000000000e+00, v2;
	v2 =	vld [tilespmem:s20+$0x1A0]  }
0x387: {  	[tilespmem:s10+$0xFFFFFEA0] =	vst v1;
	v1 =	vmul.f32 $8.000000000e+00, v4;
	v4 =	vld [tilespmem:s20+$0x220]  }
0x388: {  	[tilespmem:s10+$0xFFFFFF20] =	vst v0;
	v0 =	vmul.f32 $8.000000000e+00, v5;
	v5 =	vld [tilespmem:s20+$0x2A0]  }
0x389: {  	[tilespmem:s10+$0xFFFFFFA0] =	vst v1;
	v1 =	vmul.f32 $8.000000000e+00, v3;
	v3 =	vld [tilespmem:s20+$0x320]  }
0x38a: {  	v7 =	vld [tilespmem:s20+$0xFFFFFC30];
	[tilespmem:s10+$0x20] =	vst v0;
	v0 =	vmul.f32 $8.000000000e+00, v6  }
0x38b: {  	v6 =	vld [tilespmem:s20+$0xFFFFFCB0];
	[tilespmem:s10+$0xA0] =	vst v1;
	v1 =	vmul.f32 $8.000000000e+00, v2  }
0x38c: {  	v2 =	vld [tilespmem:s20+$0xFFFFFD30];
	[tilespmem:s10+$0x120] =	vst v0;
	v0 =	vmul.f32 $8.000000000e+00, v4  }
0x38d: {  	v4 =	vld [tilespmem:s20+$0xFFFFFDB0];
	[tilespmem:s10+$0x1A0] =	vst v1;
	v1 =	vmul.f32 $8.000000000e+00, v5  }
0x38e: {  	v5 =	vld [tilespmem:s20+$0xFFFFFE30];
	[tilespmem:s10+$0x220] =	vst v0;
	v0 =	vmul.f32 $8.000000000e+00, v3  }
0x38f: {  	v3 =	vmul.f32 $8.000000000e+00, v7;
	v7 =	vld [tilespmem:s20+$0xFFFFFEB0];
	[tilespmem:s10+$0x2A0] =	vst v1  }
0x390: {  	v1 =	vmul.f32 $8.000000000e+00, v6;
	v6 =	vld [tilespmem:s20+$0xFFFFFF30];
	[tilespmem:s10+$0x320] =	vst v0  }
0x391: {  	[tilespmem:s10+$0xFFFFFC30] =	vst v3;
	v0 =	vmul.f32 $8.000000000e+00, v2;
	v2 =	vld [tilespmem:s20+$0xFFFFFFB0]  }
0x392: {  	[tilespmem:s10+$0xFFFFFCB0] =	vst v1;
	v1 =	vmul.f32 $8.000000000e+00, v4;
	v4 =	vld [tilespmem:s20+$0x30]  }
0x393: {  	[tilespmem:s10+$0xFFFFFD30] =	vst v0;
	v3 =	vmul.f32 $8.000000000e+00, v5;
	v5 =	vld [tilespmem:s20+$0xB0]  }
0x394: {  	v0 =	vld [tilespmem:s20+$0x130];
	[tilespmem:s10+$0xFFFFFDB0] =	vst v1;
	v7 =	vmul.f32 $8.000000000e+00, v7  }
0x395: {  	v1 =	vld [tilespmem:s20+$0x1B0];
	[tilespmem:s10+$0xFFFFFE30] =	vst v3;
	v3 =	vmul.f32 $8.000000000e+00, v6  }
0x396: {  	[tilespmem:s10+$0xFFFFFEB0] =	vst v7;
	v7 =	vmul.f32 $8.000000000e+00, v2;
	v2 =	vld [tilespmem:s20+$0x230]  }
0x397: {  	[tilespmem:s10+$0xFFFFFF30] =	vst v3;
	v3 =	vld [tilespmem:s20+$0x2B0];
	v6 =	vmul.f32 $8.000000000e+00, v4  }
0x398: {  	s12 =	simm.s32 $0x0;
	s13 =	simm.s32 $0xD700;
	v4 =	vld [tilespmem:s20+$0x330];
	[tilespmem:s10+$0xFFFFFFB0] =	vst v7;
	v5 =	vmul.f32 $8.000000000e+00, v5  }
.LBB2_23:
0x399: {  	v7 =	vld [tilespmem:s13+$0x380];
	s12 =	sadd.s32 $0x10, s12;
	[tilespmem:s10+$0x30] =	vst v6;
	v0 =	vmul.f32 $8.000000000e+00, v0  }
0x39a: {  	v6 =	vld [tilespmem:s13+$0xFFFFFC80];
	p0 =	slt.u32 s12, $0xB0;
	[tilespmem:s10+$0xB0] =	vst v5;
	v1 =	vmul.f32 $8.000000000e+00, v1  }
0x39b: {  	v5 =	vld [tilespmem:s13+$0xFFFFFD00];
	[tilespmem:s10+$0x130] =	vst v0;
	v0 =	vmul.f32 $8.000000000e+00, v2  }
0x39c: {  	v2 =	vld [tilespmem:s13+$0xFFFFFD80];
	[tilespmem:s10+$0x1B0] =	vst v1;
	v1 =	vmul.f32 $8.000000000e+00, v3  }
0x39d: {  	v3 =	vld [tilespmem:s13+$0xFFFFFE00];
	[tilespmem:s10+$0x230] =	vst v0;
	v0 =	vmul.f32 $8.000000000e+00, v4  }
0x39e: {  	v4 =	vld [tilespmem:s13+$0xFFFFFE80];
	v7 =	vmul.f32 $8.000000000e+00, v7;
	[tilespmem:s10+$0x2B0] =	vst v1  }
0x39f: {  	v1 =	vmul.f32 $8.000000000e+00, v6;
	v6 =	vld [tilespmem:s13+$0xFFFFFF00];
	[tilespmem:s10+$0x330] =	vst v0;
	s10 =	sadd.s32 $0x800, s10  }
0x3a0: {  	v0 =	vmul.f32 $8.000000000e+00, v5;
	v5 =	vld [tilespmem:s13+$0xFFFFFF80];
	[tilespmem:s10+$0x380] =	vst v7  }
0x3a1: {  	[tilespmem:s10+$0xFFFFFC80] =	vst v1;
	v1 =	vmul.f32 $8.000000000e+00, v2;
	v2 =	vld [tilespmem:s13+$0x390]  }
0x3a2: {  	[tilespmem:s10+$0xFFFFFD00] =	vst v0;
	v0 =	vmul.f32 $8.000000000e+00, v3;
	v3 =	vld [tilespmem:s13+$0x0]  }
0x3a3: {  	[tilespmem:s10+$0xFFFFFD80] =	vst v1;
	v1 =	vmul.f32 $8.000000000e+00, v4;
	v4 =	vld [tilespmem:s13+$0x80]  }
0x3a4: {  	[tilespmem:s10+$0xFFFFFE00] =	vst v0;
	v0 =	vmul.f32 $8.000000000e+00, v6;
	v6 =	vld [tilespmem:s13+$0x100]  }
0x3a5: {  	[tilespmem:s10+$0xFFFFFE80] =	vst v1;
	v1 =	vmul.f32 $8.000000000e+00, v5;
	v5 =	vld [tilespmem:s13+$0x180]  }
0x3a6: {  	[tilespmem:s10+$0xFFFFFF00] =	vst v0;
	v0 =	vld [tilespmem:s13+$0x200];
	v2 =	vmul.f32 $8.000000000e+00, v2  }
0x3a7: {  	[tilespmem:s10+$0xFFFFFF80] =	vst v1;
	v1 =	vmul.f32 $8.000000000e+00, v3;
	v3 =	vld [tilespmem:s13+$0x280]  }
0x3a8: {  	v4 =	vmul.f32 $8.000000000e+00, v4;
	v7 =	vld [tilespmem:s13+$0x300];
	[tilespmem:s10+$0x390] =	vst v2  }
0x3a9: {  	[tilespmem:s10+$0x0] =	vst v1;
	v1 =	vmul.f32 $8.000000000e+00, v6;
	v2 =	vld [tilespmem:s13+$0x3A0]  }
0x3aa: {  	v6 =	vld [tilespmem:s13+$0xFFFFFC00];
	[tilespmem:s10+$0x80] =	vst v4;
	v4 =	vmul.f32 $8.000000000e+00, v5  }
0x3ab: {  	v5 =	vld [tilespmem:s13+$0xFFFFFC90];
	[tilespmem:s10+$0x100] =	vst v1;
	v0 =	vmul.f32 $8.000000000e+00, v0  }
0x3ac: {  	v1 =	vld [tilespmem:s13+$0xFFFFFD10];
	[tilespmem:s10+$0x180] =	vst v4;
	v3 =	vmul.f32 $8.000000000e+00, v3  }
0x3ad: {  	v4 =	vld [tilespmem:s13+$0xFFFFFD90];
	[tilespmem:s10+$0x200] =	vst v0;
	v0 =	vmul.f32 $8.000000000e+00, v7  }
0x3ae: {  	v7 =	vld [tilespmem:s13+$0xFFFFFE10];
	[tilespmem:s10+$0x280] =	vst v3;
	v2 =	vmul.f32 $8.000000000e+00, v2  }
0x3af: {  	v3 =	vmul.f32 $8.000000000e+00, v6;
	v6 =	vld [tilespmem:s13+$0xFFFFFE90];
	[tilespmem:s10+$0x300] =	vst v0  }
0x3b0: {  	v0 =	vmul.f32 $8.000000000e+00, v5;
	v5 =	vld [tilespmem:s13+$0xFFFFFF10];
	[tilespmem:s10+$0x3A0] =	vst v2  }
0x3b1: {  	[tilespmem:s10+$0xFFFFFC00] =	vst v3;
	v1 =	vmul.f32 $8.000000000e+00, v1;
	v2 =	vld [tilespmem:s13+$0x3B0]  }
0x3b2: {  	v3 =	vld [tilespmem:s13+$0xFFFFFC10];
	[tilespmem:s10+$0xFFFFFC90] =	vst v0;
	v0 =	vmul.f32 $8.000000000e+00, v4  }
0x3b3: {  	[tilespmem:s10+$0xFFFFFD10] =	vst v1;
	v1 =	vmul.f32 $8.000000000e+00, v7;
	v4 =	vld [tilespmem:s13+$0xFFFFFF90]  }
0x3b4: {  	[tilespmem:s10+$0xFFFFFD90] =	vst v0;
	v0 =	vmul.f32 $8.000000000e+00, v6;
	v6 =	vld [tilespmem:s13+$0x10]  }
0x3b5: {  	[tilespmem:s10+$0xFFFFFE10] =	vst v1;
	v1 =	vmul.f32 $8.000000000e+00, v5;
	v5 =	vld [tilespmem:s13+$0x90]  }
0x3b6: {  	[tilespmem:s10+$0xFFFFFE90] =	vst v0;
	v0 =	vld [tilespmem:s13+$0x110];
	v2 =	vmul.f32 $8.000000000e+00, v2  }
0x3b7: {  	v3 =	vmul.f32 $8.000000000e+00, v3;
	[tilespmem:s10+$0xFFFFFF10] =	vst v1;
	v1 =	vld [tilespmem:s13+$0x190]  }
0x3b8: {  	s14 =	simm.s32 $0x0;
	v4 =	vmul.f32 $8.000000000e+00, v4;
	v7 =	vld [tilespmem:s13+$0x210];
	[tilespmem:s10+$0x3B0] =	vst v2  }
0x3b9: {  	[tilespmem:s10+$0xFFFFFC10] =	vst v3;
	v2 =	vmul.f32 $8.000000000e+00, v6;
	v3 =	vld [tilespmem:s13+$0x290]  }
0x3ba: {  	[tilespmem:s10+$0xFFFFFF90] =	vst v4;
	v4 =	vmul.f32 $8.000000000e+00, v5;
	v5 =	vld [tilespmem:s13+$0x310]  }
0x3bb: {  	v6 =	vld [tilespmem:s13+$0xFFFFFC20];
	[tilespmem:s10+$0x10] =	vst v2;
	v0 =	vmul.f32 $8.000000000e+00, v0  }
0x3bc: {  	v2 =	vld [tilespmem:s13+$0xFFFFFCA0];
	[tilespmem:s10+$0x90] =	vst v4;
	v1 =	vmul.f32 $8.000000000e+00, v1  }
0x3bd: {  	v4 =	vld [tilespmem:s13+$0xFFFFFD20];
	[tilespmem:s10+$0x110] =	vst v0;
	v0 =	vmul.f32 $8.000000000e+00, v7  }
0x3be: {  	v7 =	vld [tilespmem:s13+$0xFFFFFDA0];
	[tilespmem:s10+$0x190] =	vst v1;
	v1 =	vmul.f32 $8.000000000e+00, v3  }
0x3bf: {  	v3 =	vld [tilespmem:s13+$0xFFFFFE20];
	[tilespmem:s10+$0x210] =	vst v0;
	v0 =	vmul.f32 $8.000000000e+00, v5  }
0x3c0: {  	v5 =	vmul.f32 $8.000000000e+00, v6;
	v6 =	vld [tilespmem:s13+$0xFFFFFEA0];
	[tilespmem:s10+$0x290] =	vst v1  }
0x3c1: {  	v1 =	vmul.f32 $8.000000000e+00, v2;
	v2 =	vld [tilespmem:s13+$0xFFFFFF20];
	[tilespmem:s10+$0x310] =	vst v0  }
0x3c2: {  	[tilespmem:s10+$0xFFFFFC20] =	vst v5;
	v0 =	vmul.f32 $8.000000000e+00, v4;
	v4 =	vld [tilespmem:s13+$0xFFFFFFA0]  }
0x3c3: {  	[tilespmem:s10+$0xFFFFFCA0] =	vst v1;
	v1 =	vmul.f32 $8.000000000e+00, v7;
	v5 =	vld [tilespmem:s13+$0x20]  }
0x3c4: {  	[tilespmem:s10+$0xFFFFFD20] =	vst v0;
	v0 =	vmul.f32 $8.000000000e+00, v3;
	v3 =	vld [tilespmem:s13+$0xA0]  }
0x3c5: {  	[tilespmem:s10+$0xFFFFFDA0] =	vst v1;
	v1 =	vmul.f32 $8.000000000e+00, v6;
	v6 =	vld [tilespmem:s13+$0x120]  }
0x3c6: {  	[tilespmem:s10+$0xFFFFFE20] =	vst v0;
	v0 =	vmul.f32 $8.000000000e+00, v2;
	v2 =	vld [tilespmem:s13+$0x1A0]  }
0x3c7: {  	[tilespmem:s10+$0xFFFFFEA0] =	vst v1;
	v1 =	vmul.f32 $8.000000000e+00, v4;
	v4 =	vld [tilespmem:s13+$0x220]  }
0x3c8: {  	[tilespmem:s10+$0xFFFFFF20] =	vst v0;
	v0 =	vmul.f32 $8.000000000e+00, v5;
	v5 =	vld [tilespmem:s13+$0x2A0]  }
0x3c9: {  	[tilespmem:s10+$0xFFFFFFA0] =	vst v1;
	v1 =	vmul.f32 $8.000000000e+00, v3;
	v3 =	vld [tilespmem:s13+$0x320]  }
0x3ca: {  	v7 =	vld [tilespmem:s13+$0xFFFFFC30];
	[tilespmem:s10+$0x20] =	vst v0;
	v0 =	vmul.f32 $8.000000000e+00, v6  }
0x3cb: {  	v6 =	vld [tilespmem:s13+$0xFFFFFCB0];
	[tilespmem:s10+$0xA0] =	vst v1;
	v1 =	vmul.f32 $8.000000000e+00, v2  }
0x3cc: {  	v2 =	vld [tilespmem:s13+$0xFFFFFD30];
	[tilespmem:s10+$0x120] =	vst v0;
	v0 =	vmul.f32 $8.000000000e+00, v4  }
0x3cd: {  	v4 =	vld [tilespmem:s13+$0xFFFFFDB0];
	[tilespmem:s10+$0x1A0] =	vst v1;
	v1 =	vmul.f32 $8.000000000e+00, v5  }
0x3ce: {  	v5 =	vld [tilespmem:s13+$0xFFFFFE30];
	[tilespmem:s10+$0x220] =	vst v0;
	v0 =	vmul.f32 $8.000000000e+00, v3  }
0x3cf: {  	v3 =	vmul.f32 $8.000000000e+00, v7;
	v7 =	vld [tilespmem:s13+$0xFFFFFEB0];
	[tilespmem:s10+$0x2A0] =	vst v1  }
0x3d0: {  	v1 =	vmul.f32 $8.000000000e+00, v6;
	v6 =	vld [tilespmem:s13+$0xFFFFFF30];
	[tilespmem:s10+$0x320] =	vst v0  }
0x3d1: {  	[tilespmem:s10+$0xFFFFFC30] =	vst v3;
	v0 =	vmul.f32 $8.000000000e+00, v2;
	v2 =	vld [tilespmem:s13+$0xFFFFFFB0]  }
0x3d2: {  	[tilespmem:s10+$0xFFFFFCB0] =	vst v1;
	v1 =	vmul.f32 $8.000000000e+00, v4;
	v3 =	vld [tilespmem:s13+$0x30]  }
0x3d3: {  	[tilespmem:s10+$0xFFFFFD30] =	vst v0;
	v4 =	vmul.f32 $8.000000000e+00, v5;
	v5 =	vld [tilespmem:s13+$0xB0]  }
.Ltmp10:
0x3d4: {  	[tilespmem:s10+$0xFFFFFDB0] =	vst v1;
	v7 =	vmul.f32 $8.000000000e+00, v7;
	v0 =	vld [tilespmem:s13+$0x130];
	(pc) =	sbr.rel @p0 .LBB2_23-.Ltmp10, $4  }
0x3d5: {  	[tilespmem:s10+$0xFFFFFE30] =	vst v4;
	v4 =	vmul.f32 $8.000000000e+00, v6;
	v1 =	vld [tilespmem:s13+$0x1B0]  }
0x3d6: {  	[tilespmem:s10+$0xFFFFFEB0] =	vst v7;
	v7 =	vmul.f32 $8.000000000e+00, v2;
	v2 =	vld [tilespmem:s13+$0x230]  }
0x3d7: {  	[tilespmem:s10+$0xFFFFFF30] =	vst v4;
	v6 =	vmul.f32 $8.000000000e+00, v3;
	v3 =	vld [tilespmem:s13+$0x2B0]  }
0x3d8: {  	[tilespmem:s10+$0xFFFFFFB0] =	vst v7;
	v5 =	vmul.f32 $8.000000000e+00, v5;
	v4 =	vld [tilespmem:s13+$0x330];
	s13 =	sadd.s32 $0x800, s13  }
0x3d9: {  	[tilespmem:s10+$0x30] =	vst v6;
	v0 =	vmul.f32 $8.000000000e+00, v0  }
0x3da: {  	[tilespmem:s10+$0xB0] =	vst v5;
	v1 =	vmul.f32 $8.000000000e+00, v1  }
0x3db: {  	[tilespmem:s10+$0x130] =	vst v0;
	v61 =	vmul.f32 $8.000000000e+00, v2  }
0x3dc: {  	[tilespmem:s10+$0x1B0] =	vst v1;
	v62 =	vmul.f32 $8.000000000e+00, v3  }
0x3dd: {  	[tilespmem:s10+$0x230] =	vst v61;
	v63 =	vmul.f32 $8.000000000e+00, v4  }
0x3de: {  	[tilespmem:s10+$0x2B0] =	vst v62  }
0x3df: {  	[tilespmem:s10+$0x330] =	vst v63  }
.LBB2_25:
0x3e0: {  	s10 =	sshra.s32 s14, $0x2  }
0x3e1: {  	v0 =	vld [tilespmem:s10+$0x12B00]  }
0x3e2: {  	v1 =	vld [tilespmem:s10+$0x12B10]  }
0x3e3: {  	v2 =	vld [tilespmem:s10+$0x12B20]  }
0x3e4: {  	v3 =	vld [tilespmem:s10+$0x12B30];
	_ =	sdelay $0x1  }
0x3e5: {  	p0 =	sne.s32 s14, $0xE00;
	v0 =	vmul.f32 $8.000000000e+00, v0  }
.Ltmp11:
0x3e6: {  	v1 =	vmul.f32 $8.000000000e+00, v1;
	(pc) =	sbr.rel @p0 .LBB2_25-.Ltmp11, $4  }
0x3e7: {  	v62 =	vmul.f32 $8.000000000e+00, v2;
	[tilespmem:s10+$0x1F300] =	vst v0  }
0x3e8: {  	v63 =	vmul.f32 $8.000000000e+00, v3;
	[tilespmem:s10+$0x1F310] =	vst v1  }
0x3e9: {  	[tilespmem:s10+$0x1F320] =	vst v62  }
0x3ea: {  	s14 =	sadd.s32 $0x200, s14;
	[tilespmem:s10+$0x1F330] =	vst v63  }
0x3eb: {  	s7 =	sadd.s32 $0x1, s7  }
0x3ec: {  	p0 =	sne.s32 s7, $0x15  }
.Ltmp12:
0x3ed: {  	_ = 	snop;
	(pc) =	sbr.rel @p0 .LBB2_2-.Ltmp12, $3  }
0x3ee: {  	s10 =	smul.u32 $0xC80, s11;
	_ =	sdelay $0x1  }
0x3ef: {  	s10 =	sadd.s32 s5, s10  }
0x3f0: {  	[hbm4b:s10+s3] =	stream.linear.scatter [tilespmem:s8], [sflag:$0x8], $0x6400, $0x38;
	[tilespmem:$0x1F700] =	vst v63  }
0x3f1: {  	_ =	swait.ge [sflag:s31], $0x6400  }
0x3f2: {  	[sflag:s31] =	ssyncset.done $0x0  }
0x3f3: {  	[sflag:s31] =	ssyncadd.s32 $0xFFFF9C00  }
0x3f4: {  	_ =	swait.ge [sflag:s18], $0x6400  }
0x3f5: {  	[sflag:s18] =	ssyncset.done $0x0  }
0x3f6: {  	s11 =	simm.s32 $0x700;
	[sflag:s18] =	ssyncadd.s32 $0xFFFF9C00  }
0x3f7: {  	v0 =	vld [tilespmem:s11+$0x380]  }
0x3f8: {  	v1 =	vld [tilespmem:s11+$0xFFFFFC80]  }
0x3f9: {  	v2 =	vld [tilespmem:s11+$0xFFFFFD00]  }
0x3fa: {  	v3 =	vld [tilespmem:s11+$0xFFFFFD80]  }
0x3fb: {  	v4 =	vld [tilespmem:s11+$0xFFFFFE00]  }
0x3fc: {  	v5 =	vld [tilespmem:s11+$0xFFFFFE80];
	v0 =	vmul.f32 $8.000000000e+00, v0  }
0x3fd: {  	s7 =	simm.s32 $0x13300;
	v6 =	vld [tilespmem:s11+$0xFFFFFF00];
	v1 =	vmul.f32 $8.000000000e+00, v1  }
0x3fe: {  	v7 =	vld [tilespmem:s11+$0xFFFFFF80];
	v2 =	vmul.f32 $8.000000000e+00, v2;
	[tilespmem:s7+$0x380] =	vst v0  }
0x3ff: {  	[tilespmem:s7+$0xFFFFFC80] =	vst v1;
	v0 =	vmul.f32 $8.000000000e+00, v3;
	v1 =	vld [tilespmem:s11+$0x390]  }
0x400: {  	[tilespmem:s7+$0xFFFFFD00] =	vst v2;
	v2 =	vmul.f32 $8.000000000e+00, v4;
	v3 =	vld [tilespmem:s11+$0x0]  }
0x401: {  	v4 =	vld [tilespmem:s11+$0x80];
	[tilespmem:s7+$0xFFFFFD80] =	vst v0;
	v0 =	vmul.f32 $8.000000000e+00, v5  }
0x402: {  	[tilespmem:s7+$0xFFFFFE00] =	vst v2;
	v2 =	vmul.f32 $8.000000000e+00, v6;
	v5 =	vld [tilespmem:s11+$0x100]  }
0x403: {  	v6 =	vld [tilespmem:s11+$0x180];
	[tilespmem:s7+$0xFFFFFE80] =	vst v0;
	v0 =	vmul.f32 $8.000000000e+00, v7  }
0x404: {  	[tilespmem:s7+$0xFFFFFF00] =	vst v2;
	v2 =	vld [tilespmem:s11+$0x200];
	v1 =	vmul.f32 $8.000000000e+00, v1  }
0x405: {  	[tilespmem:s7+$0xFFFFFF80] =	vst v0;
	v0 =	vmul.f32 $8.000000000e+00, v3;
	v3 =	vld [tilespmem:s11+$0x280]  }
0x406: {  	v7 =	vld [tilespmem:s11+$0x300];
	v4 =	vmul.f32 $8.000000000e+00, v4;
	[tilespmem:s7+$0x390] =	vst v1  }
0x407: {  	[tilespmem:s7+$0x0] =	vst v0;
	v0 =	vmul.f32 $8.000000000e+00, v5;
	v5 =	vld [tilespmem:s11+$0xFFFFFC00]  }
0x408: {  	[tilespmem:s7+$0x80] =	vst v4;
	v4 =	vmul.f32 $8.000000000e+00, v6;
	v1 =	vld [tilespmem:s11+$0x3A0]  }
0x409: {  	v6 =	vld [tilespmem:s11+$0xFFFFFC90];
	[tilespmem:s7+$0x100] =	vst v0;
	v0 =	vmul.f32 $8.000000000e+00, v2  }
0x40a: {  	[tilespmem:s7+$0x180] =	vst v4;
	v2 =	vld [tilespmem:s11+$0xFFFFFD10];
	v3 =	vmul.f32 $8.000000000e+00, v3  }
0x40b: {  	v4 =	vld [tilespmem:s11+$0xFFFFFD90];
	[tilespmem:s7+$0x200] =	vst v0;
	v0 =	vmul.f32 $8.000000000e+00, v7  }
0x40c: {  	v7 =	vld [tilespmem:s11+$0xFFFFFE10];
	[tilespmem:s7+$0x280] =	vst v3;
	v3 =	vmul.f32 $8.000000000e+00, v5  }
0x40d: {  	v5 =	vld [tilespmem:s11+$0xFFFFFE90];
	v1 =	vmul.f32 $8.000000000e+00, v1;
	[tilespmem:s7+$0x300] =	vst v0  }
0x40e: {  	v0 =	vmul.f32 $8.000000000e+00, v6;
	v6 =	vld [tilespmem:s11+$0xFFFFFF10];
	[tilespmem:s7+$0xFFFFFC00] =	vst v3  }
0x40f: {  	[tilespmem:s7+$0x3A0] =	vst v1;
	v1 =	vmul.f32 $8.000000000e+00, v2;
	v3 =	vld [tilespmem:s11+$0xFFFFFC10]  }
0x410: {  	[tilespmem:s7+$0xFFFFFC90] =	vst v0;
	v0 =	vmul.f32 $8.000000000e+00, v4;
	v2 =	vld [tilespmem:s11+$0x3B0]  }
0x411: {  	v4 =	vld [tilespmem:s11+$0xFFFFFF90];
	[tilespmem:s7+$0xFFFFFD10] =	vst v1;
	v1 =	vmul.f32 $8.000000000e+00, v7  }
0x412: {  	[tilespmem:s7+$0xFFFFFD90] =	vst v0;
	v0 =	vmul.f32 $8.000000000e+00, v5;
	v5 =	vld [tilespmem:s11+$0x10]  }
0x413: {  	[tilespmem:s7+$0xFFFFFE10] =	vst v1;
	v1 =	vmul.f32 $8.000000000e+00, v6;
	v6 =	vld [tilespmem:s11+$0x90]  }
0x414: {  	[tilespmem:s7+$0xFFFFFE90] =	vst v0;
	v0 =	vld [tilespmem:s11+$0x110];
	v3 =	vmul.f32 $8.000000000e+00, v3  }
0x415: {  	v2 =	vmul.f32 $8.000000000e+00, v2;
	[tilespmem:s7+$0xFFFFFF10] =	vst v1;
	v1 =	vld [tilespmem:s11+$0x190]  }
0x416: {  	v7 =	vld [tilespmem:s11+$0x210];
	v4 =	vmul.f32 $8.000000000e+00, v4;
	[tilespmem:s7+$0xFFFFFC10] =	vst v3  }
0x417: {  	v3 =	vld [tilespmem:s11+$0x290];
	[tilespmem:s7+$0x3B0] =	vst v2;
	v2 =	vmul.f32 $8.000000000e+00, v5  }
0x418: {  	[tilespmem:s7+$0xFFFFFF90] =	vst v4;
	v5 =	vld [tilespmem:s11+$0x310];
	v4 =	vmul.f32 $8.000000000e+00, v6  }
0x419: {  	v6 =	vld [tilespmem:s11+$0xFFFFFC20];
	v0 =	vmul.f32 $8.000000000e+00, v0;
	[tilespmem:s7+$0x10] =	vst v2  }
0x41a: {  	v2 =	vld [tilespmem:s11+$0xFFFFFCA0];
	[tilespmem:s7+$0x90] =	vst v4;
	v1 =	vmul.f32 $8.000000000e+00, v1  }
0x41b: {  	v4 =	vld [tilespmem:s11+$0xFFFFFD20];
	[tilespmem:s7+$0x110] =	vst v0;
	v0 =	vmul.f32 $8.000000000e+00, v7  }
0x41c: {  	v7 =	vld [tilespmem:s11+$0xFFFFFDA0];
	[tilespmem:s7+$0x190] =	vst v1;
	v1 =	vmul.f32 $8.000000000e+00, v3  }
0x41d: {  	v3 =	vld [tilespmem:s11+$0xFFFFFE20];
	[tilespmem:s7+$0x210] =	vst v0;
	v0 =	vmul.f32 $8.000000000e+00, v5  }
0x41e: {  	v5 =	vmul.f32 $8.000000000e+00, v6;
	v6 =	vld [tilespmem:s11+$0xFFFFFEA0];
	[tilespmem:s7+$0x290] =	vst v1  }
0x41f: {  	v1 =	vmul.f32 $8.000000000e+00, v2;
	v2 =	vld [tilespmem:s11+$0xFFFFFF20];
	[tilespmem:s7+$0x310] =	vst v0  }
0x420: {  	[tilespmem:s7+$0xFFFFFC20] =	vst v5;
	v0 =	vmul.f32 $8.000000000e+00, v4;
	v4 =	vld [tilespmem:s11+$0xFFFFFFA0]  }
0x421: {  	v5 =	vld [tilespmem:s11+$0x20];
	[tilespmem:s7+$0xFFFFFCA0] =	vst v1;
	v1 =	vmul.f32 $8.000000000e+00, v7  }
0x422: {  	[tilespmem:s7+$0xFFFFFD20] =	vst v0;
	v0 =	vmul.f32 $8.000000000e+00, v3;
	v3 =	vld [tilespmem:s11+$0xA0]  }
0x423: {  	[tilespmem:s7+$0xFFFFFDA0] =	vst v1;
	v1 =	vmul.f32 $8.000000000e+00, v6;
	v6 =	vld [tilespmem:s11+$0x120]  }
0x424: {  	[tilespmem:s7+$0xFFFFFE20] =	vst v0;
	v0 =	vmul.f32 $8.000000000e+00, v2;
	v2 =	vld [tilespmem:s11+$0x1A0]  }
0x425: {  	[tilespmem:s7+$0xFFFFFEA0] =	vst v1;
	v1 =	vmul.f32 $8.000000000e+00, v4;
	v4 =	vld [tilespmem:s11+$0x220]  }
0x426: {  	[tilespmem:s7+$0xFFFFFF20] =	vst v0;
	v0 =	vmul.f32 $8.000000000e+00, v5;
	v5 =	vld [tilespmem:s11+$0x2A0]  }
0x427: {  	[tilespmem:s7+$0xFFFFFFA0] =	vst v1;
	v1 =	vmul.f32 $8.000000000e+00, v3;
	v3 =	vld [tilespmem:s11+$0x320]  }
0x428: {  	v7 =	vld [tilespmem:s11+$0xFFFFFC30];
	[tilespmem:s7+$0x20] =	vst v0;
	v0 =	vmul.f32 $8.000000000e+00, v6  }
0x429: {  	v6 =	vld [tilespmem:s11+$0xFFFFFCB0];
	[tilespmem:s7+$0xA0] =	vst v1;
	v1 =	vmul.f32 $8.000000000e+00, v2  }
0x42a: {  	v2 =	vld [tilespmem:s11+$0xFFFFFD30];
	[tilespmem:s7+$0x120] =	vst v0;
	v0 =	vmul.f32 $8.000000000e+00, v4  }
0x42b: {  	v4 =	vld [tilespmem:s11+$0xFFFFFDB0];
	[tilespmem:s7+$0x1A0] =	vst v1;
	v1 =	vmul.f32 $8.000000000e+00, v5  }
0x42c: {  	v5 =	vld [tilespmem:s11+$0xFFFFFE30];
	[tilespmem:s7+$0x220] =	vst v0;
	v0 =	vmul.f32 $8.000000000e+00, v3  }
0x42d: {  	v3 =	vmul.f32 $8.000000000e+00, v7;
	v7 =	vld [tilespmem:s11+$0xFFFFFEB0];
	[tilespmem:s7+$0x2A0] =	vst v1  }
0x42e: {  	v1 =	vmul.f32 $8.000000000e+00, v6;
	v6 =	vld [tilespmem:s11+$0xFFFFFF30];
	[tilespmem:s7+$0x320] =	vst v0  }
0x42f: {  	[tilespmem:s7+$0xFFFFFC30] =	vst v3;
	v0 =	vmul.f32 $8.000000000e+00, v2;
	v2 =	vld [tilespmem:s11+$0xFFFFFFB0]  }
0x430: {  	[tilespmem:s7+$0xFFFFFCB0] =	vst v1;
	v1 =	vmul.f32 $8.000000000e+00, v4;
	v4 =	vld [tilespmem:s11+$0x30]  }
0x431: {  	[tilespmem:s7+$0xFFFFFD30] =	vst v0;
	v3 =	vmul.f32 $8.000000000e+00, v5;
	v5 =	vld [tilespmem:s11+$0xB0]  }
0x432: {  	v0 =	vld [tilespmem:s11+$0x130];
	[tilespmem:s7+$0xFFFFFDB0] =	vst v1;
	v7 =	vmul.f32 $8.000000000e+00, v7  }
0x433: {  	v1 =	vld [tilespmem:s11+$0x1B0];
	[tilespmem:s7+$0xFFFFFE30] =	vst v3;
	v3 =	vmul.f32 $8.000000000e+00, v6  }
0x434: {  	[tilespmem:s7+$0xFFFFFEB0] =	vst v7;
	v7 =	vmul.f32 $8.000000000e+00, v2;
	v2 =	vld [tilespmem:s11+$0x230]  }
0x435: {  	[tilespmem:s7+$0xFFFFFF30] =	vst v3;
	v3 =	vld [tilespmem:s11+$0x2B0];
	v6 =	vmul.f32 $8.000000000e+00, v4  }
0x436: {  	s10 =	simm.s32 $0x0;
	v4 =	vld [tilespmem:s11+$0x330];
	s11 =	simm.s32 $0xF00;
	[tilespmem:s7+$0xFFFFFFB0] =	vst v7;
	v5 =	vmul.f32 $8.000000000e+00, v5  }
.LBB2_28:
0x437: {  	v7 =	vld [tilespmem:s11+$0x380];
	s10 =	sadd.s32 $0x10, s10;
	[tilespmem:s7+$0x30] =	vst v6;
	v0 =	vmul.f32 $8.000000000e+00, v0  }
0x438: {  	v6 =	vld [tilespmem:s11+$0xFFFFFC80];
	p0 =	slt.u32 s10, $0xB0;
	[tilespmem:s7+$0xB0] =	vst v5;
	v1 =	vmul.f32 $8.000000000e+00, v1  }
0x439: {  	v5 =	vld [tilespmem:s11+$0xFFFFFD00];
	[tilespmem:s7+$0x130] =	vst v0;
	v0 =	vmul.f32 $8.000000000e+00, v2  }
0x43a: {  	v2 =	vld [tilespmem:s11+$0xFFFFFD80];
	[tilespmem:s7+$0x1B0] =	vst v1;
	v1 =	vmul.f32 $8.000000000e+00, v3  }
0x43b: {  	v3 =	vld [tilespmem:s11+$0xFFFFFE00];
	[tilespmem:s7+$0x230] =	vst v0;
	v0 =	vmul.f32 $8.000000000e+00, v4  }
0x43c: {  	v4 =	vld [tilespmem:s11+$0xFFFFFE80];
	v7 =	vmul.f32 $8.000000000e+00, v7;
	[tilespmem:s7+$0x2B0] =	vst v1  }
0x43d: {  	v1 =	vmul.f32 $8.000000000e+00, v6;
	v6 =	vld [tilespmem:s11+$0xFFFFFF00];
	[tilespmem:s7+$0x330] =	vst v0;
	s7 =	sadd.s32 $0x800, s7  }
0x43e: {  	v0 =	vmul.f32 $8.000000000e+00, v5;
	v5 =	vld [tilespmem:s11+$0xFFFFFF80];
	[tilespmem:s7+$0x380] =	vst v7  }
0x43f: {  	[tilespmem:s7+$0xFFFFFC80] =	vst v1;
	v1 =	vmul.f32 $8.000000000e+00, v2;
	v2 =	vld [tilespmem:s11+$0x390]  }
0x440: {  	[tilespmem:s7+$0xFFFFFD00] =	vst v0;
	v0 =	vmul.f32 $8.000000000e+00, v3;
	v3 =	vld [tilespmem:s11+$0x0]  }
0x441: {  	[tilespmem:s7+$0xFFFFFD80] =	vst v1;
	v1 =	vmul.f32 $8.000000000e+00, v4;
	v4 =	vld [tilespmem:s11+$0x80]  }
0x442: {  	[tilespmem:s7+$0xFFFFFE00] =	vst v0;
	v0 =	vmul.f32 $8.000000000e+00, v6;
	v6 =	vld [tilespmem:s11+$0x100]  }
0x443: {  	[tilespmem:s7+$0xFFFFFE80] =	vst v1;
	v1 =	vmul.f32 $8.000000000e+00, v5;
	v5 =	vld [tilespmem:s11+$0x180]  }
0x444: {  	[tilespmem:s7+$0xFFFFFF00] =	vst v0;
	v0 =	vld [tilespmem:s11+$0x200];
	v2 =	vmul.f32 $8.000000000e+00, v2  }
0x445: {  	[tilespmem:s7+$0xFFFFFF80] =	vst v1;
	v1 =	vmul.f32 $8.000000000e+00, v3;
	v3 =	vld [tilespmem:s11+$0x280]  }
0x446: {  	v4 =	vmul.f32 $8.000000000e+00, v4;
	v7 =	vld [tilespmem:s11+$0x300];
	[tilespmem:s7+$0x390] =	vst v2  }
0x447: {  	[tilespmem:s7+$0x0] =	vst v1;
	v1 =	vmul.f32 $8.000000000e+00, v6;
	v2 =	vld [tilespmem:s11+$0x3A0]  }
0x448: {  	v6 =	vld [tilespmem:s11+$0xFFFFFC00];
	[tilespmem:s7+$0x80] =	vst v4;
	v4 =	vmul.f32 $8.000000000e+00, v5  }
0x449: {  	v5 =	vld [tilespmem:s11+$0xFFFFFC90];
	[tilespmem:s7+$0x100] =	vst v1;
	v0 =	vmul.f32 $8.000000000e+00, v0  }
0x44a: {  	v1 =	vld [tilespmem:s11+$0xFFFFFD10];
	[tilespmem:s7+$0x180] =	vst v4;
	v3 =	vmul.f32 $8.000000000e+00, v3  }
0x44b: {  	v4 =	vld [tilespmem:s11+$0xFFFFFD90];
	[tilespmem:s7+$0x200] =	vst v0;
	v0 =	vmul.f32 $8.000000000e+00, v7  }
0x44c: {  	v7 =	vld [tilespmem:s11+$0xFFFFFE10];
	[tilespmem:s7+$0x280] =	vst v3;
	v2 =	vmul.f32 $8.000000000e+00, v2  }
0x44d: {  	v3 =	vmul.f32 $8.000000000e+00, v6;
	v6 =	vld [tilespmem:s11+$0xFFFFFE90];
	[tilespmem:s7+$0x300] =	vst v0  }
0x44e: {  	v0 =	vmul.f32 $8.000000000e+00, v5;
	v5 =	vld [tilespmem:s11+$0xFFFFFF10];
	[tilespmem:s7+$0x3A0] =	vst v2  }
0x44f: {  	[tilespmem:s7+$0xFFFFFC00] =	vst v3;
	v1 =	vmul.f32 $8.000000000e+00, v1;
	v2 =	vld [tilespmem:s11+$0x3B0]  }
0x450: {  	v3 =	vld [tilespmem:s11+$0xFFFFFC10];
	[tilespmem:s7+$0xFFFFFC90] =	vst v0;
	v0 =	vmul.f32 $8.000000000e+00, v4  }
0x451: {  	[tilespmem:s7+$0xFFFFFD10] =	vst v1;
	v1 =	vmul.f32 $8.000000000e+00, v7;
	v4 =	vld [tilespmem:s11+$0xFFFFFF90]  }
0x452: {  	[tilespmem:s7+$0xFFFFFD90] =	vst v0;
	v0 =	vmul.f32 $8.000000000e+00, v6;
	v6 =	vld [tilespmem:s11+$0x10]  }
0x453: {  	[tilespmem:s7+$0xFFFFFE10] =	vst v1;
	v1 =	vmul.f32 $8.000000000e+00, v5;
	v5 =	vld [tilespmem:s11+$0x90]  }
0x454: {  	[tilespmem:s7+$0xFFFFFE90] =	vst v0;
	v0 =	vld [tilespmem:s11+$0x110];
	v2 =	vmul.f32 $8.000000000e+00, v2  }
0x455: {  	v3 =	vmul.f32 $8.000000000e+00, v3;
	[tilespmem:s7+$0xFFFFFF10] =	vst v1;
	v1 =	vld [tilespmem:s11+$0x190]  }
0x456: {  	s12 =	simm.s32 $0x0;
	v4 =	vmul.f32 $8.000000000e+00, v4;
	v7 =	vld [tilespmem:s11+$0x210];
	[tilespmem:s7+$0x3B0] =	vst v2  }
0x457: {  	[tilespmem:s7+$0xFFFFFC10] =	vst v3;
	v2 =	vmul.f32 $8.000000000e+00, v6;
	v3 =	vld [tilespmem:s11+$0x290]  }
0x458: {  	[tilespmem:s7+$0xFFFFFF90] =	vst v4;
	v4 =	vmul.f32 $8.000000000e+00, v5;
	v5 =	vld [tilespmem:s11+$0x310]  }
0x459: {  	v6 =	vld [tilespmem:s11+$0xFFFFFC20];
	[tilespmem:s7+$0x10] =	vst v2;
	v0 =	vmul.f32 $8.000000000e+00, v0  }
0x45a: {  	v2 =	vld [tilespmem:s11+$0xFFFFFCA0];
	[tilespmem:s7+$0x90] =	vst v4;
	v1 =	vmul.f32 $8.000000000e+00, v1  }
0x45b: {  	v4 =	vld [tilespmem:s11+$0xFFFFFD20];
	[tilespmem:s7+$0x110] =	vst v0;
	v0 =	vmul.f32 $8.000000000e+00, v7  }
0x45c: {  	v7 =	vld [tilespmem:s11+$0xFFFFFDA0];
	[tilespmem:s7+$0x190] =	vst v1;
	v1 =	vmul.f32 $8.000000000e+00, v3  }
0x45d: {  	v3 =	vld [tilespmem:s11+$0xFFFFFE20];
	[tilespmem:s7+$0x210] =	vst v0;
	v0 =	vmul.f32 $8.000000000e+00, v5  }
0x45e: {  	v5 =	vmul.f32 $8.000000000e+00, v6;
	v6 =	vld [tilespmem:s11+$0xFFFFFEA0];
	[tilespmem:s7+$0x290] =	vst v1  }
0x45f: {  	v1 =	vmul.f32 $8.000000000e+00, v2;
	v2 =	vld [tilespmem:s11+$0xFFFFFF20];
	[tilespmem:s7+$0x310] =	vst v0  }
0x460: {  	[tilespmem:s7+$0xFFFFFC20] =	vst v5;
	v0 =	vmul.f32 $8.000000000e+00, v4;
	v4 =	vld [tilespmem:s11+$0xFFFFFFA0]  }
0x461: {  	[tilespmem:s7+$0xFFFFFCA0] =	vst v1;
	v1 =	vmul.f32 $8.000000000e+00, v7;
	v5 =	vld [tilespmem:s11+$0x20]  }
0x462: {  	[tilespmem:s7+$0xFFFFFD20] =	vst v0;
	v0 =	vmul.f32 $8.000000000e+00, v3;
	v3 =	vld [tilespmem:s11+$0xA0]  }
0x463: {  	[tilespmem:s7+$0xFFFFFDA0] =	vst v1;
	v1 =	vmul.f32 $8.000000000e+00, v6;
	v6 =	vld [tilespmem:s11+$0x120]  }
0x464: {  	[tilespmem:s7+$0xFFFFFE20] =	vst v0;
	v0 =	vmul.f32 $8.000000000e+00, v2;
	v2 =	vld [tilespmem:s11+$0x1A0]  }
0x465: {  	[tilespmem:s7+$0xFFFFFEA0] =	vst v1;
	v1 =	vmul.f32 $8.000000000e+00, v4;
	v4 =	vld [tilespmem:s11+$0x220]  }
0x466: {  	[tilespmem:s7+$0xFFFFFF20] =	vst v0;
	v0 =	vmul.f32 $8.000000000e+00, v5;
	v5 =	vld [tilespmem:s11+$0x2A0]  }
0x467: {  	[tilespmem:s7+$0xFFFFFFA0] =	vst v1;
	v1 =	vmul.f32 $8.000000000e+00, v3;
	v3 =	vld [tilespmem:s11+$0x320]  }
0x468: {  	v7 =	vld [tilespmem:s11+$0xFFFFFC30];
	[tilespmem:s7+$0x20] =	vst v0;
	v0 =	vmul.f32 $8.000000000e+00, v6  }
0x469: {  	v6 =	vld [tilespmem:s11+$0xFFFFFCB0];
	[tilespmem:s7+$0xA0] =	vst v1;
	v1 =	vmul.f32 $8.000000000e+00, v2  }
0x46a: {  	v2 =	vld [tilespmem:s11+$0xFFFFFD30];
	[tilespmem:s7+$0x120] =	vst v0;
	v0 =	vmul.f32 $8.000000000e+00, v4  }
0x46b: {  	v4 =	vld [tilespmem:s11+$0xFFFFFDB0];
	[tilespmem:s7+$0x1A0] =	vst v1;
	v1 =	vmul.f32 $8.000000000e+00, v5  }
0x46c: {  	v5 =	vld [tilespmem:s11+$0xFFFFFE30];
	[tilespmem:s7+$0x220] =	vst v0;
	v0 =	vmul.f32 $8.000000000e+00, v3  }
0x46d: {  	v3 =	vmul.f32 $8.000000000e+00, v7;
	v7 =	vld [tilespmem:s11+$0xFFFFFEB0];
	[tilespmem:s7+$0x2A0] =	vst v1  }
0x46e: {  	v1 =	vmul.f32 $8.000000000e+00, v6;
	v6 =	vld [tilespmem:s11+$0xFFFFFF30];
	[tilespmem:s7+$0x320] =	vst v0  }
0x46f: {  	[tilespmem:s7+$0xFFFFFC30] =	vst v3;
	v0 =	vmul.f32 $8.000000000e+00, v2;
	v2 =	vld [tilespmem:s11+$0xFFFFFFB0]  }
0x470: {  	[tilespmem:s7+$0xFFFFFCB0] =	vst v1;
	v1 =	vmul.f32 $8.000000000e+00, v4;
	v3 =	vld [tilespmem:s11+$0x30]  }
0x471: {  	[tilespmem:s7+$0xFFFFFD30] =	vst v0;
	v4 =	vmul.f32 $8.000000000e+00, v5;
	v5 =	vld [tilespmem:s11+$0xB0]  }
.Ltmp13:
0x472: {  	[tilespmem:s7+$0xFFFFFDB0] =	vst v1;
	v7 =	vmul.f32 $8.000000000e+00, v7;
	v0 =	vld [tilespmem:s11+$0x130];
	(pc) =	sbr.rel @p0 .LBB2_28-.Ltmp13, $4  }
0x473: {  	[tilespmem:s7+$0xFFFFFE30] =	vst v4;
	v4 =	vmul.f32 $8.000000000e+00, v6;
	v1 =	vld [tilespmem:s11+$0x1B0]  }
0x474: {  	[tilespmem:s7+$0xFFFFFEB0] =	vst v7;
	v7 =	vmul.f32 $8.000000000e+00, v2;
	v2 =	vld [tilespmem:s11+$0x230]  }
0x475: {  	[tilespmem:s7+$0xFFFFFF30] =	vst v4;
	v6 =	vmul.f32 $8.000000000e+00, v3;
	v3 =	vld [tilespmem:s11+$0x2B0]  }
0x476: {  	[tilespmem:s7+$0xFFFFFFB0] =	vst v7;
	v5 =	vmul.f32 $8.000000000e+00, v5;
	v4 =	vld [tilespmem:s11+$0x330];
	s11 =	sadd.s32 $0x800, s11  }
0x477: {  	[tilespmem:s7+$0x30] =	vst v6;
	v0 =	vmul.f32 $8.000000000e+00, v0  }
0x478: {  	[tilespmem:s7+$0xB0] =	vst v5;
	v1 =	vmul.f32 $8.000000000e+00, v1  }
0x479: {  	[tilespmem:s7+$0x130] =	vst v0;
	v61 =	vmul.f32 $8.000000000e+00, v2  }
0x47a: {  	[tilespmem:s7+$0x1B0] =	vst v1;
	v62 =	vmul.f32 $8.000000000e+00, v3  }
0x47b: {  	[tilespmem:s7+$0x230] =	vst v61;
	v63 =	vmul.f32 $8.000000000e+00, v4  }
0x47c: {  	[tilespmem:s7+$0x2B0] =	vst v62  }
0x47d: {  	[tilespmem:s7+$0x330] =	vst v63  }
.LBB2_30:
0x47e: {  	s7 =	sshra.s32 s12, $0x2  }
0x47f: {  	v0 =	vld [tilespmem:s7+$0x6300]  }
0x480: {  	v1 =	vld [tilespmem:s7+$0x6310]  }
0x481: {  	v2 =	vld [tilespmem:s7+$0x6320]  }
0x482: {  	v3 =	vld [tilespmem:s7+$0x6330];
	_ =	sdelay $0x1  }
0x483: {  	p0 =	sne.s32 s12, $0xE00;
	v0 =	vmul.f32 $8.000000000e+00, v0  }
.Ltmp14:
0x484: {  	v1 =	vmul.f32 $8.000000000e+00, v1;
	(pc) =	sbr.rel @p0 .LBB2_30-.Ltmp14, $4  }
0x485: {  	v62 =	vmul.f32 $8.000000000e+00, v2;
	[tilespmem:s7+$0x18F00] =	vst v0  }
0x486: {  	v63 =	vmul.f32 $8.000000000e+00, v3;
	[tilespmem:s7+$0x18F10] =	vst v1  }
0x487: {  	[tilespmem:s7+$0x18F20] =	vst v62  }
0x488: {  	s12 =	sadd.s32 $0x200, s12;
	[tilespmem:s7+$0x18F30] =	vst v63  }
0x489: {  	s7 =	rddreg [dreg:$0xd]  }
0x48a: {  	[hbm4b:s7+s3] =	stream.linear.scatter [tilespmem:s0], [sflag:$0x7], $0x6400, $0x38;
	[tilespmem:$0x1F700] =	vst v63  }
0x48b: {  	_ =	swait.ge [sflag:s1], $0x6400  }
0x48c: {  	[sflag:s1] =	ssyncset.done $0x0  }
0x48d: {  	[sflag:s1] =	ssyncadd.s32 $0xFFFF9C00  }
0x48e: {  	_ =	swait.ge [sflag:s19], $0x6400  }
0x48f: {  	[sflag:s19] =	ssyncset.done $0x0  }
0x490: {  	s11 =	simm.s32 $0x6B00;
	[sflag:s19] =	ssyncadd.s32 $0xFFFF9C00  }
0x491: {  	v0 =	vld [tilespmem:s11+$0x380]  }
0x492: {  	v1 =	vld [tilespmem:s11+$0xFFFFFC80]  }
0x493: {  	v2 =	vld [tilespmem:s11+$0xFFFFFD00]  }
0x494: {  	v3 =	vld [tilespmem:s11+$0xFFFFFD80]  }
0x495: {  	v4 =	vld [tilespmem:s11+$0xFFFFFE00]  }
0x496: {  	v5 =	vld [tilespmem:s11+$0xFFFFFE80];
	v0 =	vmul.f32 $8.000000000e+00, v0  }
0x497: {  	s7 =	simm.s32 $0x19700;
	v6 =	vld [tilespmem:s11+$0xFFFFFF00];
	v1 =	vmul.f32 $8.000000000e+00, v1  }
0x498: {  	v7 =	vld [tilespmem:s11+$0xFFFFFF80];
	v2 =	vmul.f32 $8.000000000e+00, v2;
	[tilespmem:s7+$0x380] =	vst v0  }
0x499: {  	[tilespmem:s7+$0xFFFFFC80] =	vst v1;
	v0 =	vmul.f32 $8.000000000e+00, v3;
	v1 =	vld [tilespmem:s11+$0x390]  }
0x49a: {  	[tilespmem:s7+$0xFFFFFD00] =	vst v2;
	v2 =	vmul.f32 $8.000000000e+00, v4;
	v3 =	vld [tilespmem:s11+$0x0]  }
0x49b: {  	v4 =	vld [tilespmem:s11+$0x80];
	[tilespmem:s7+$0xFFFFFD80] =	vst v0;
	v0 =	vmul.f32 $8.000000000e+00, v5  }
0x49c: {  	[tilespmem:s7+$0xFFFFFE00] =	vst v2;
	v2 =	vmul.f32 $8.000000000e+00, v6;
	v5 =	vld [tilespmem:s11+$0x100]  }
0x49d: {  	v6 =	vld [tilespmem:s11+$0x180];
	[tilespmem:s7+$0xFFFFFE80] =	vst v0;
	v0 =	vmul.f32 $8.000000000e+00, v7  }
0x49e: {  	[tilespmem:s7+$0xFFFFFF00] =	vst v2;
	v2 =	vld [tilespmem:s11+$0x200];
	v1 =	vmul.f32 $8.000000000e+00, v1  }
0x49f: {  	[tilespmem:s7+$0xFFFFFF80] =	vst v0;
	v0 =	vmul.f32 $8.000000000e+00, v3;
	v3 =	vld [tilespmem:s11+$0x280]  }
0x4a0: {  	v7 =	vld [tilespmem:s11+$0x300];
	v4 =	vmul.f32 $8.000000000e+00, v4;
	[tilespmem:s7+$0x390] =	vst v1  }
0x4a1: {  	[tilespmem:s7+$0x0] =	vst v0;
	v0 =	vmul.f32 $8.000000000e+00, v5;
	v5 =	vld [tilespmem:s11+$0xFFFFFC00]  }
0x4a2: {  	[tilespmem:s7+$0x80] =	vst v4;
	v4 =	vmul.f32 $8.000000000e+00, v6;
	v1 =	vld [tilespmem:s11+$0x3A0]  }
0x4a3: {  	v6 =	vld [tilespmem:s11+$0xFFFFFC90];
	[tilespmem:s7+$0x100] =	vst v0;
	v0 =	vmul.f32 $8.000000000e+00, v2  }
0x4a4: {  	[tilespmem:s7+$0x180] =	vst v4;
	v2 =	vld [tilespmem:s11+$0xFFFFFD10];
	v3 =	vmul.f32 $8.000000000e+00, v3  }
0x4a5: {  	v4 =	vld [tilespmem:s11+$0xFFFFFD90];
	[tilespmem:s7+$0x200] =	vst v0;
	v0 =	vmul.f32 $8.000000000e+00, v7  }
0x4a6: {  	v7 =	vld [tilespmem:s11+$0xFFFFFE10];
	[tilespmem:s7+$0x280] =	vst v3;
	v3 =	vmul.f32 $8.000000000e+00, v5  }
0x4a7: {  	v5 =	vld [tilespmem:s11+$0xFFFFFE90];
	v1 =	vmul.f32 $8.000000000e+00, v1;
	[tilespmem:s7+$0x300] =	vst v0  }
0x4a8: {  	v0 =	vmul.f32 $8.000000000e+00, v6;
	v6 =	vld [tilespmem:s11+$0xFFFFFF10];
	[tilespmem:s7+$0xFFFFFC00] =	vst v3  }
0x4a9: {  	[tilespmem:s7+$0x3A0] =	vst v1;
	v1 =	vmul.f32 $8.000000000e+00, v2;
	v3 =	vld [tilespmem:s11+$0xFFFFFC10]  }
0x4aa: {  	[tilespmem:s7+$0xFFFFFC90] =	vst v0;
	v0 =	vmul.f32 $8.000000000e+00, v4;
	v2 =	vld [tilespmem:s11+$0x3B0]  }
0x4ab: {  	v4 =	vld [tilespmem:s11+$0xFFFFFF90];
	[tilespmem:s7+$0xFFFFFD10] =	vst v1;
	v1 =	vmul.f32 $8.000000000e+00, v7  }
0x4ac: {  	[tilespmem:s7+$0xFFFFFD90] =	vst v0;
	v0 =	vmul.f32 $8.000000000e+00, v5;
	v5 =	vld [tilespmem:s11+$0x10]  }
0x4ad: {  	[tilespmem:s7+$0xFFFFFE10] =	vst v1;
	v1 =	vmul.f32 $8.000000000e+00, v6;
	v6 =	vld [tilespmem:s11+$0x90]  }
0x4ae: {  	[tilespmem:s7+$0xFFFFFE90] =	vst v0;
	v0 =	vld [tilespmem:s11+$0x110];
	v3 =	vmul.f32 $8.000000000e+00, v3  }
0x4af: {  	v2 =	vmul.f32 $8.000000000e+00, v2;
	[tilespmem:s7+$0xFFFFFF10] =	vst v1;
	v1 =	vld [tilespmem:s11+$0x190]  }
0x4b0: {  	v7 =	vld [tilespmem:s11+$0x210];
	v4 =	vmul.f32 $8.000000000e+00, v4;
	[tilespmem:s7+$0xFFFFFC10] =	vst v3  }
0x4b1: {  	v3 =	vld [tilespmem:s11+$0x290];
	[tilespmem:s7+$0x3B0] =	vst v2;
	v2 =	vmul.f32 $8.000000000e+00, v5  }
0x4b2: {  	[tilespmem:s7+$0xFFFFFF90] =	vst v4;
	v5 =	vld [tilespmem:s11+$0x310];
	v4 =	vmul.f32 $8.000000000e+00, v6  }
0x4b3: {  	v6 =	vld [tilespmem:s11+$0xFFFFFC20];
	v0 =	vmul.f32 $8.000000000e+00, v0;
	[tilespmem:s7+$0x10] =	vst v2  }
0x4b4: {  	v2 =	vld [tilespmem:s11+$0xFFFFFCA0];
	[tilespmem:s7+$0x90] =	vst v4;
	v1 =	vmul.f32 $8.000000000e+00, v1  }
0x4b5: {  	v4 =	vld [tilespmem:s11+$0xFFFFFD20];
	[tilespmem:s7+$0x110] =	vst v0;
	v0 =	vmul.f32 $8.000000000e+00, v7  }
0x4b6: {  	v7 =	vld [tilespmem:s11+$0xFFFFFDA0];
	[tilespmem:s7+$0x190] =	vst v1;
	v1 =	vmul.f32 $8.000000000e+00, v3  }
0x4b7: {  	v3 =	vld [tilespmem:s11+$0xFFFFFE20];
	[tilespmem:s7+$0x210] =	vst v0;
	v0 =	vmul.f32 $8.000000000e+00, v5  }
0x4b8: {  	v5 =	vmul.f32 $8.000000000e+00, v6;
	v6 =	vld [tilespmem:s11+$0xFFFFFEA0];
	[tilespmem:s7+$0x290] =	vst v1  }
0x4b9: {  	v1 =	vmul.f32 $8.000000000e+00, v2;
	v2 =	vld [tilespmem:s11+$0xFFFFFF20];
	[tilespmem:s7+$0x310] =	vst v0  }
0x4ba: {  	[tilespmem:s7+$0xFFFFFC20] =	vst v5;
	v0 =	vmul.f32 $8.000000000e+00, v4;
	v4 =	vld [tilespmem:s11+$0xFFFFFFA0]  }
0x4bb: {  	v5 =	vld [tilespmem:s11+$0x20];
	[tilespmem:s7+$0xFFFFFCA0] =	vst v1;
	v1 =	vmul.f32 $8.000000000e+00, v7  }
0x4bc: {  	[tilespmem:s7+$0xFFFFFD20] =	vst v0;
	v0 =	vmul.f32 $8.000000000e+00, v3;
	v3 =	vld [tilespmem:s11+$0xA0]  }
0x4bd: {  	[tilespmem:s7+$0xFFFFFDA0] =	vst v1;
	v1 =	vmul.f32 $8.000000000e+00, v6;
	v6 =	vld [tilespmem:s11+$0x120]  }
0x4be: {  	[tilespmem:s7+$0xFFFFFE20] =	vst v0;
	v0 =	vmul.f32 $8.000000000e+00, v2;
	v2 =	vld [tilespmem:s11+$0x1A0]  }
0x4bf: {  	[tilespmem:s7+$0xFFFFFEA0] =	vst v1;
	v1 =	vmul.f32 $8.000000000e+00, v4;
	v4 =	vld [tilespmem:s11+$0x220]  }
0x4c0: {  	[tilespmem:s7+$0xFFFFFF20] =	vst v0;
	v0 =	vmul.f32 $8.000000000e+00, v5;
	v5 =	vld [tilespmem:s11+$0x2A0]  }
0x4c1: {  	[tilespmem:s7+$0xFFFFFFA0] =	vst v1;
	v1 =	vmul.f32 $8.000000000e+00, v3;
	v3 =	vld [tilespmem:s11+$0x320]  }
0x4c2: {  	v7 =	vld [tilespmem:s11+$0xFFFFFC30];
	[tilespmem:s7+$0x20] =	vst v0;
	v0 =	vmul.f32 $8.000000000e+00, v6  }
0x4c3: {  	v6 =	vld [tilespmem:s11+$0xFFFFFCB0];
	[tilespmem:s7+$0xA0] =	vst v1;
	v1 =	vmul.f32 $8.000000000e+00, v2  }
0x4c4: {  	v2 =	vld [tilespmem:s11+$0xFFFFFD30];
	[tilespmem:s7+$0x120] =	vst v0;
	v0 =	vmul.f32 $8.000000000e+00, v4  }
0x4c5: {  	v4 =	vld [tilespmem:s11+$0xFFFFFDB0];
	[tilespmem:s7+$0x1A0] =	vst v1;
	v1 =	vmul.f32 $8.000000000e+00, v5  }
0x4c6: {  	v5 =	vld [tilespmem:s11+$0xFFFFFE30];
	[tilespmem:s7+$0x220] =	vst v0;
	v0 =	vmul.f32 $8.000000000e+00, v3  }
0x4c7: {  	v3 =	vmul.f32 $8.000000000e+00, v7;
	v7 =	vld [tilespmem:s11+$0xFFFFFEB0];
	[tilespmem:s7+$0x2A0] =	vst v1  }
0x4c8: {  	v1 =	vmul.f32 $8.000000000e+00, v6;
	v6 =	vld [tilespmem:s11+$0xFFFFFF30];
	[tilespmem:s7+$0x320] =	vst v0  }
0x4c9: {  	[tilespmem:s7+$0xFFFFFC30] =	vst v3;
	v0 =	vmul.f32 $8.000000000e+00, v2;
	v2 =	vld [tilespmem:s11+$0xFFFFFFB0]  }
0x4ca: {  	[tilespmem:s7+$0xFFFFFCB0] =	vst v1;
	v1 =	vmul.f32 $8.000000000e+00, v4;
	v4 =	vld [tilespmem:s11+$0x30]  }
0x4cb: {  	[tilespmem:s7+$0xFFFFFD30] =	vst v0;
	v3 =	vmul.f32 $8.000000000e+00, v5;
	v5 =	vld [tilespmem:s11+$0xB0]  }
0x4cc: {  	v0 =	vld [tilespmem:s11+$0x130];
	[tilespmem:s7+$0xFFFFFDB0] =	vst v1;
	v7 =	vmul.f32 $8.000000000e+00, v7  }
0x4cd: {  	v1 =	vld [tilespmem:s11+$0x1B0];
	[tilespmem:s7+$0xFFFFFE30] =	vst v3;
	v3 =	vmul.f32 $8.000000000e+00, v6  }
0x4ce: {  	[tilespmem:s7+$0xFFFFFEB0] =	vst v7;
	v7 =	vmul.f32 $8.000000000e+00, v2;
	v2 =	vld [tilespmem:s11+$0x230]  }
0x4cf: {  	[tilespmem:s7+$0xFFFFFF30] =	vst v3;
	v3 =	vld [tilespmem:s11+$0x2B0];
	v6 =	vmul.f32 $8.000000000e+00, v4  }
0x4d0: {  	s10 =	simm.s32 $0x0;
	v4 =	vld [tilespmem:s11+$0x330];
	s11 =	simm.s32 $0x7300;
	[tilespmem:s7+$0xFFFFFFB0] =	vst v7;
	v5 =	vmul.f32 $8.000000000e+00, v5  }
.LBB2_32:
0x4d1: {  	v7 =	vld [tilespmem:s11+$0x380];
	s10 =	sadd.s32 $0x10, s10;
	[tilespmem:s7+$0x30] =	vst v6;
	v0 =	vmul.f32 $8.000000000e+00, v0  }
0x4d2: {  	v6 =	vld [tilespmem:s11+$0xFFFFFC80];
	p0 =	slt.u32 s10, $0xB0;
	[tilespmem:s7+$0xB0] =	vst v5;
	v1 =	vmul.f32 $8.000000000e+00, v1  }
0x4d3: {  	v5 =	vld [tilespmem:s11+$0xFFFFFD00];
	[tilespmem:s7+$0x130] =	vst v0;
	v0 =	vmul.f32 $8.000000000e+00, v2  }
0x4d4: {  	v2 =	vld [tilespmem:s11+$0xFFFFFD80];
	[tilespmem:s7+$0x1B0] =	vst v1;
	v1 =	vmul.f32 $8.000000000e+00, v3  }
0x4d5: {  	v3 =	vld [tilespmem:s11+$0xFFFFFE00];
	[tilespmem:s7+$0x230] =	vst v0;
	v0 =	vmul.f32 $8.000000000e+00, v4  }
0x4d6: {  	v4 =	vld [tilespmem:s11+$0xFFFFFE80];
	v7 =	vmul.f32 $8.000000000e+00, v7;
	[tilespmem:s7+$0x2B0] =	vst v1  }
0x4d7: {  	v1 =	vmul.f32 $8.000000000e+00, v6;
	v6 =	vld [tilespmem:s11+$0xFFFFFF00];
	[tilespmem:s7+$0x330] =	vst v0;
	s7 =	sadd.s32 $0x800, s7  }
0x4d8: {  	v0 =	vmul.f32 $8.000000000e+00, v5;
	v5 =	vld [tilespmem:s11+$0xFFFFFF80];
	[tilespmem:s7+$0x380] =	vst v7  }
0x4d9: {  	[tilespmem:s7+$0xFFFFFC80] =	vst v1;
	v1 =	vmul.f32 $8.000000000e+00, v2;
	v2 =	vld [tilespmem:s11+$0x390]  }
0x4da: {  	[tilespmem:s7+$0xFFFFFD00] =	vst v0;
	v0 =	vmul.f32 $8.000000000e+00, v3;
	v3 =	vld [tilespmem:s11+$0x0]  }
0x4db: {  	[tilespmem:s7+$0xFFFFFD80] =	vst v1;
	v1 =	vmul.f32 $8.000000000e+00, v4;
	v4 =	vld [tilespmem:s11+$0x80]  }
0x4dc: {  	[tilespmem:s7+$0xFFFFFE00] =	vst v0;
	v0 =	vmul.f32 $8.000000000e+00, v6;
	v6 =	vld [tilespmem:s11+$0x100]  }
0x4dd: {  	[tilespmem:s7+$0xFFFFFE80] =	vst v1;
	v1 =	vmul.f32 $8.000000000e+00, v5;
	v5 =	vld [tilespmem:s11+$0x180]  }
0x4de: {  	[tilespmem:s7+$0xFFFFFF00] =	vst v0;
	v0 =	vld [tilespmem:s11+$0x200];
	v2 =	vmul.f32 $8.000000000e+00, v2  }
0x4df: {  	[tilespmem:s7+$0xFFFFFF80] =	vst v1;
	v1 =	vmul.f32 $8.000000000e+00, v3;
	v3 =	vld [tilespmem:s11+$0x280]  }
0x4e0: {  	v4 =	vmul.f32 $8.000000000e+00, v4;
	v7 =	vld [tilespmem:s11+$0x300];
	[tilespmem:s7+$0x390] =	vst v2  }
0x4e1: {  	[tilespmem:s7+$0x0] =	vst v1;
	v1 =	vmul.f32 $8.000000000e+00, v6;
	v2 =	vld [tilespmem:s11+$0x3A0]  }
0x4e2: {  	v6 =	vld [tilespmem:s11+$0xFFFFFC00];
	[tilespmem:s7+$0x80] =	vst v4;
	v4 =	vmul.f32 $8.000000000e+00, v5  }
0x4e3: {  	v5 =	vld [tilespmem:s11+$0xFFFFFC90];
	[tilespmem:s7+$0x100] =	vst v1;
	v0 =	vmul.f32 $8.000000000e+00, v0  }
0x4e4: {  	v1 =	vld [tilespmem:s11+$0xFFFFFD10];
	[tilespmem:s7+$0x180] =	vst v4;
	v3 =	vmul.f32 $8.000000000e+00, v3  }
0x4e5: {  	v4 =	vld [tilespmem:s11+$0xFFFFFD90];
	[tilespmem:s7+$0x200] =	vst v0;
	v0 =	vmul.f32 $8.000000000e+00, v7  }
0x4e6: {  	v7 =	vld [tilespmem:s11+$0xFFFFFE10];
	[tilespmem:s7+$0x280] =	vst v3;
	v2 =	vmul.f32 $8.000000000e+00, v2  }
0x4e7: {  	v3 =	vmul.f32 $8.000000000e+00, v6;
	v6 =	vld [tilespmem:s11+$0xFFFFFE90];
	[tilespmem:s7+$0x300] =	vst v0  }
0x4e8: {  	v0 =	vmul.f32 $8.000000000e+00, v5;
	v5 =	vld [tilespmem:s11+$0xFFFFFF10];
	[tilespmem:s7+$0x3A0] =	vst v2  }
0x4e9: {  	[tilespmem:s7+$0xFFFFFC00] =	vst v3;
	v1 =	vmul.f32 $8.000000000e+00, v1;
	v2 =	vld [tilespmem:s11+$0x3B0]  }
0x4ea: {  	v3 =	vld [tilespmem:s11+$0xFFFFFC10];
	[tilespmem:s7+$0xFFFFFC90] =	vst v0;
	v0 =	vmul.f32 $8.000000000e+00, v4  }
0x4eb: {  	[tilespmem:s7+$0xFFFFFD10] =	vst v1;
	v1 =	vmul.f32 $8.000000000e+00, v7;
	v4 =	vld [tilespmem:s11+$0xFFFFFF90]  }
0x4ec: {  	[tilespmem:s7+$0xFFFFFD90] =	vst v0;
	v0 =	vmul.f32 $8.000000000e+00, v6;
	v6 =	vld [tilespmem:s11+$0x10]  }
0x4ed: {  	[tilespmem:s7+$0xFFFFFE10] =	vst v1;
	v1 =	vmul.f32 $8.000000000e+00, v5;
	v5 =	vld [tilespmem:s11+$0x90]  }
0x4ee: {  	[tilespmem:s7+$0xFFFFFE90] =	vst v0;
	v0 =	vld [tilespmem:s11+$0x110];
	v2 =	vmul.f32 $8.000000000e+00, v2  }
0x4ef: {  	v3 =	vmul.f32 $8.000000000e+00, v3;
	[tilespmem:s7+$0xFFFFFF10] =	vst v1;
	v1 =	vld [tilespmem:s11+$0x190]  }
0x4f0: {  	s12 =	simm.s32 $0x0;
	v4 =	vmul.f32 $8.000000000e+00, v4;
	v7 =	vld [tilespmem:s11+$0x210];
	[tilespmem:s7+$0x3B0] =	vst v2  }
0x4f1: {  	[tilespmem:s7+$0xFFFFFC10] =	vst v3;
	v2 =	vmul.f32 $8.000000000e+00, v6;
	v3 =	vld [tilespmem:s11+$0x290]  }
0x4f2: {  	[tilespmem:s7+$0xFFFFFF90] =	vst v4;
	v4 =	vmul.f32 $8.000000000e+00, v5;
	v5 =	vld [tilespmem:s11+$0x310]  }
0x4f3: {  	v6 =	vld [tilespmem:s11+$0xFFFFFC20];
	[tilespmem:s7+$0x10] =	vst v2;
	v0 =	vmul.f32 $8.000000000e+00, v0  }
0x4f4: {  	v2 =	vld [tilespmem:s11+$0xFFFFFCA0];
	[tilespmem:s7+$0x90] =	vst v4;
	v1 =	vmul.f32 $8.000000000e+00, v1  }
0x4f5: {  	v4 =	vld [tilespmem:s11+$0xFFFFFD20];
	[tilespmem:s7+$0x110] =	vst v0;
	v0 =	vmul.f32 $8.000000000e+00, v7  }
0x4f6: {  	v7 =	vld [tilespmem:s11+$0xFFFFFDA0];
	[tilespmem:s7+$0x190] =	vst v1;
	v1 =	vmul.f32 $8.000000000e+00, v3  }
0x4f7: {  	v3 =	vld [tilespmem:s11+$0xFFFFFE20];
	[tilespmem:s7+$0x210] =	vst v0;
	v0 =	vmul.f32 $8.000000000e+00, v5  }
0x4f8: {  	v5 =	vmul.f32 $8.000000000e+00, v6;
	v6 =	vld [tilespmem:s11+$0xFFFFFEA0];
	[tilespmem:s7+$0x290] =	vst v1  }
0x4f9: {  	v1 =	vmul.f32 $8.000000000e+00, v2;
	v2 =	vld [tilespmem:s11+$0xFFFFFF20];
	[tilespmem:s7+$0x310] =	vst v0  }
0x4fa: {  	[tilespmem:s7+$0xFFFFFC20] =	vst v5;
	v0 =	vmul.f32 $8.000000000e+00, v4;
	v4 =	vld [tilespmem:s11+$0xFFFFFFA0]  }
0x4fb: {  	[tilespmem:s7+$0xFFFFFCA0] =	vst v1;
	v1 =	vmul.f32 $8.000000000e+00, v7;
	v5 =	vld [tilespmem:s11+$0x20]  }
0x4fc: {  	[tilespmem:s7+$0xFFFFFD20] =	vst v0;
	v0 =	vmul.f32 $8.000000000e+00, v3;
	v3 =	vld [tilespmem:s11+$0xA0]  }
0x4fd: {  	[tilespmem:s7+$0xFFFFFDA0] =	vst v1;
	v1 =	vmul.f32 $8.000000000e+00, v6;
	v6 =	vld [tilespmem:s11+$0x120]  }
0x4fe: {  	[tilespmem:s7+$0xFFFFFE20] =	vst v0;
	v0 =	vmul.f32 $8.000000000e+00, v2;
	v2 =	vld [tilespmem:s11+$0x1A0]  }
0x4ff: {  	[tilespmem:s7+$0xFFFFFEA0] =	vst v1;
	v1 =	vmul.f32 $8.000000000e+00, v4;
	v4 =	vld [tilespmem:s11+$0x220]  }
0x500: {  	[tilespmem:s7+$0xFFFFFF20] =	vst v0;
	v0 =	vmul.f32 $8.000000000e+00, v5;
	v5 =	vld [tilespmem:s11+$0x2A0]  }
0x501: {  	[tilespmem:s7+$0xFFFFFFA0] =	vst v1;
	v1 =	vmul.f32 $8.000000000e+00, v3;
	v3 =	vld [tilespmem:s11+$0x320]  }
0x502: {  	v7 =	vld [tilespmem:s11+$0xFFFFFC30];
	[tilespmem:s7+$0x20] =	vst v0;
	v0 =	vmul.f32 $8.000000000e+00, v6  }
0x503: {  	v6 =	vld [tilespmem:s11+$0xFFFFFCB0];
	[tilespmem:s7+$0xA0] =	vst v1;
	v1 =	vmul.f32 $8.000000000e+00, v2  }
0x504: {  	v2 =	vld [tilespmem:s11+$0xFFFFFD30];
	[tilespmem:s7+$0x120] =	vst v0;
	v0 =	vmul.f32 $8.000000000e+00, v4  }
0x505: {  	v4 =	vld [tilespmem:s11+$0xFFFFFDB0];
	[tilespmem:s7+$0x1A0] =	vst v1;
	v1 =	vmul.f32 $8.000000000e+00, v5  }
0x506: {  	v5 =	vld [tilespmem:s11+$0xFFFFFE30];
	[tilespmem:s7+$0x220] =	vst v0;
	v0 =	vmul.f32 $8.000000000e+00, v3  }
0x507: {  	v3 =	vmul.f32 $8.000000000e+00, v7;
	v7 =	vld [tilespmem:s11+$0xFFFFFEB0];
	[tilespmem:s7+$0x2A0] =	vst v1  }
0x508: {  	v1 =	vmul.f32 $8.000000000e+00, v6;
	v6 =	vld [tilespmem:s11+$0xFFFFFF30];
	[tilespmem:s7+$0x320] =	vst v0  }
0x509: {  	[tilespmem:s7+$0xFFFFFC30] =	vst v3;
	v0 =	vmul.f32 $8.000000000e+00, v2;
	v2 =	vld [tilespmem:s11+$0xFFFFFFB0]  }
0x50a: {  	[tilespmem:s7+$0xFFFFFCB0] =	vst v1;
	v1 =	vmul.f32 $8.000000000e+00, v4;
	v3 =	vld [tilespmem:s11+$0x30]  }
0x50b: {  	[tilespmem:s7+$0xFFFFFD30] =	vst v0;
	v4 =	vmul.f32 $8.000000000e+00, v5;
	v5 =	vld [tilespmem:s11+$0xB0]  }
.Ltmp15:
0x50c: {  	[tilespmem:s7+$0xFFFFFDB0] =	vst v1;
	v7 =	vmul.f32 $8.000000000e+00, v7;
	v0 =	vld [tilespmem:s11+$0x130];
	(pc) =	sbr.rel @p0 .LBB2_32-.Ltmp15, $4  }
0x50d: {  	[tilespmem:s7+$0xFFFFFE30] =	vst v4;
	v4 =	vmul.f32 $8.000000000e+00, v6;
	v1 =	vld [tilespmem:s11+$0x1B0]  }
0x50e: {  	[tilespmem:s7+$0xFFFFFEB0] =	vst v7;
	v7 =	vmul.f32 $8.000000000e+00, v2;
	v2 =	vld [tilespmem:s11+$0x230]  }
0x50f: {  	[tilespmem:s7+$0xFFFFFF30] =	vst v4;
	v6 =	vmul.f32 $8.000000000e+00, v3;
	v3 =	vld [tilespmem:s11+$0x2B0]  }
0x510: {  	[tilespmem:s7+$0xFFFFFFB0] =	vst v7;
	v5 =	vmul.f32 $8.000000000e+00, v5;
	v4 =	vld [tilespmem:s11+$0x330];
	s11 =	sadd.s32 $0x800, s11  }
0x511: {  	[tilespmem:s7+$0x30] =	vst v6;
	v0 =	vmul.f32 $8.000000000e+00, v0  }
0x512: {  	[tilespmem:s7+$0xB0] =	vst v5;
	v1 =	vmul.f32 $8.000000000e+00, v1  }
0x513: {  	[tilespmem:s7+$0x130] =	vst v0;
	v61 =	vmul.f32 $8.000000000e+00, v2  }
0x514: {  	[tilespmem:s7+$0x1B0] =	vst v1;
	v62 =	vmul.f32 $8.000000000e+00, v3  }
0x515: {  	[tilespmem:s7+$0x230] =	vst v61;
	v63 =	vmul.f32 $8.000000000e+00, v4  }
0x516: {  	[tilespmem:s7+$0x2B0] =	vst v62  }
0x517: {  	[tilespmem:s7+$0x330] =	vst v63  }
.LBB2_34:
0x518: {  	s7 =	sshra.s32 s12, $0x2  }
0x519: {  	v0 =	vld [tilespmem:s7+$0xC700]  }
0x51a: {  	v1 =	vld [tilespmem:s7+$0xC710]  }
0x51b: {  	v2 =	vld [tilespmem:s7+$0xC720]  }
0x51c: {  	v3 =	vld [tilespmem:s7+$0xC730];
	_ =	sdelay $0x1  }
0x51d: {  	p0 =	sne.s32 s12, $0xE00;
	v0 =	vmul.f32 $8.000000000e+00, v0  }
.Ltmp16:
0x51e: {  	v1 =	vmul.f32 $8.000000000e+00, v1;
	(pc) =	sbr.rel @p0 .LBB2_34-.Ltmp16, $4  }
0x51f: {  	v62 =	vmul.f32 $8.000000000e+00, v2;
	[tilespmem:s7+$0x1F300] =	vst v0  }
0x520: {  	v63 =	vmul.f32 $8.000000000e+00, v3;
	[tilespmem:s7+$0x1F310] =	vst v1  }
0x521: {  	[tilespmem:s7+$0x1F320] =	vst v62  }
0x522: {  	s12 =	sadd.s32 $0x200, s12;
	[tilespmem:s7+$0x1F330] =	vst v63  }
0x523: {  	s7 =	rddreg [dreg:$0xe]  }
0x524: {  	[hbm4b:s7+s3] =	stream.linear.scatter [tilespmem:s8], [sflag:$0x8], $0x6400, $0x38;
	[tilespmem:$0x1F700] =	vst v63  }
0x525: {  	_ =	swait.ge [sflag:s18], $0x6400  }
0x526: {  	[sflag:s18] =	ssyncset.done $0x0  }
0x527: {  	[sflag:s18] =	ssyncadd.s32 $0xFFFF9C00  }
0x528: {  	_ =	swait.ge [sflag:s19], $0x6400  }
0x529: {  	s10 =	rddreg [dreg:$0x10]  }
0x52a: {  	s20 =	rddreg [dreg:$0xf];
	s10 =	sadd.s32 $0x1, s10  }
0x52b: {  	p0 =	sne.s32 s10, s20  }
.Ltmp17:
0x52c: {  	_ = 	snop;
	(pc) =	sbr.rel @p0 .LBB2_1-.Ltmp17, $3  }
0x52d: {  	_ =	sdelay $0x1  }
0x52e: {  	[sflag:s19] =	ssyncset.done $0x0  }
0x52f: {  	[sflag:s19] =	ssyncadd.s32 $0xFFFF9C00  }
0x530: {  	_ =	sfence.sel $0x180000  }
0x531: {  	[bflag:$0x0] =	sbarrier.arrive $0xFFFF  }
0x532: {  	_ =	strace $0x90000047  }
0x533: {  	s0 =	stileid.u32;
	[bflag:$0x2] =	sbarrier.arrive $0xFFFF  }
0x534: {  	p0 =	sne.s32 s0, $0x0;
	s0 =	rddreg [dreg:$0x2]  }
0x535: {  	s0 =	sadd.s32 @!p0 $0x100000, s0  }
0x536: {  	[sflag:s0] =	ssyncadd.tile.s32 @!p0 $0x1;
	_ =	shalt  }
.Lfunc_end2:
_tile_overlayer_lowered:
.L_overlay_start_2:
0x537: {  	(tag) =	ssettag $0x2  }
0x538: {  	s0 =	rddreg [dreg:$0x0];
	s2 =	stileid.u32  }
0x539: {  	s1 =	rddreg [dreg:$0x1];
	p0 =	sne.s32 s2, $0x0  }
0x53a: {  	s3 =	rddreg [dreg:$0x2];
	[bflag:$0x3] =	sbarrier.arrive $0xFFFF;
	s2 =	simm.s32 @!p0 $0x1C09  }
0x53b: {  	[timem:s3], [sflag:s2] =	dma.local @!p0 [hbm:s0], s1  }
0x53c: {  	s0 =	simm.s32 @!p0 $0x9  }
0x53d: {  	_ =	swait.ge @!p0 [sflag:s0], s1  }
0x53e: {  	s1 =	ssub.s32 @!p0 $0x0, s1;
	[sflag:s0] =	ssyncset.done @!p0 $0x0  }
0x53f: {  	[sflag:s0] =	ssyncadd.s32 @!p0 s1  }
0x540: {  	[bflag:$0x3] =	sbarrier.arrive $0xFFFF  }
0x541: {  	_ =	shalt  }

</sc_bundles>
